<compile_context>
chip_gen: v7x
topology: tpu7x:2x2x1
jax: 0.10.2.dev20260603
libtpu: 0.0.44.dev20260713+nightly
codegen_flags: <defaults>
</compile_context>

<pallas_src>
import functools

import jax
import jax.numpy as jnp
from jax import lax
from jax.experimental import pallas as pl
from jax.experimental.pallas import tpu as pltpu
from jax.experimental.pallas import tpu_sc as plsc

NC, NS, L = 2, 16, 16
NW = NC * NS
D = 128
CHUNK = 128
N_PAD = 10240
BM = 512


def _make_deg_kernel(e_pad):
    per_w = e_pad // NW
    nch = per_w // CHUNK
    mesh = plsc.VectorSubcoreMesh(core_axis_name="c", subcore_axis_name="s")

    @functools.partial(
        pl.kernel,
        mesh=mesh,
        out_type=jax.ShapeDtypeStruct((NW, N_PAD), jnp.float32),
        compiler_params=pltpu.CompilerParams(needs_layout_passes=False),
        scratch_types=[
            pltpu.VMEM((nch, CHUNK), jnp.int32),
            pltpu.VMEM((N_PAD,), jnp.float32),
        ],
    )
    def deg_kernel(dst_hbm, out_hbm, idx_v, hist_v):
        c = lax.axis_index("c")
        s = lax.axis_index("s")
        wid = c * NS + s

        zeros16 = jnp.zeros((L,), jnp.float32)
        ones16 = jnp.ones((L,), jnp.float32)

        pltpu.sync_copy(dst_hbm.at[wid], idx_v)

        def zero_body(i, _):
            hist_v[pl.ds(pl.multiple_of(i * L, L), L)] = zeros16
            return 0

        lax.fori_loop(0, N_PAD // L, zero_body, 0)

        def chunk_body(j, _):
            for k in range(CHUNK // L):
                didx = idx_v[j, pl.ds(k * L, L)]
                plsc.addupdate_scatter(hist_v, [didx], ones16)
            return 0

        lax.fori_loop(0, nch, chunk_body, 0)
        pltpu.sync_copy(hist_v, out_hbm.at[wid])

    return deg_kernel


def _make_edge_kernel(e_pad):
    per_w = e_pad // NW
    nch = per_w // CHUNK
    ib = 16
    assert nch % ib == 0
    nblk = nch // ib
    zr = 16
    assert (N_PAD // NS) % zr == 0
    mesh = plsc.VectorSubcoreMesh(core_axis_name="c", subcore_axis_name="s")

    @functools.partial(
        pl.kernel,
        mesh=mesh,
        out_type=jax.ShapeDtypeStruct((NC, N_PAD, D), jnp.float32),
        compiler_params=pltpu.CompilerParams(needs_layout_passes=False),
        scratch_types=[
            pltpu.VMEM((2, ib, CHUNK), jnp.int32),
            pltpu.VMEM((2, ib, CHUNK), jnp.int32),
            pltpu.VMEM((4, CHUNK // 2, D), jnp.float32),
            pltpu.VMEM((zr, D), jnp.float32),
            pltpu.VMEM_SHARED((N_PAD, D), jnp.float32),
            pltpu.SemaphoreType.DMA,
            pltpu.SemaphoreType.DMA,
            pltpu.SemaphoreType.DMA,
            pltpu.SemaphoreType.DMA,
            pltpu.SemaphoreType.DMA,
        ],
    )
    def edge_kernel(src_hbm, dst_hbm, g_hbm, out_hbm,
                    sidx, didx, rows, zrow, acc,
                    sem0, sem1, sem2, sem3, isem):
        sems = (sem0, sem1, sem2, sem3)
        c = lax.axis_index("c")
        s = lax.axis_index("s")
        wid = c * NS + s

        pltpu.sync_copy(src_hbm.at[wid, 0], sidx.at[0])
        pltpu.sync_copy(dst_hbm.at[wid, 0], didx.at[0])

        zeros16 = jnp.zeros((L,), jnp.float32)

        def zrow_body(r, _):
            for k in range(D // L):
                zrow[r, pl.ds(k * L, L)] = zeros16
            return 0

        lax.fori_loop(0, zr, zrow_body, 0)

        rows_per_tile = N_PAD // NS

        def zcopy_body(i, _):
            off = pl.multiple_of(s * rows_per_tile + i * zr, zr)
            pltpu.sync_copy(zrow, acc.at[pl.ds(off, zr)])
            return 0

        lax.fori_loop(0, rows_per_tile // zr, zcopy_body, 0)
        plsc.subcore_barrier()

        def blk_body(n, _):
            bb = lax.rem(n, 2)

            @pl.when(n + 1 < nblk)
            def _():
                pltpu.async_copy(src_hbm.at[wid, n + 1], sidx.at[1 - bb],
                                 isem)
                pltpu.async_copy(dst_hbm.at[wid, n + 1], didx.at[1 - bb],
                                 isem)

            H = CHUNK // 2
            nsub = 2 * ib

            def gidx(bb2, j4, b):
                cj = j4 * 2 + b // 2
                off = (b % 2) * H
                return (bb2, cj, pl.ds(off, H))

            for p in range(3):
                pltpu.async_copy(g_hbm.at[sidx.at[gidx(bb, 0, p)]],
                                 rows.at[p], sems[p])

            def quad_body(j4, _):
                for b in range(4):
                    j = j4 * 4 + b
                    nb = (b + 3) % 4

                    pltpu.make_async_copy(
                        g_hbm.at[sidx.at[gidx(bb, j4, b)]],
                        rows.at[b], sems[b]).wait()

                    @pl.when(j + 3 < nsub)
                    def _():
                        pltpu.async_copy(
                            g_hbm.at[sidx.at[gidx(bb, j4, b + 3)]],
                            rows.at[nb], sems[nb])

                    pltpu.sync_copy(rows.at[b],
                                    acc.at[didx.at[gidx(bb, j4, b)]],
                                    add=True)
                return 0

            lax.fori_loop(0, nsub // 4, quad_body, 0)

            @pl.when(n + 1 < nblk)
            def _():
                pltpu.make_async_copy(src_hbm.at[wid, n + 1],
                                      sidx.at[1 - bb], isem).wait()
                pltpu.make_async_copy(dst_hbm.at[wid, n + 1],
                                      didx.at[1 - bb], isem).wait()
            return 0

        lax.fori_loop(0, nblk, blk_body, 0)
        plsc.subcore_barrier()

        out_off = pl.multiple_of(s * rows_per_tile, rows_per_tile)
        pltpu.sync_copy(acc.at[pl.ds(out_off, rows_per_tile)],
                        out_hbm.at[c, pl.ds(out_off, rows_per_tile)])

    return edge_kernel


def _mm_body(x_ref, w_ref, h_ref):
    h_ref[...] = jnp.dot(x_ref[...], w_ref[...],
                         preferred_element_type=jnp.float32)


def _mm(x, w):
    grid = (N_PAD // BM,)
    return pl.pallas_call(
        _mm_body,
        grid=grid,
        in_specs=[
            pl.BlockSpec((BM, D), lambda i: (i, 0)),
            pl.BlockSpec((D, D), lambda i: (0, 0)),
        ],
        out_specs=pl.BlockSpec((BM, D), lambda i: (i, 0)),
        out_shape=jax.ShapeDtypeStruct((N_PAD, D), jnp.float32),
    )(x, w)


def _scale_body(deg_ref, h_ref, g_ref, dinv_ref):
    deg = jnp.sum(deg_ref[...], axis=0) + 1.0
    dinv = lax.rsqrt(deg)
    g_ref[...] = h_ref[...] * dinv[:, None]
    dinv_ref[...] = dinv


def _scale(deg_parts, h):
    grid = (N_PAD // BM,)
    return pl.pallas_call(
        _scale_body,
        grid=grid,
        in_specs=[
            pl.BlockSpec((NW, BM), lambda i: (0, i)),
            pl.BlockSpec((BM, D), lambda i: (i, 0)),
        ],
        out_specs=[
            pl.BlockSpec((BM, D), lambda i: (i, 0)),
            pl.BlockSpec((BM,), lambda i: (i,)),
        ],
        out_shape=[
            jax.ShapeDtypeStruct((N_PAD, D), jnp.float32),
            jax.ShapeDtypeStruct((N_PAD,), jnp.float32),
        ],
    )(deg_parts, h)


def _mid_body(n, a0_ref, a1_ref, g_ref, dinv_ref, b_ref, w_ref, g2_ref):
    dinv = dinv_ref[...]
    acc = a0_ref[...] + a1_ref[...] + g_ref[...]
    h = jnp.maximum(acc * dinv[:, None] + b_ref[...], 0.0)
    g2 = jnp.dot(h, w_ref[...],
                 preferred_element_type=jnp.float32) * dinv[:, None]
    row = (pl.program_id(0) * BM
           + lax.broadcasted_iota(jnp.int32, (BM, D), 0))
    g2_ref[...] = jnp.where(row < n, g2, 0.0)


def _mid(a0, a1, g, dinv, b, w, n):
    grid = (N_PAD // BM,)
    return pl.pallas_call(
        functools.partial(_mid_body, n),
        grid=grid,
        in_specs=[
            pl.BlockSpec((BM, D), lambda i: (i, 0)),
            pl.BlockSpec((BM, D), lambda i: (i, 0)),
            pl.BlockSpec((BM, D), lambda i: (i, 0)),
            pl.BlockSpec((BM,), lambda i: (i,)),
            pl.BlockSpec((1, D), lambda i: (0, 0)),
            pl.BlockSpec((D, D), lambda i: (0, 0)),
        ],
        out_specs=pl.BlockSpec((BM, D), lambda i: (i, 0)),
        out_shape=jax.ShapeDtypeStruct((N_PAD, D), jnp.float32),
    )(a0, a1, g, dinv, b, w)


def _final_body(a0_ref, a1_ref, g_ref, dinv_ref, b_ref, out_ref):
    dinv = dinv_ref[...]
    acc = a0_ref[...] + a1_ref[...] + g_ref[...]
    out_ref[...] = acc * dinv[:, None] + b_ref[...]


def _final(a0, a1, g, dinv, b):
    grid = (N_PAD // BM,)
    return pl.pallas_call(
        _final_body,
        grid=grid,
        in_specs=[
            pl.BlockSpec((BM, D), lambda i: (i, 0)),
            pl.BlockSpec((BM, D), lambda i: (i, 0)),
            pl.BlockSpec((BM, D), lambda i: (i, 0)),
            pl.BlockSpec((BM,), lambda i: (i,)),
            pl.BlockSpec((1, D), lambda i: (0, 0)),
        ],
        out_specs=pl.BlockSpec((BM, D), lambda i: (i, 0)),
        out_shape=jax.ShapeDtypeStruct((N_PAD, D), jnp.float32),
    )(a0, a1, g, dinv, b)


@jax.jit
def kernel(x, edge_index, W1, b1, W2, b2):
    n, _ = x.shape
    e = edge_index.shape[1]

    blk_edges = 16 * CHUNK
    per_w = ((e + NW * blk_edges - 1) // (NW * blk_edges)) * blk_edges
    e_pad = per_w * NW
    src = edge_index[0].astype(jnp.int32)
    dst = edge_index[1].astype(jnp.int32)
    pad = jnp.full((e_pad - e,), n, jnp.int32)
    nch = per_w // CHUNK
    src = jnp.concatenate([src, pad]).reshape(NW, nch, CHUNK)
    dst = jnp.concatenate([dst, pad]).reshape(NW, nch, CHUNK)
    src_e = src.reshape(NW, nch // 16, 16, CHUNK)
    dst_e = dst.reshape(NW, nch // 16, 16, CHUNK)

    x_pad = jnp.pad(x, ((0, N_PAD - n), (0, 0)))
    b1r = b1.reshape(1, D)
    b2r = b2.reshape(1, D)

    deg_parts = _make_deg_kernel(e_pad)(dst)

    edge_kernel = _make_edge_kernel(e_pad)

    h1 = _mm(x_pad, W1)
    g1, dinv = _scale(deg_parts, h1)
    acc1 = edge_kernel(src_e, dst_e, g1)

    g2 = _mid(acc1[0], acc1[1], g1, dinv, b1r, W2, n)
    acc2 = edge_kernel(src_e, dst_e, g2)

    out = _final(acc2[0], acc2[1], g2, dinv, b2r)
    return out[:n]

# --- scband reference (transcript-rebuilt; emitter-appended) ---
"""Pipeline reference for scband-model-44547400794240 (READ-ONLY COPY).

The authoritative reference and input builder live on the scoring server;
editing this copy changes nothing except your own understanding.
"""

import jax, jax.numpy as jnp
import numpy as np

N_NODES = 10000


def gcn_conv(x, edge_index, W, b):
    # PyG-style GCNConv: add self-loops, symmetric normalization, linear transform,
    # scatter-add aggregation over destination nodes, then bias.
    N = x.shape[0]
    src = edge_index[0]
    dst = edge_index[1]
    loop = jnp.arange(N, dtype=edge_index.dtype)
    src = jnp.concatenate([src, loop])
    dst = jnp.concatenate([dst, loop])
    h = x @ W
    deg = jnp.zeros((N,), dtype=h.dtype).at[dst].add(1.0)
    dinv = jnp.where(deg > 0, deg ** -0.5, 0.0)
    norm = dinv[src] * dinv[dst]
    msg = h[src] * norm[:, None]
    out = jnp.zeros((N, h.shape[1]), dtype=h.dtype).at[dst].add(msg)
    return out + b


def setup_inputs(seed: int = 0) -> dict:
    key = jax.random.key(seed)
    k_x, k_e, k_w1, k_b1, k_w2, k_b2 = jax.random.split(key, 6)
    in_ch, hid_ch, out_ch = 128, 128, 128
    x = jax.random.normal(k_x, (N_NODES, in_ch), dtype=jnp.float32)
    edge_index = jax.random.randint(k_e, (2, 320000), 0, N_NODES, dtype=jnp.int64)
    s1 = (1.0 / in_ch) ** 0.5
    s2 = (1.0 / hid_ch) ** 0.5
    W1 = jax.random.uniform(k_w1, (in_ch, hid_ch), jnp.float32, -s1, s1)
    b1 = jax.random.uniform(k_b1, (hid_ch,), jnp.float32, -s1, s1)
    W2 = jax.random.uniform(k_w2, (hid_ch, out_ch), jnp.float32, -s2, s2)
    b2 = jax.random.uniform(k_b2, (out_ch,), jnp.float32, -s2, s2)
    return {"x": x, "edge_index": edge_index, "W1": W1, "b1": b1, "W2": W2, "b2": b2}


def reference(x, edge_index, W1, b1, W2, b2):
    h = jax.nn.relu(gcn_conv(x, edge_index, W1, b1))
    out = gcn_conv(h, edge_index, W2, b2)
    return out

if __name__ == "__main__":
    import jax
    _d = setup_inputs()
    print(jax.jit(kernel)(*tuple(_d.values())))

</pallas_src>

<mosaic_0001>
#map = affine_map<(d0, d1) -> (0, 0, 0)>
#map1 = affine_map<(d0, d1) -> (0, 0)>
module attributes {stable_mosaic.version = 14 : i64} {
  func.func @deg_kernel(%arg0: i32, %arg1: i32, %arg2: memref<32x80x128xi32, #tpu.memory_space<hbm>>, %arg3: memref<32x10240xf32, #tpu.memory_space<hbm>>, %arg4: memref<80x128xi32, #tpu.memory_space<vmem>>, %arg5: memref<10240xf32, #tpu.memory_space<vmem>>) attributes {dimension_semantics = [#tpu.dimension_semantics<core_parallel>, #tpu.dimension_semantics<subcore_parallel>], iteration_bounds = array<i64: 2, 16>, scalar_prefetch = 0 : i64, scratch_operands = 2 : i64, tpu.core_type = #tpu.core_type<sc_vector_subcore>, window_params = [{transform_indices = #map}, {transform_indices = #map1}]} {
    %mul3A = arith.constant 16 : i32
    %mul3A_0 = arith.muli %arg0, %mul3A : i32
    %add3A = arith.addi %mul3A_0, %arg1 : i32
    %broadcast_in_dim3A = arith.constant 0.000000e+00 : f32
    %broadcast_in_dim3A_1 = vector.broadcast %broadcast_in_dim3A : f32 to vector<16xf32>
    %broadcast_in_dim3A_2 = arith.constant 1.000000e+00 : f32
    %broadcast_in_dim3A_3 = vector.broadcast %broadcast_in_dim3A_2 : f32 to vector<16xf32>
    "tpu.region"() ({
      %run_scoped3A = tpu.sem_alloc : memref<!tpu.dma_semaphore, #tpu.memory_space<semaphore_mem>>
      %dma_start3A = arith.constant 0 : i32
      %dma_start3A_17 = arith.constant 0 : i32
      %dma_start3A_18 = tpu.memref_slice %arg2[%add3A, %dma_start3A, %dma_start3A_17] : memref<32x80x128xi32, #tpu.memory_space<hbm>> -> memref<1x80x128xi32, #tpu.memory_space<hbm>>
      %dma_start3A_19 = tpu.memref_squeeze %dma_start3A_18 : memref<1x80x128xi32, #tpu.memory_space<hbm>> -> memref<80x128xi32, #tpu.memory_space<hbm>>
      %dma_start3A_20 = arith.constant 0 : i32
      %dma_start3A_21 = arith.constant 0 : i32
      %dma_start3A_22 = tpu.memref_slice %arg2[%add3A, %dma_start3A_20, %dma_start3A_21] : memref<32x80x128xi32, #tpu.memory_space<hbm>> -> memref<1x80x128xi32, #tpu.memory_space<hbm>>
      %dma_start3A_23 = tpu.memref_squeeze %dma_start3A_22 : memref<1x80x128xi32, #tpu.memory_space<hbm>> -> memref<80x128xi32, #tpu.memory_space<hbm>>
      tpu.enqueue_dma source(%dma_start3A_23 : memref<80x128xi32, #tpu.memory_space<hbm>>) target(%arg4 : memref<80x128xi32, #tpu.memory_space<vmem>>) target_semaphore(%run_scoped3A : memref<!tpu.dma_semaphore, #tpu.memory_space<semaphore_mem>>)
      %dma_wait3A = arith.constant 0 : i32
      %dma_wait3A_24 = arith.constant 0 : i32
      %dma_wait3A_25 = tpu.memref_slice %arg2[%add3A, %dma_wait3A, %dma_wait3A_24] : memref<32x80x128xi32, #tpu.memory_space<hbm>> -> memref<1x80x128xi32, #tpu.memory_space<hbm>>
      %dma_wait3A_26 = tpu.memref_squeeze %dma_wait3A_25 : memref<1x80x128xi32, #tpu.memory_space<hbm>> -> memref<80x128xi32, #tpu.memory_space<hbm>>
      %dma_wait3A_27 = arith.constant 0 : i32
      %dma_wait3A_28 = arith.constant 0 : i32
      %dma_wait3A_29 = tpu.memref_slice %arg2[%add3A, %dma_wait3A_27, %dma_wait3A_28] : memref<32x80x128xi32, #tpu.memory_space<hbm>> -> memref<1x80x128xi32, #tpu.memory_space<hbm>>
      %dma_wait3A_30 = tpu.memref_squeeze %dma_wait3A_29 : memref<1x80x128xi32, #tpu.memory_space<hbm>> -> memref<80x128xi32, #tpu.memory_space<hbm>>
      tpu.wait_dma2 semaphore(%run_scoped3A : memref<!tpu.dma_semaphore, #tpu.memory_space<semaphore_mem>>) src(%dma_wait3A_30 : memref<80x128xi32, #tpu.memory_space<hbm>>) dst(%arg4 : memref<80x128xi32, #tpu.memory_space<vmem>>)
      tpu.yield
    }) : () -> ()
    %scan3A = arith.constant 0 : i32
    %scan3A_4 = arith.constant 0 : i32
    %scan3A_5 = arith.constant 640 : i32
    %scan3A_6 = arith.addi %scan3A_4, %scan3A_5 : i32
    %scan3A_7 = arith.constant 1 : i32
    %scan3A_8 = scf.for %scan3A_17 = %scan3A_4 to %scan3A_6 step %scan3A_7 iter_args(%scan3A_18 = %scan3A) -> (i32)  : i32 {
      %mul3A_19 = arith.constant 16 : i32
      %mul3A_20 = arith.muli %scan3A_17, %mul3A_19 : i32
      %multiple_of3A = tpu.assume_multiple %mul3A_20, 16 : i32
      %swap3A = arith.index_cast %multiple_of3A : i32 to index
      %swap3A_21 = tpu.vector_load %arg5[%swap3A] {strides = array<i32>} : memref<10240xf32, #tpu.memory_space<vmem>>, vector<16xf32>,
      tpu.vector_store %arg5[%swap3A], %broadcast_in_dim3A_1 {strides = array<i32>} : memref<10240xf32, #tpu.memory_space<vmem>>, vector<16xf32>,
      %scan3A_22 = arith.constant 0 : i32
      scf.yield %scan3A_22 : i32
    }
    %scan3A_9 = arith.constant 640 : i32
    %scan3A_10 = arith.constant 0 : i32
    %scan3A_11 = arith.constant 0 : i32
    %scan3A_12 = arith.constant 80 : i32
    %scan3A_13 = arith.addi %scan3A_11, %scan3A_12 : i32
    %scan3A_14 = arith.constant 1 : i32
    %scan3A_15 = scf.for %scan3A_17 = %scan3A_11 to %scan3A_13 step %scan3A_14 iter_args(%scan3A_18 = %scan3A_10) -> (i32)  : i32 {
      %get3A = arith.index_cast %scan3A_17 : i32 to index
      %get3A_19 = arith.constant 0 : index
      %get3A_20 = tpu.vector_load %arg4[%get3A, %get3A_19] {strides = array<i32>} : memref<80x128xi32, #tpu.memory_space<vmem>>, vector<16xi32>,
      tpu.vector_store_idx %arg5[%get3A_20], %broadcast_in_dim3A_3 {add = true} : memref<10240xf32, #tpu.memory_space<vmem>>[vector<16xi32>], vector<16xf32>,
      %get3A_21 = arith.index_cast %scan3A_17 : i32 to index
      %get3A_22 = arith.constant 16 : index
      %get3A_23 = tpu.vector_load %arg4[%get3A_21, %get3A_22] {strides = array<i32>} : memref<80x128xi32, #tpu.memory_space<vmem>>, vector<16xi32>,
      tpu.vector_store_idx %arg5[%get3A_23], %broadcast_in_dim3A_3 {add = true} : memref<10240xf32, #tpu.memory_space<vmem>>[vector<16xi32>], vector<16xf32>,
      %get3A_24 = arith.index_cast %scan3A_17 : i32 to index
      %get3A_25 = arith.constant 32 : index
      %get3A_26 = tpu.vector_load %arg4[%get3A_24, %get3A_25] {strides = array<i32>} : memref<80x128xi32, #tpu.memory_space<vmem>>, vector<16xi32>,
      tpu.vector_store_idx %arg5[%get3A_26], %broadcast_in_dim3A_3 {add = true} : memref<10240xf32, #tpu.memory_space<vmem>>[vector<16xi32>], vector<16xf32>,
      %get3A_27 = arith.index_cast %scan3A_17 : i32 to index
      %get3A_28 = arith.constant 48 : index
      %get3A_29 = tpu.vector_load %arg4[%get3A_27, %get3A_28] {strides = array<i32>} : memref<80x128xi32, #tpu.memory_space<vmem>>, vector<16xi32>,
      tpu.vector_store_idx %arg5[%get3A_29], %broadcast_in_dim3A_3 {add = true} : memref<10240xf32, #tpu.memory_space<vmem>>[vector<16xi32>], vector<16xf32>,
      %get3A_30 = arith.index_cast %scan3A_17 : i32 to index
      %get3A_31 = arith.constant 64 : index
      %get3A_32 = tpu.vector_load %arg4[%get3A_30, %get3A_31] {strides = array<i32>} : memref<80x128xi32, #tpu.memory_space<vmem>>, vector<16xi32>,
      tpu.vector_store_idx %arg5[%get3A_32], %broadcast_in_dim3A_3 {add = true} : memref<10240xf32, #tpu.memory_space<vmem>>[vector<16xi32>], vector<16xf32>,
      %get3A_33 = arith.index_cast %scan3A_17 : i32 to index
      %get3A_34 = arith.constant 80 : index
      %get3A_35 = tpu.vector_load %arg4[%get3A_33, %get3A_34] {strides = array<i32>} : memref<80x128xi32, #tpu.memory_space<vmem>>, vector<16xi32>,
      tpu.vector_store_idx %arg5[%get3A_35], %broadcast_in_dim3A_3 {add = true} : memref<10240xf32, #tpu.memory_space<vmem>>[vector<16xi32>], vector<16xf32>,
      %get3A_36 = arith.index_cast %scan3A_17 : i32 to index
      %get3A_37 = arith.constant 96 : index
      %get3A_38 = tpu.vector_load %arg4[%get3A_36, %get3A_37] {strides = array<i32>} : memref<80x128xi32, #tpu.memory_space<vmem>>, vector<16xi32>,
      tpu.vector_store_idx %arg5[%get3A_38], %broadcast_in_dim3A_3 {add = true} : memref<10240xf32, #tpu.memory_space<vmem>>[vector<16xi32>], vector<16xf32>,
      %get3A_39 = arith.index_cast %scan3A_17 : i32 to index
      %get3A_40 = arith.constant 112 : index
      %get3A_41 = tpu.vector_load %arg4[%get3A_39, %get3A_40] {strides = array<i32>} : memref<80x128xi32, #tpu.memory_space<vmem>>, vector<16xi32>,
      tpu.vector_store_idx %arg5[%get3A_41], %broadcast_in_dim3A_3 {add = true} : memref<10240xf32, #tpu.memory_space<vmem>>[vector<16xi32>], vector<16xf32>,
      %scan3A_42 = arith.constant 0 : i32
      scf.yield %scan3A_42 : i32
    }
    %scan3A_16 = arith.constant 80 : i32
    "tpu.region"() ({
      %run_scoped3A = tpu.sem_alloc : memref<!tpu.dma_semaphore, #tpu.memory_space<semaphore_mem>>
      %dma_start3A = arith.constant 0 : i32
      %dma_start3A_17 = tpu.memref_slice %arg3[%add3A, %dma_start3A] : memref<32x10240xf32, #tpu.memory_space<hbm>> -> memref<1x10240xf32, #tpu.memory_space<hbm>>
      %dma_start3A_18 = tpu.memref_squeeze %dma_start3A_17 : memref<1x10240xf32, #tpu.memory_space<hbm>> -> memref<10240xf32, #tpu.memory_space<hbm>>
      %dma_start3A_19 = arith.constant 0 : i32
      %dma_start3A_20 = tpu.memref_slice %arg3[%add3A, %dma_start3A_19] : memref<32x10240xf32, #tpu.memory_space<hbm>> -> memref<1x10240xf32, #tpu.memory_space<hbm>>
      %dma_start3A_21 = tpu.memref_squeeze %dma_start3A_20 : memref<1x10240xf32, #tpu.memory_space<hbm>> -> memref<10240xf32, #tpu.memory_space<hbm>>
      tpu.enqueue_dma source(%arg5 : memref<10240xf32, #tpu.memory_space<vmem>>) target(%dma_start3A_21 : memref<10240xf32, #tpu.memory_space<hbm>>) target_semaphore(%run_scoped3A : memref<!tpu.dma_semaphore, #tpu.memory_space<semaphore_mem>>)
      %dma_wait3A = arith.constant 0 : i32
      %dma_wait3A_22 = tpu.memref_slice %arg3[%add3A, %dma_wait3A] : memref<32x10240xf32, #tpu.memory_space<hbm>> -> memref<1x10240xf32, #tpu.memory_space<hbm>>
      %dma_wait3A_23 = tpu.memref_squeeze %dma_wait3A_22 : memref<1x10240xf32, #tpu.memory_space<hbm>> -> memref<10240xf32, #tpu.memory_space<hbm>>
      %dma_wait3A_24 = arith.constant 0 : i32
      %dma_wait3A_25 = tpu.memref_slice %arg3[%add3A, %dma_wait3A_24] : memref<32x10240xf32, #tpu.memory_space<hbm>> -> memref<1x10240xf32, #tpu.memory_space<hbm>>
      %dma_wait3A_26 = tpu.memref_squeeze %dma_wait3A_25 : memref<1x10240xf32, #tpu.memory_space<hbm>> -> memref<10240xf32, #tpu.memory_space<hbm>>
      tpu.wait_dma2 semaphore(%run_scoped3A : memref<!tpu.dma_semaphore, #tpu.memory_space<semaphore_mem>>) src(%arg5 : memref<10240xf32, #tpu.memory_space<vmem>>) dst(%dma_wait3A_26 : memref<10240xf32, #tpu.memory_space<hbm>>)
      tpu.yield
    }) : () -> ()
    return
  }
}

#map = affine_map<(d0, d1) -> (0, 0, 0, 0)>
#map1 = affine_map<(d0, d1) -> (0, 0)>
#map2 = affine_map<(d0, d1) -> (0, 0, 0)>
module attributes {stable_mosaic.version = 14 : i64} {
  func.func @edge_kernel(%arg0: i32, %arg1: i32, %arg2: memref<32x5x16x128xi32, #tpu.memory_space<hbm>>, %arg3: memref<32x5x16x128xi32, #tpu.memory_space<hbm>>, %arg4: memref<10240x128xf32, #tpu.memory_space<hbm>>, %arg5: memref<2x10240x128xf32, #tpu.memory_space<hbm>>, %arg6: memref<2x16x128xi32, #tpu.memory_space<vmem>>, %arg7: memref<2x16x128xi32, #tpu.memory_space<vmem>>, %arg8: memref<4x64x128xf32, #tpu.memory_space<vmem>>, %arg9: memref<16x128xf32, #tpu.memory_space<vmem>>, %arg10: memref<10240x128xf32, #tpu.memory_space<vmem_shared>>, %arg11: memref<!tpu.dma_semaphore, #tpu.memory_space<semaphore_mem>>, %arg12: memref<!tpu.dma_semaphore, #tpu.memory_space<semaphore_mem>>, %arg13: memref<!tpu.dma_semaphore, #tpu.memory_space<semaphore_mem>>, %arg14: memref<!tpu.dma_semaphore, #tpu.memory_space<semaphore_mem>>, %arg15: memref<!tpu.dma_semaphore, #tpu.memory_space<semaphore_mem>>) attributes {dimension_semantics = [#tpu.dimension_semantics<core_parallel>, #tpu.dimension_semantics<subcore_parallel>], iteration_bounds = array<i64: 2, 16>, scalar_prefetch = 0 : i64, scratch_operands = 10 : i64, tpu.core_type = #tpu.core_type<sc_vector_subcore>, window_params = [{transform_indices = #map}, {transform_indices = #map}, {transform_indices = #map1}, {transform_indices = #map2}]} {
    %mul3A = arith.constant 16 : i32
    %mul3A_0 = arith.muli %arg0, %mul3A : i32
    %add3A = arith.addi %mul3A_0, %arg1 : i32
    %run_scoped3A = arith.constant 0 : i32
    %run_scoped3A_1 = arith.constant 0 : i32
    "tpu.region"() ({
      %run_scoped3A_28 = tpu.sem_alloc : memref<!tpu.dma_semaphore, #tpu.memory_space<semaphore_mem>>
      %dma_start3A = arith.constant 0 : i32
      %dma_start3A_29 = arith.constant 0 : i32
      %dma_start3A_30 = tpu.memref_slice %arg6[%run_scoped3A_1, %dma_start3A, %dma_start3A_29] : memref<2x16x128xi32, #tpu.memory_space<vmem>> -> memref<1x16x128xi32, #tpu.memory_space<vmem>>
      %dma_start3A_31 = tpu.memref_squeeze %dma_start3A_30 : memref<1x16x128xi32, #tpu.memory_space<vmem>> -> memref<16x128xi32, #tpu.memory_space<vmem>>
      %dma_start3A_32 = arith.constant 0 : i32
      %dma_start3A_33 = arith.constant 0 : i32
      %dma_start3A_34 = tpu.memref_slice %arg2[%add3A, %run_scoped3A, %dma_start3A_32, %dma_start3A_33] : memref<32x5x16x128xi32, #tpu.memory_space<hbm>> -> memref<1x1x16x128xi32, #tpu.memory_space<hbm>>
      %dma_start3A_35 = tpu.memref_squeeze %dma_start3A_34 : memref<1x1x16x128xi32, #tpu.memory_space<hbm>> -> memref<16x128xi32, #tpu.memory_space<hbm>>
      %dma_start3A_36 = arith.constant 0 : i32
      %dma_start3A_37 = arith.constant 0 : i32
      %dma_start3A_38 = tpu.memref_slice %arg6[%run_scoped3A_1, %dma_start3A_36, %dma_start3A_37] : memref<2x16x128xi32, #tpu.memory_space<vmem>> -> memref<1x16x128xi32, #tpu.memory_space<vmem>>
      %dma_start3A_39 = tpu.memref_squeeze %dma_start3A_38 : memref<1x16x128xi32, #tpu.memory_space<vmem>> -> memref<16x128xi32, #tpu.memory_space<vmem>>
      %dma_start3A_40 = arith.constant 0 : i32
      %dma_start3A_41 = arith.constant 0 : i32
      %dma_start3A_42 = tpu.memref_slice %arg2[%add3A, %run_scoped3A, %dma_start3A_40, %dma_start3A_41] : memref<32x5x16x128xi32, #tpu.memory_space<hbm>> -> memref<1x1x16x128xi32, #tpu.memory_space<hbm>>
      %dma_start3A_43 = tpu.memref_squeeze %dma_start3A_42 : memref<1x1x16x128xi32, #tpu.memory_space<hbm>> -> memref<16x128xi32, #tpu.memory_space<hbm>>
      tpu.enqueue_dma source(%dma_start3A_43 : memref<16x128xi32, #tpu.memory_space<hbm>>) target(%dma_start3A_39 : memref<16x128xi32, #tpu.memory_space<vmem>>) target_semaphore(%run_scoped3A_28 : memref<!tpu.dma_semaphore, #tpu.memory_space<semaphore_mem>>)
      %dma_wait3A = arith.constant 0 : i32
      %dma_wait3A_44 = arith.constant 0 : i32
      %dma_wait3A_45 = tpu.memref_slice %arg6[%run_scoped3A_1, %dma_wait3A, %dma_wait3A_44] : memref<2x16x128xi32, #tpu.memory_space<vmem>> -> memref<1x16x128xi32, #tpu.memory_space<vmem>>
      %dma_wait3A_46 = tpu.memref_squeeze %dma_wait3A_45 : memref<1x16x128xi32, #tpu.memory_space<vmem>> -> memref<16x128xi32, #tpu.memory_space<vmem>>
      %dma_wait3A_47 = arith.constant 0 : i32
      %dma_wait3A_48 = arith.constant 0 : i32
      %dma_wait3A_49 = tpu.memref_slice %arg2[%add3A, %run_scoped3A, %dma_wait3A_47, %dma_wait3A_48] : memref<32x5x16x128xi32, #tpu.memory_space<hbm>> -> memref<1x1x16x128xi32, #tpu.memory_space<hbm>>
      %dma_wait3A_50 = tpu.memref_squeeze %dma_wait3A_49 : memref<1x1x16x128xi32, #tpu.memory_space<hbm>> -> memref<16x128xi32, #tpu.memory_space<hbm>>
      %dma_wait3A_51 = arith.constant 0 : i32
      %dma_wait3A_52 = arith.constant 0 : i32
      %dma_wait3A_53 = tpu.memref_slice %arg6[%run_scoped3A_1, %dma_wait3A_51, %dma_wait3A_52] : memref<2x16x128xi32, #tpu.memory_space<vmem>> -> memref<1x16x128xi32, #tpu.memory_space<vmem>>
      %dma_wait3A_54 = tpu.memref_squeeze %dma_wait3A_53 : memref<1x16x128xi32, #tpu.memory_space<vmem>> -> memref<16x128xi32, #tpu.memory_space<vmem>>
      %dma_wait3A_55 = arith.constant 0 : i32
      %dma_wait3A_56 = arith.constant 0 : i32
      %dma_wait3A_57 = tpu.memref_slice %arg2[%add3A, %run_scoped3A, %dma_wait3A_55, %dma_wait3A_56] : memref<32x5x16x128xi32, #tpu.memory_space<hbm>> -> memref<1x1x16x128xi32, #tpu.memory_space<hbm>>
      %dma_wait3A_58 = tpu.memref_squeeze %dma_wait3A_57 : memref<1x1x16x128xi32, #tpu.memory_space<hbm>> -> memref<16x128xi32, #tpu.memory_space<hbm>>
      tpu.wait_dma2 semaphore(%run_scoped3A_28 : memref<!tpu.dma_semaphore, #tpu.memory_space<semaphore_mem>>) src(%dma_wait3A_58 : memref<16x128xi32, #tpu.memory_space<hbm>>) dst(%dma_wait3A_54 : memref<16x128xi32, #tpu.memory_space<vmem>>)
      tpu.yield
    }) : () -> ()
    %run_scoped3A_2 = arith.constant 0 : i32
    %run_scoped3A_3 = arith.constant 0 : i32
    "tpu.region"() ({
      %run_scoped3A_28 = tpu.sem_alloc : memref<!tpu.dma_semaphore, #tpu.memory_space<semaphore_mem>>
      %dma_start3A = arith.constant 0 : i32
      %dma_start3A_29 = arith.constant 0 : i32
      %dma_start3A_30 = tpu.memref_slice %arg7[%run_scoped3A_3, %dma_start3A, %dma_start3A_29] : memref<2x16x128xi32, #tpu.memory_space<vmem>> -> memref<1x16x128xi32, #tpu.memory_space<vmem>>
      %dma_start3A_31 = tpu.memref_squeeze %dma_start3A_30 : memref<1x16x128xi32, #tpu.memory_space<vmem>> -> memref<16x128xi32, #tpu.memory_space<vmem>>
      %dma_start3A_32 = arith.constant 0 : i32
      %dma_start3A_33 = arith.constant 0 : i32
      %dma_start3A_34 = tpu.memref_slice %arg3[%add3A, %run_scoped3A_2, %dma_start3A_32, %dma_start3A_33] : memref<32x5x16x128xi32, #tpu.memory_space<hbm>> -> memref<1x1x16x128xi32, #tpu.memory_space<hbm>>
      %dma_start3A_35 = tpu.memref_squeeze %dma_start3A_34 : memref<1x1x16x128xi32, #tpu.memory_space<hbm>> -> memref<16x128xi32, #tpu.memory_space<hbm>>
      %dma_start3A_36 = arith.constant 0 : i32
      %dma_start3A_37 = arith.constant 0 : i32
      %dma_start3A_38 = tpu.memref_slice %arg7[%run_scoped3A_3, %dma_start3A_36, %dma_start3A_37] : memref<2x16x128xi32, #tpu.memory_space<vmem>> -> memref<1x16x128xi32, #tpu.memory_space<vmem>>
      %dma_start3A_39 = tpu.memref_squeeze %dma_start3A_38 : memref<1x16x128xi32, #tpu.memory_space<vmem>> -> memref<16x128xi32, #tpu.memory_space<vmem>>
      %dma_start3A_40 = arith.constant 0 : i32
      %dma_start3A_41 = arith.constant 0 : i32
      %dma_start3A_42 = tpu.memref_slice %arg3[%add3A, %run_scoped3A_2, %dma_start3A_40, %dma_start3A_41] : memref<32x5x16x128xi32, #tpu.memory_space<hbm>> -> memref<1x1x16x128xi32, #tpu.memory_space<hbm>>
      %dma_start3A_43 = tpu.memref_squeeze %dma_start3A_42 : memref<1x1x16x128xi32, #tpu.memory_space<hbm>> -> memref<16x128xi32, #tpu.memory_space<hbm>>
      tpu.enqueue_dma source(%dma_start3A_43 : memref<16x128xi32, #tpu.memory_space<hbm>>) target(%dma_start3A_39 : memref<16x128xi32, #tpu.memory_space<vmem>>) target_semaphore(%run_scoped3A_28 : memref<!tpu.dma_semaphore, #tpu.memory_space<semaphore_mem>>)
      %dma_wait3A = arith.constant 0 : i32
      %dma_wait3A_44 = arith.constant 0 : i32
      %dma_wait3A_45 = tpu.memref_slice %arg7[%run_scoped3A_3, %dma_wait3A, %dma_wait3A_44] : memref<2x16x128xi32, #tpu.memory_space<vmem>> -> memref<1x16x128xi32, #tpu.memory_space<vmem>>
      %dma_wait3A_46 = tpu.memref_squeeze %dma_wait3A_45 : memref<1x16x128xi32, #tpu.memory_space<vmem>> -> memref<16x128xi32, #tpu.memory_space<vmem>>
      %dma_wait3A_47 = arith.constant 0 : i32
      %dma_wait3A_48 = arith.constant 0 : i32
      %dma_wait3A_49 = tpu.memref_slice %arg3[%add3A, %run_scoped3A_2, %dma_wait3A_47, %dma_wait3A_48] : memref<32x5x16x128xi32, #tpu.memory_space<hbm>> -> memref<1x1x16x128xi32, #tpu.memory_space<hbm>>
      %dma_wait3A_50 = tpu.memref_squeeze %dma_wait3A_49 : memref<1x1x16x128xi32, #tpu.memory_space<hbm>> -> memref<16x128xi32, #tpu.memory_space<hbm>>
      %dma_wait3A_51 = arith.constant 0 : i32
      %dma_wait3A_52 = arith.constant 0 : i32
      %dma_wait3A_53 = tpu.memref_slice %arg7[%run_scoped3A_3, %dma_wait3A_51, %dma_wait3A_52] : memref<2x16x128xi32, #tpu.memory_space<vmem>> -> memref<1x16x128xi32, #tpu.memory_space<vmem>>
      %dma_wait3A_54 = tpu.memref_squeeze %dma_wait3A_53 : memref<1x16x128xi32, #tpu.memory_space<vmem>> -> memref<16x128xi32, #tpu.memory_space<vmem>>
      %dma_wait3A_55 = arith.constant 0 : i32
      %dma_wait3A_56 = arith.constant 0 : i32
      %dma_wait3A_57 = tpu.memref_slice %arg3[%add3A, %run_scoped3A_2, %dma_wait3A_55, %dma_wait3A_56] : memref<32x5x16x128xi32, #tpu.memory_space<hbm>> -> memref<1x1x16x128xi32, #tpu.memory_space<hbm>>
      %dma_wait3A_58 = tpu.memref_squeeze %dma_wait3A_57 : memref<1x1x16x128xi32, #tpu.memory_space<hbm>> -> memref<16x128xi32, #tpu.memory_space<hbm>>
      tpu.wait_dma2 semaphore(%run_scoped3A_28 : memref<!tpu.dma_semaphore, #tpu.memory_space<semaphore_mem>>) src(%dma_wait3A_58 : memref<16x128xi32, #tpu.memory_space<hbm>>) dst(%dma_wait3A_54 : memref<16x128xi32, #tpu.memory_space<vmem>>)
      tpu.yield
    }) : () -> ()
    %broadcast_in_dim3A = arith.constant 0.000000e+00 : f32
    %broadcast_in_dim3A_4 = vector.broadcast %broadcast_in_dim3A : f32 to vector<16xf32>
    %scan3A = arith.constant 0 : i32
    %scan3A_5 = arith.constant 0 : i32
    %scan3A_6 = arith.constant 16 : i32
    %scan3A_7 = arith.addi %scan3A_5, %scan3A_6 : i32
    %scan3A_8 = arith.constant 1 : i32
    %scan3A_9 = scf.for %scan3A_28 = %scan3A_5 to %scan3A_7 step %scan3A_8 iter_args(%scan3A_29 = %scan3A) -> (i32)  : i32 {
      %swap3A = arith.index_cast %scan3A_28 : i32 to index
      %swap3A_30 = arith.constant 0 : index
      %swap3A_31 = tpu.vector_load %arg9[%swap3A, %swap3A_30] {strides = array<i32>} : memref<16x128xf32, #tpu.memory_space<vmem>>, vector<16xf32>,
      tpu.vector_store %arg9[%swap3A, %swap3A_30], %broadcast_in_dim3A_4 {strides = array<i32>} : memref<16x128xf32, #tpu.memory_space<vmem>>, vector<16xf32>,
      %swap3A_32 = arith.index_cast %scan3A_28 : i32 to index
      %swap3A_33 = arith.constant 16 : index
      %swap3A_34 = tpu.vector_load %arg9[%swap3A_32, %swap3A_33] {strides = array<i32>} : memref<16x128xf32, #tpu.memory_space<vmem>>, vector<16xf32>,
      tpu.vector_store %arg9[%swap3A_32, %swap3A_33], %broadcast_in_dim3A_4 {strides = array<i32>} : memref<16x128xf32, #tpu.memory_space<vmem>>, vector<16xf32>,
      %swap3A_35 = arith.index_cast %scan3A_28 : i32 to index
      %swap3A_36 = arith.constant 32 : index
      %swap3A_37 = tpu.vector_load %arg9[%swap3A_35, %swap3A_36] {strides = array<i32>} : memref<16x128xf32, #tpu.memory_space<vmem>>, vector<16xf32>,
      tpu.vector_store %arg9[%swap3A_35, %swap3A_36], %broadcast_in_dim3A_4 {strides = array<i32>} : memref<16x128xf32, #tpu.memory_space<vmem>>, vector<16xf32>,
      %swap3A_38 = arith.index_cast %scan3A_28 : i32 to index
      %swap3A_39 = arith.constant 48 : index
      %swap3A_40 = tpu.vector_load %arg9[%swap3A_38, %swap3A_39] {strides = array<i32>} : memref<16x128xf32, #tpu.memory_space<vmem>>, vector<16xf32>,
      tpu.vector_store %arg9[%swap3A_38, %swap3A_39], %broadcast_in_dim3A_4 {strides = array<i32>} : memref<16x128xf32, #tpu.memory_space<vmem>>, vector<16xf32>,
      %swap3A_41 = arith.index_cast %scan3A_28 : i32 to index
      %swap3A_42 = arith.constant 64 : index
      %swap3A_43 = tpu.vector_load %arg9[%swap3A_41, %swap3A_42] {strides = array<i32>} : memref<16x128xf32, #tpu.memory_space<vmem>>, vector<16xf32>,
      tpu.vector_store %arg9[%swap3A_41, %swap3A_42], %broadcast_in_dim3A_4 {strides = array<i32>} : memref<16x128xf32, #tpu.memory_space<vmem>>, vector<16xf32>,
      %swap3A_44 = arith.index_cast %scan3A_28 : i32 to index
      %swap3A_45 = arith.constant 80 : index
      %swap3A_46 = tpu.vector_load %arg9[%swap3A_44, %swap3A_45] {strides = array<i32>} : memref<16x128xf32, #tpu.memory_space<vmem>>, vector<16xf32>,
      tpu.vector_store %arg9[%swap3A_44, %swap3A_45], %broadcast_in_dim3A_4 {strides = array<i32>} : memref<16x128xf32, #tpu.memory_space<vmem>>, vector<16xf32>,
      %swap3A_47 = arith.index_cast %scan3A_28 : i32 to index
      %swap3A_48 = arith.constant 96 : index
      %swap3A_49 = tpu.vector_load %arg9[%swap3A_47, %swap3A_48] {strides = array<i32>} : memref<16x128xf32, #tpu.memory_space<vmem>>, vector<16xf32>,
      tpu.vector_store %arg9[%swap3A_47, %swap3A_48], %broadcast_in_dim3A_4 {strides = array<i32>} : memref<16x128xf32, #tpu.memory_space<vmem>>, vector<16xf32>,
      %swap3A_50 = arith.index_cast %scan3A_28 : i32 to index
      %swap3A_51 = arith.constant 112 : index
      %swap3A_52 = tpu.vector_load %arg9[%swap3A_50, %swap3A_51] {strides = array<i32>} : memref<16x128xf32, #tpu.memory_space<vmem>>, vector<16xf32>,
      tpu.vector_store %arg9[%swap3A_50, %swap3A_51], %broadcast_in_dim3A_4 {strides = array<i32>} : memref<16x128xf32, #tpu.memory_space<vmem>>, vector<16xf32>,
      %scan3A_53 = arith.constant 0 : i32
      scf.yield %scan3A_53 : i32
    }
    %scan3A_10 = arith.constant 16 : i32
    %scan3A_11 = arith.constant 0 : i32
    %scan3A_12 = arith.constant 0 : i32
    %scan3A_13 = arith.constant 40 : i32
    %scan3A_14 = arith.addi %scan3A_12, %scan3A_13 : i32
    %scan3A_15 = arith.constant 1 : i32
    %scan3A_16 = scf.for %scan3A_28 = %scan3A_12 to %scan3A_14 step %scan3A_15 iter_args(%scan3A_29 = %scan3A_11) -> (i32)  : i32 {
      %mul3A_30 = arith.constant 640 : i32
      %mul3A_31 = arith.muli %arg1, %mul3A_30 : i32
      %mul3A_32 = arith.constant 16 : i32
      %mul3A_33 = arith.muli %scan3A_28, %mul3A_32 : i32
      %add3A_34 = arith.addi %mul3A_31, %mul3A_33 : i32
      %multiple_of3A_35 = tpu.assume_multiple %add3A_34, 16 : i32
      "tpu.region"() ({
        %run_scoped3A_37 = tpu.sem_alloc : memref<!tpu.dma_semaphore, #tpu.memory_space<semaphore_mem>>
        %dma_start3A = arith.constant 0 : i32
        %dma_start3A_38 = tpu.memref_slice %arg10[%multiple_of3A_35, %dma_start3A] : memref<10240x128xf32, #tpu.memory_space<vmem_shared>> -> memref<16x128xf32, #tpu.memory_space<vmem_shared>>
        %dma_start3A_39 = arith.constant 0 : i32
        %dma_start3A_40 = tpu.memref_slice %arg10[%multiple_of3A_35, %dma_start3A_39] : memref<10240x128xf32, #tpu.memory_space<vmem_shared>> -> memref<16x128xf32, #tpu.memory_space<vmem_shared>>
        tpu.enqueue_dma source(%arg9 : memref<16x128xf32, #tpu.memory_space<vmem>>) target(%dma_start3A_40 : memref<16x128xf32, #tpu.memory_space<vmem_shared>>) target_semaphore(%run_scoped3A_37 : memref<!tpu.dma_semaphore, #tpu.memory_space<semaphore_mem>>)
        %dma_wait3A = arith.constant 0 : i32
        %dma_wait3A_41 = tpu.memref_slice %arg10[%multiple_of3A_35, %dma_wait3A] : memref<10240x128xf32, #tpu.memory_space<vmem_shared>> -> memref<16x128xf32, #tpu.memory_space<vmem_shared>>
        %dma_wait3A_42 = arith.constant 0 : i32
        %dma_wait3A_43 = tpu.memref_slice %arg10[%multiple_of3A_35, %dma_wait3A_42] : memref<10240x128xf32, #tpu.memory_space<vmem_shared>> -> memref<16x128xf32, #tpu.memory_space<vmem_shared>>
        tpu.wait_dma2 semaphore(%run_scoped3A_37 : memref<!tpu.dma_semaphore, #tpu.memory_space<semaphore_mem>>) src(%arg9 : memref<16x128xf32, #tpu.memory_space<vmem>>) dst(%dma_wait3A_43 : memref<16x128xf32, #tpu.memory_space<vmem_shared>>)
        tpu.yield
      }) : () -> ()
      %scan3A_36 = arith.constant 0 : i32
      scf.yield %scan3A_36 : i32
    }
    %scan3A_17 = arith.constant 40 : i32
    %barrier3A = arith.constant 0 : index
    tpu.barrier barrier_id(%barrier3A)
    %scan3A_18 = arith.constant 0 : i32
    %scan3A_19 = arith.constant 0 : i32
    %scan3A_20 = arith.constant 5 : i32
    %scan3A_21 = arith.addi %scan3A_19, %scan3A_20 : i32
    %scan3A_22 = arith.constant 1 : i32
    %scan3A_23 = scf.for %scan3A_28 = %scan3A_19 to %scan3A_21 step %scan3A_22 iter_args(%scan3A_29 = %scan3A_18) -> (i32)  : i32 {
      %rem3A = arith.constant 2 : i32
      %rem3A_30 = arith.remsi %scan3A_28, %rem3A : i32
      %add3A_31 = arith.constant 1 : i32
      %add3A_32 = arith.addi %scan3A_28, %add3A_31 : i32
      %lt3A = arith.constant 5 : i32
      %lt3A_33 = arith.cmpi slt, %add3A_32, %lt3A : i32
      %convert_element_type3A = arith.extui %lt3A_33 : i1 to i32
      %cond3A = arith.constant 0 : i32
      %cond3A_34 = arith.cmpi ne, %convert_element_type3A, %cond3A : i32
      scf.if %cond3A_34 {
        %add3A_85 = arith.constant 1 : i32
        %add3A_86 = arith.addi %scan3A_28, %add3A_85 : i32
        %sub3A = arith.constant 1 : i32
        %sub3A_87 = arith.subi %sub3A, %rem3A_30 : i32
        %dma_start3A_88 = arith.constant 0 : i32
        %dma_start3A_89 = arith.constant 0 : i32
        %dma_start3A_90 = tpu.memref_slice %arg6[%sub3A_87, %dma_start3A_88, %dma_start3A_89] : memref<2x16x128xi32, #tpu.memory_space<vmem>> -> memref<1x16x128xi32, #tpu.memory_space<vmem>>
        %dma_start3A_91 = tpu.memref_squeeze %dma_start3A_90 : memref<1x16x128xi32, #tpu.memory_space<vmem>> -> memref<16x128xi32, #tpu.memory_space<vmem>>
        %dma_start3A_92 = arith.constant 0 : i32
        %dma_start3A_93 = arith.constant 0 : i32
        %dma_start3A_94 = tpu.memref_slice %arg2[%add3A, %add3A_86, %dma_start3A_92, %dma_start3A_93] : memref<32x5x16x128xi32, #tpu.memory_space<hbm>> -> memref<1x1x16x128xi32, #tpu.memory_space<hbm>>
        %dma_start3A_95 = tpu.memref_squeeze %dma_start3A_94 : memref<1x1x16x128xi32, #tpu.memory_space<hbm>> -> memref<16x128xi32, #tpu.memory_space<hbm>>
        %dma_start3A_96 = arith.constant 0 : i32
        %dma_start3A_97 = arith.constant 0 : i32
        %dma_start3A_98 = tpu.memref_slice %arg6[%sub3A_87, %dma_start3A_96, %dma_start3A_97] : memref<2x16x128xi32, #tpu.memory_space<vmem>> -> memref<1x16x128xi32, #tpu.memory_space<vmem>>
        %dma_start3A_99 = tpu.memref_squeeze %dma_start3A_98 : memref<1x16x128xi32, #tpu.memory_space<vmem>> -> memref<16x128xi32, #tpu.memory_space<vmem>>
        %dma_start3A_100 = arith.constant 0 : i32
        %dma_start3A_101 = arith.constant 0 : i32
        %dma_start3A_102 = tpu.memref_slice %arg2[%add3A, %add3A_86, %dma_start3A_100, %dma_start3A_101] : memref<32x5x16x128xi32, #tpu.memory_space<hbm>> -> memref<1x1x16x128xi32, #tpu.memory_space<hbm>>
        %dma_start3A_103 = tpu.memref_squeeze %dma_start3A_102 : memref<1x1x16x128xi32, #tpu.memory_space<hbm>> -> memref<16x128xi32, #tpu.memory_space<hbm>>
        tpu.enqueue_dma source(%dma_start3A_103 : memref<16x128xi32, #tpu.memory_space<hbm>>) target(%dma_start3A_99 : memref<16x128xi32, #tpu.memory_space<vmem>>) target_semaphore(%arg15 : memref<!tpu.dma_semaphore, #tpu.memory_space<semaphore_mem>>)
        %add3A_104 = arith.constant 1 : i32
        %add3A_105 = arith.addi %scan3A_28, %add3A_104 : i32
        %sub3A_106 = arith.constant 1 : i32
        %sub3A_107 = arith.subi %sub3A_106, %rem3A_30 : i32
        %dma_start3A_108 = arith.constant 0 : i32
        %dma_start3A_109 = arith.constant 0 : i32
        %dma_start3A_110 = tpu.memref_slice %arg7[%sub3A_107, %dma_start3A_108, %dma_start3A_109] : memref<2x16x128xi32, #tpu.memory_space<vmem>> -> memref<1x16x128xi32, #tpu.memory_space<vmem>>
        %dma_start3A_111 = tpu.memref_squeeze %dma_start3A_110 : memref<1x16x128xi32, #tpu.memory_space<vmem>> -> memref<16x128xi32, #tpu.memory_space<vmem>>
        %dma_start3A_112 = arith.constant 0 : i32
        %dma_start3A_113 = arith.constant 0 : i32
        %dma_start3A_114 = tpu.memref_slice %arg3[%add3A, %add3A_105, %dma_start3A_112, %dma_start3A_113] : memref<32x5x16x128xi32, #tpu.memory_space<hbm>> -> memref<1x1x16x128xi32, #tpu.memory_space<hbm>>
        %dma_start3A_115 = tpu.memref_squeeze %dma_start3A_114 : memref<1x1x16x128xi32, #tpu.memory_space<hbm>> -> memref<16x128xi32, #tpu.memory_space<hbm>>
        %dma_start3A_116 = arith.constant 0 : i32
        %dma_start3A_117 = arith.constant 0 : i32
        %dma_start3A_118 = tpu.memref_slice %arg7[%sub3A_107, %dma_start3A_116, %dma_start3A_117] : memref<2x16x128xi32, #tpu.memory_space<vmem>> -> memref<1x16x128xi32, #tpu.memory_space<vmem>>
        %dma_start3A_119 = tpu.memref_squeeze %dma_start3A_118 : memref<1x16x128xi32, #tpu.memory_space<vmem>> -> memref<16x128xi32, #tpu.memory_space<vmem>>
        %dma_start3A_120 = arith.constant 0 : i32
        %dma_start3A_121 = arith.constant 0 : i32
        %dma_start3A_122 = tpu.memref_slice %arg3[%add3A, %add3A_105, %dma_start3A_120, %dma_start3A_121] : memref<32x5x16x128xi32, #tpu.memory_space<hbm>> -> memref<1x1x16x128xi32, #tpu.memory_space<hbm>>
        %dma_start3A_123 = tpu.memref_squeeze %dma_start3A_122 : memref<1x1x16x128xi32, #tpu.memory_space<hbm>> -> memref<16x128xi32, #tpu.memory_space<hbm>>
        tpu.enqueue_dma source(%dma_start3A_123 : memref<16x128xi32, #tpu.memory_space<hbm>>) target(%dma_start3A_119 : memref<16x128xi32, #tpu.memory_space<vmem>>) target_semaphore(%arg15 : memref<!tpu.dma_semaphore, #tpu.memory_space<semaphore_mem>>)
      } else {
      }
      %dma_start3A = arith.constant 0 : i32
      %dma_start3A_35 = arith.constant 0 : i32
      %dma_start3A_36 = arith.constant 0 : i32
      %dma_start3A_37 = arith.constant 0 : i32
      %dma_start3A_38 = tpu.memref_slice %arg8[%dma_start3A_35, %dma_start3A_36, %dma_start3A_37] : memref<4x64x128xf32, #tpu.memory_space<vmem>> -> memref<1x64x128xf32, #tpu.memory_space<vmem>>
      %dma_start3A_39 = tpu.memref_squeeze %dma_start3A_38 : memref<1x64x128xf32, #tpu.memory_space<vmem>> -> memref<64x128xf32, #tpu.memory_space<vmem>>
      %dma_start3A_40 = arith.constant 0 : i32
      %dma_start3A_41 = tpu.memref_slice %arg6[%rem3A_30, %dma_start3A, %dma_start3A_40] : memref<2x16x128xi32, #tpu.memory_space<vmem>> -> memref<1x1x64xi32, #tpu.memory_space<vmem>>
      %dma_start3A_42 = tpu.memref_squeeze %dma_start3A_41 : memref<1x1x64xi32, #tpu.memory_space<vmem>> -> memref<64xi32, #tpu.memory_space<vmem>>
      %dma_start3A_43 = arith.constant 0 : i32
      %dma_start3A_44 = arith.constant 0 : i32
      %dma_start3A_45 = tpu.memref_slice %arg4[%dma_start3A_43, %dma_start3A_44] : memref<10240x128xf32, #tpu.memory_space<hbm>> -> memref<10240x128xf32, #tpu.memory_space<hbm>>
      tpu.enqueue_indirect_dma source(%dma_start3A_45 : memref<10240x128xf32, #tpu.memory_space<hbm>>) target(%dma_start3A_39 : memref<64x128xf32, #tpu.memory_space<vmem>>) offsets(%dma_start3A_42 : memref<64xi32, #tpu.memory_space<vmem>>) semaphore(%arg11 : memref<!tpu.dma_semaphore, #tpu.memory_space<semaphore_mem>>)
      %dma_start3A_46 = arith.constant 0 : i32
      %dma_start3A_47 = arith.constant 1 : i32
      %dma_start3A_48 = arith.constant 0 : i32
      %dma_start3A_49 = arith.constant 0 : i32
      %dma_start3A_50 = tpu.memref_slice %arg8[%dma_start3A_47, %dma_start3A_48, %dma_start3A_49] : memref<4x64x128xf32, #tpu.memory_space<vmem>> -> memref<1x64x128xf32, #tpu.memory_space<vmem>>
      %dma_start3A_51 = tpu.memref_squeeze %dma_start3A_50 : memref<1x64x128xf32, #tpu.memory_space<vmem>> -> memref<64x128xf32, #tpu.memory_space<vmem>>
      %dma_start3A_52 = arith.constant 64 : i32
      %dma_start3A_53 = tpu.memref_slice %arg6[%rem3A_30, %dma_start3A_46, %dma_start3A_52] : memref<2x16x128xi32, #tpu.memory_space<vmem>> -> memref<1x1x64xi32, #tpu.memory_space<vmem>>
      %dma_start3A_54 = tpu.memref_squeeze %dma_start3A_53 : memref<1x1x64xi32, #tpu.memory_space<vmem>> -> memref<64xi32, #tpu.memory_space<vmem>>
      %dma_start3A_55 = arith.constant 0 : i32
      %dma_start3A_56 = arith.constant 0 : i32
      %dma_start3A_57 = tpu.memref_slice %arg4[%dma_start3A_55, %dma_start3A_56] : memref<10240x128xf32, #tpu.memory_space<hbm>> -> memref<10240x128xf32, #tpu.memory_space<hbm>>
      tpu.enqueue_indirect_dma source(%dma_start3A_57 : memref<10240x128xf32, #tpu.memory_space<hbm>>) target(%dma_start3A_51 : memref<64x128xf32, #tpu.memory_space<vmem>>) offsets(%dma_start3A_54 : memref<64xi32, #tpu.memory_space<vmem>>) semaphore(%arg12 : memref<!tpu.dma_semaphore, #tpu.memory_space<semaphore_mem>>)
      %dma_start3A_58 = arith.constant 1 : i32
      %dma_start3A_59 = arith.constant 2 : i32
      %dma_start3A_60 = arith.constant 0 : i32
      %dma_start3A_61 = arith.constant 0 : i32
      %dma_start3A_62 = tpu.memref_slice %arg8[%dma_start3A_59, %dma_start3A_60, %dma_start3A_61] : memref<4x64x128xf32, #tpu.memory_space<vmem>> -> memref<1x64x128xf32, #tpu.memory_space<vmem>>
      %dma_start3A_63 = tpu.memref_squeeze %dma_start3A_62 : memref<1x64x128xf32, #tpu.memory_space<vmem>> -> memref<64x128xf32, #tpu.memory_space<vmem>>
      %dma_start3A_64 = arith.constant 0 : i32
      %dma_start3A_65 = tpu.memref_slice %arg6[%rem3A_30, %dma_start3A_58, %dma_start3A_64] : memref<2x16x128xi32, #tpu.memory_space<vmem>> -> memref<1x1x64xi32, #tpu.memory_space<vmem>>
      %dma_start3A_66 = tpu.memref_squeeze %dma_start3A_65 : memref<1x1x64xi32, #tpu.memory_space<vmem>> -> memref<64xi32, #tpu.memory_space<vmem>>
      %dma_start3A_67 = arith.constant 0 : i32
      %dma_start3A_68 = arith.constant 0 : i32
      %dma_start3A_69 = tpu.memref_slice %arg4[%dma_start3A_67, %dma_start3A_68] : memref<10240x128xf32, #tpu.memory_space<hbm>> -> memref<10240x128xf32, #tpu.memory_space<hbm>>
      tpu.enqueue_indirect_dma source(%dma_start3A_69 : memref<10240x128xf32, #tpu.memory_space<hbm>>) target(%dma_start3A_63 : memref<64x128xf32, #tpu.memory_space<vmem>>) offsets(%dma_start3A_66 : memref<64xi32, #tpu.memory_space<vmem>>) semaphore(%arg13 : memref<!tpu.dma_semaphore, #tpu.memory_space<semaphore_mem>>)
      %scan3A_70 = arith.constant 0 : i32
      %scan3A_71 = arith.constant 0 : i32
      %scan3A_72 = arith.constant 8 : i32
      %scan3A_73 = arith.addi %scan3A_71, %scan3A_72 : i32
      %scan3A_74 = arith.constant 1 : i32
      %scan3A_75 = scf.for %scan3A_85 = %scan3A_71 to %scan3A_73 step %scan3A_74 iter_args(%scan3A_86 = %scan3A_70) -> (i32)  : i32 {
        %mul3A_87 = arith.constant 4 : i32
        %mul3A_88 = arith.muli %scan3A_85, %mul3A_87 : i32
        %add3A_89 = arith.constant 0 : i32
        %add3A_90 = arith.addi %mul3A_88, %add3A_89 : i32
        %mul3A_91 = arith.constant 2 : i32
        %mul3A_92 = arith.muli %scan3A_85, %mul3A_91 : i32
        %add3A_93 = arith.constant 0 : i32
        %add3A_94 = arith.addi %mul3A_92, %add3A_93 : i32
        %dma_wait3A = arith.constant 0 : i32
        %dma_wait3A_95 = arith.constant 0 : i32
        %dma_wait3A_96 = arith.constant 0 : i32
        %dma_wait3A_97 = tpu.memref_slice %arg8[%dma_wait3A, %dma_wait3A_95, %dma_wait3A_96] : memref<4x64x128xf32, #tpu.memory_space<vmem>> -> memref<1x64x128xf32, #tpu.memory_space<vmem>>
        %dma_wait3A_98 = tpu.memref_squeeze %dma_wait3A_97 : memref<1x64x128xf32, #tpu.memory_space<vmem>> -> memref<64x128xf32, #tpu.memory_space<vmem>>
        %dma_wait3A_99 = arith.constant 0 : i32
        %dma_wait3A_100 = tpu.memref_slice %arg6[%rem3A_30, %add3A_94, %dma_wait3A_99] : memref<2x16x128xi32, #tpu.memory_space<vmem>> -> memref<1x1x64xi32, #tpu.memory_space<vmem>>
        %dma_wait3A_101 = tpu.memref_squeeze %dma_wait3A_100 : memref<1x1x64xi32, #tpu.memory_space<vmem>> -> memref<64xi32, #tpu.memory_space<vmem>>
        %dma_wait3A_102 = arith.constant 0 : i32
        %dma_wait3A_103 = arith.constant 0 : i32
        %dma_wait3A_104 = tpu.memref_slice %arg4[%dma_wait3A_102, %dma_wait3A_103] : memref<10240x128xf32, #tpu.memory_space<hbm>> -> memref<10240x128xf32, #tpu.memory_space<hbm>>
        tpu.wait_indirect_dma semaphore(%arg11 : memref<!tpu.dma_semaphore, #tpu.memory_space<semaphore_mem>>) src(%dma_wait3A_104 : memref<10240x128xf32, #tpu.memory_space<hbm>>) dst(%dma_wait3A_98 : memref<64x128xf32, #tpu.memory_space<vmem>>)
        %add3A_105 = arith.constant 3 : i32
        %add3A_106 = arith.addi %add3A_90, %add3A_105 : i32
        %lt3A_107 = arith.constant 32 : i32
        %lt3A_108 = arith.cmpi slt, %add3A_106, %lt3A_107 : i32
        %convert_element_type3A_109 = arith.extui %lt3A_108 : i1 to i32
        %cond3A_110 = arith.constant 0 : i32
        %cond3A_111 = arith.cmpi ne, %convert_element_type3A_109, %cond3A_110 : i32
        scf.if %cond3A_111 {
          %mul3A_211 = arith.constant 2 : i32
          %mul3A_212 = arith.muli %scan3A_85, %mul3A_211 : i32
          %add3A_213 = arith.constant 1 : i32
          %add3A_214 = arith.addi %mul3A_212, %add3A_213 : i32
          %dma_start3A_215 = arith.constant 3 : i32
          %dma_start3A_216 = arith.constant 0 : i32
          %dma_start3A_217 = arith.constant 0 : i32
          %dma_start3A_218 = tpu.memref_slice %arg8[%dma_start3A_215, %dma_start3A_216, %dma_start3A_217] : memref<4x64x128xf32, #tpu.memory_space<vmem>> -> memref<1x64x128xf32, #tpu.memory_space<vmem>>
          %dma_start3A_219 = tpu.memref_squeeze %dma_start3A_218 : memref<1x64x128xf32, #tpu.memory_space<vmem>> -> memref<64x128xf32, #tpu.memory_space<vmem>>
          %dma_start3A_220 = arith.constant 64 : i32
          %dma_start3A_221 = tpu.memref_slice %arg6[%rem3A_30, %add3A_214, %dma_start3A_220] : memref<2x16x128xi32, #tpu.memory_space<vmem>> -> memref<1x1x64xi32, #tpu.memory_space<vmem>>
          %dma_start3A_222 = tpu.memref_squeeze %dma_start3A_221 : memref<1x1x64xi32, #tpu.memory_space<vmem>> -> memref<64xi32, #tpu.memory_space<vmem>>
          %dma_start3A_223 = arith.constant 0 : i32
          %dma_start3A_224 = arith.constant 0 : i32
          %dma_start3A_225 = tpu.memref_slice %arg4[%dma_start3A_223, %dma_start3A_224] : memref<10240x128xf32, #tpu.memory_space<hbm>> -> memref<10240x128xf32, #tpu.memory_space<hbm>>
          tpu.enqueue_indirect_dma source(%dma_start3A_225 : memref<10240x128xf32, #tpu.memory_space<hbm>>) target(%dma_start3A_219 : memref<64x128xf32, #tpu.memory_space<vmem>>) offsets(%dma_start3A_222 : memref<64xi32, #tpu.memory_space<vmem>>) semaphore(%arg14 : memref<!tpu.dma_semaphore, #tpu.memory_space<semaphore_mem>>)
        } else {
        }
        %mul3A_112 = arith.constant 2 : i32
        %mul3A_113 = arith.muli %scan3A_85, %mul3A_112 : i32
        %add3A_114 = arith.constant 0 : i32
        %add3A_115 = arith.addi %mul3A_113, %add3A_114 : i32
        %run_scoped3A_116 = arith.constant 0 : i32
        "tpu.region"() ({
          %run_scoped3A_211 = tpu.sem_alloc : memref<!tpu.dma_semaphore, #tpu.memory_space<semaphore_mem>>
          %dma_start3A_212 = arith.constant 0 : i32
          %dma_start3A_213 = arith.constant 0 : i32
          %dma_start3A_214 = tpu.memref_slice %arg8[%run_scoped3A_116, %dma_start3A_212, %dma_start3A_213] : memref<4x64x128xf32, #tpu.memory_space<vmem>> -> memref<1x64x128xf32, #tpu.memory_space<vmem>>
          %dma_start3A_215 = tpu.memref_squeeze %dma_start3A_214 : memref<1x64x128xf32, #tpu.memory_space<vmem>> -> memref<64x128xf32, #tpu.memory_space<vmem>>
          %dma_start3A_216 = arith.constant 0 : i32
          %dma_start3A_217 = tpu.memref_slice %arg7[%rem3A_30, %add3A_115, %dma_start3A_216] : memref<2x16x128xi32, #tpu.memory_space<vmem>> -> memref<1x1x64xi32, #tpu.memory_space<vmem>>
          %dma_start3A_218 = tpu.memref_squeeze %dma_start3A_217 : memref<1x1x64xi32, #tpu.memory_space<vmem>> -> memref<64xi32, #tpu.memory_space<vmem>>
          %dma_start3A_219 = arith.constant 0 : i32
          %dma_start3A_220 = arith.constant 0 : i32
          %dma_start3A_221 = tpu.memref_slice %arg10[%dma_start3A_219, %dma_start3A_220] : memref<10240x128xf32, #tpu.memory_space<vmem_shared>> -> memref<10240x128xf32, #tpu.memory_space<vmem_shared>>
          tpu.enqueue_indirect_dma source(%dma_start3A_215 : memref<64x128xf32, #tpu.memory_space<vmem>>) target(%dma_start3A_221 : memref<10240x128xf32, #tpu.memory_space<vmem_shared>>) offsets(%dma_start3A_218 : memref<64xi32, #tpu.memory_space<vmem>>) semaphore(%run_scoped3A_211 : memref<!tpu.dma_semaphore, #tpu.memory_space<semaphore_mem>>) {add = true}
          %dma_wait3A_222 = arith.constant 0 : i32
          %dma_wait3A_223 = arith.constant 0 : i32
          %dma_wait3A_224 = tpu.memref_slice %arg8[%run_scoped3A_116, %dma_wait3A_222, %dma_wait3A_223] : memref<4x64x128xf32, #tpu.memory_space<vmem>> -> memref<1x64x128xf32, #tpu.memory_space<vmem>>
          %dma_wait3A_225 = tpu.memref_squeeze %dma_wait3A_224 : memref<1x64x128xf32, #tpu.memory_space<vmem>> -> memref<64x128xf32, #tpu.memory_space<vmem>>
          %dma_wait3A_226 = arith.constant 0 : i32
          %dma_wait3A_227 = tpu.memref_slice %arg7[%rem3A_30, %add3A_115, %dma_wait3A_226] : memref<2x16x128xi32, #tpu.memory_space<vmem>> -> memref<1x1x64xi32, #tpu.memory_space<vmem>>
          %dma_wait3A_228 = tpu.memref_squeeze %dma_wait3A_227 : memref<1x1x64xi32, #tpu.memory_space<vmem>> -> memref<64xi32, #tpu.memory_space<vmem>>
          %dma_wait3A_229 = arith.constant 0 : i32
          %dma_wait3A_230 = arith.constant 0 : i32
          %dma_wait3A_231 = tpu.memref_slice %arg10[%dma_wait3A_229, %dma_wait3A_230] : memref<10240x128xf32, #tpu.memory_space<vmem_shared>> -> memref<10240x128xf32, #tpu.memory_space<vmem_shared>>
          tpu.wait_indirect_dma semaphore(%run_scoped3A_211 : memref<!tpu.dma_semaphore, #tpu.memory_space<semaphore_mem>>) src(%dma_wait3A_225 : memref<64x128xf32, #tpu.memory_space<vmem>>) dst(%dma_wait3A_231 : memref<10240x128xf32, #tpu.memory_space<vmem_shared>>)
          tpu.yield
        }) : () -> ()
        %mul3A_117 = arith.constant 4 : i32
        %mul3A_118 = arith.muli %scan3A_85, %mul3A_117 : i32
        %add3A_119 = arith.constant 1 : i32
        %add3A_120 = arith.addi %mul3A_118, %add3A_119 : i32
        %mul3A_121 = arith.constant 2 : i32
        %mul3A_122 = arith.muli %scan3A_85, %mul3A_121 : i32
        %add3A_123 = arith.constant 0 : i32
        %add3A_124 = arith.addi %mul3A_122, %add3A_123 : i32
        %dma_wait3A_125 = arith.constant 1 : i32
        %dma_wait3A_126 = arith.constant 0 : i32
        %dma_wait3A_127 = arith.constant 0 : i32
        %dma_wait3A_128 = tpu.memref_slice %arg8[%dma_wait3A_125, %dma_wait3A_126, %dma_wait3A_127] : memref<4x64x128xf32, #tpu.memory_space<vmem>> -> memref<1x64x128xf32, #tpu.memory_space<vmem>>
        %dma_wait3A_129 = tpu.memref_squeeze %dma_wait3A_128 : memref<1x64x128xf32, #tpu.memory_space<vmem>> -> memref<64x128xf32, #tpu.memory_space<vmem>>
        %dma_wait3A_130 = arith.constant 64 : i32
        %dma_wait3A_131 = tpu.memref_slice %arg6[%rem3A_30, %add3A_124, %dma_wait3A_130] : memref<2x16x128xi32, #tpu.memory_space<vmem>> -> memref<1x1x64xi32, #tpu.memory_space<vmem>>
        %dma_wait3A_132 = tpu.memref_squeeze %dma_wait3A_131 : memref<1x1x64xi32, #tpu.memory_space<vmem>> -> memref<64xi32, #tpu.memory_space<vmem>>
        %dma_wait3A_133 = arith.constant 0 : i32
        %dma_wait3A_134 = arith.constant 0 : i32
        %dma_wait3A_135 = tpu.memref_slice %arg4[%dma_wait3A_133, %dma_wait3A_134] : memref<10240x128xf32, #tpu.memory_space<hbm>> -> memref<10240x128xf32, #tpu.memory_space<hbm>>
        tpu.wait_indirect_dma semaphore(%arg12 : memref<!tpu.dma_semaphore, #tpu.memory_space<semaphore_mem>>) src(%dma_wait3A_135 : memref<10240x128xf32, #tpu.memory_space<hbm>>) dst(%dma_wait3A_129 : memref<64x128xf32, #tpu.memory_space<vmem>>)
        %add3A_136 = arith.constant 3 : i32
        %add3A_137 = arith.addi %add3A_120, %add3A_136 : i32
        %lt3A_138 = arith.constant 32 : i32
        %lt3A_139 = arith.cmpi slt, %add3A_137, %lt3A_138 : i32
        %convert_element_type3A_140 = arith.extui %lt3A_139 : i1 to i32
        %cond3A_141 = arith.constant 0 : i32
        %cond3A_142 = arith.cmpi ne, %convert_element_type3A_140, %cond3A_141 : i32
        scf.if %cond3A_142 {
          %mul3A_211 = arith.constant 2 : i32
          %mul3A_212 = arith.muli %scan3A_85, %mul3A_211 : i32
          %add3A_213 = arith.constant 2 : i32
          %add3A_214 = arith.addi %mul3A_212, %add3A_213 : i32
          %dma_start3A_215 = arith.constant 0 : i32
          %dma_start3A_216 = arith.constant 0 : i32
          %dma_start3A_217 = arith.constant 0 : i32
          %dma_start3A_218 = tpu.memref_slice %arg8[%dma_start3A_215, %dma_start3A_216, %dma_start3A_217] : memref<4x64x128xf32, #tpu.memory_space<vmem>> -> memref<1x64x128xf32, #tpu.memory_space<vmem>>
          %dma_start3A_219 = tpu.memref_squeeze %dma_start3A_218 : memref<1x64x128xf32, #tpu.memory_space<vmem>> -> memref<64x128xf32, #tpu.memory_space<vmem>>
          %dma_start3A_220 = arith.constant 0 : i32
          %dma_start3A_221 = tpu.memref_slice %arg6[%rem3A_30, %add3A_214, %dma_start3A_220] : memref<2x16x128xi32, #tpu.memory_space<vmem>> -> memref<1x1x64xi32, #tpu.memory_space<vmem>>
          %dma_start3A_222 = tpu.memref_squeeze %dma_start3A_221 : memref<1x1x64xi32, #tpu.memory_space<vmem>> -> memref<64xi32, #tpu.memory_space<vmem>>
          %dma_start3A_223 = arith.constant 0 : i32
          %dma_start3A_224 = arith.constant 0 : i32
          %dma_start3A_225 = tpu.memref_slice %arg4[%dma_start3A_223, %dma_start3A_224] : memref<10240x128xf32, #tpu.memory_space<hbm>> -> memref<10240x128xf32, #tpu.memory_space<hbm>>
          tpu.enqueue_indirect_dma source(%dma_start3A_225 : memref<10240x128xf32, #tpu.memory_space<hbm>>) target(%dma_start3A_219 : memref<64x128xf32, #tpu.memory_space<vmem>>) offsets(%dma_start3A_222 : memref<64xi32, #tpu.memory_space<vmem>>) semaphore(%arg11 : memref<!tpu.dma_semaphore, #tpu.memory_space<semaphore_mem>>)
        } else {
        }
        %mul3A_143 = arith.constant 2 : i32
        %mul3A_144 = arith.muli %scan3A_85, %mul3A_143 : i32
        %add3A_145 = arith.constant 0 : i32
        %add3A_146 = arith.addi %mul3A_144, %add3A_145 : i32
        %run_scoped3A_147 = arith.constant 1 : i32
        "tpu.region"() ({
          %run_scoped3A_211 = tpu.sem_alloc : memref<!tpu.dma_semaphore, #tpu.memory_space<semaphore_mem>>
          %dma_start3A_212 = arith.constant 0 : i32
          %dma_start3A_213 = arith.constant 0 : i32
          %dma_start3A_214 = tpu.memref_slice %arg8[%run_scoped3A_147, %dma_start3A_212, %dma_start3A_213] : memref<4x64x128xf32, #tpu.memory_space<vmem>> -> memref<1x64x128xf32, #tpu.memory_space<vmem>>
          %dma_start3A_215 = tpu.memref_squeeze %dma_start3A_214 : memref<1x64x128xf32, #tpu.memory_space<vmem>> -> memref<64x128xf32, #tpu.memory_space<vmem>>
          %dma_start3A_216 = arith.constant 64 : i32
          %dma_start3A_217 = tpu.memref_slice %arg7[%rem3A_30, %add3A_146, %dma_start3A_216] : memref<2x16x128xi32, #tpu.memory_space<vmem>> -> memref<1x1x64xi32, #tpu.memory_space<vmem>>
          %dma_start3A_218 = tpu.memref_squeeze %dma_start3A_217 : memref<1x1x64xi32, #tpu.memory_space<vmem>> -> memref<64xi32, #tpu.memory_space<vmem>>
          %dma_start3A_219 = arith.constant 0 : i32
          %dma_start3A_220 = arith.constant 0 : i32
          %dma_start3A_221 = tpu.memref_slice %arg10[%dma_start3A_219, %dma_start3A_220] : memref<10240x128xf32, #tpu.memory_space<vmem_shared>> -> memref<10240x128xf32, #tpu.memory_space<vmem_shared>>
          tpu.enqueue_indirect_dma source(%dma_start3A_215 : memref<64x128xf32, #tpu.memory_space<vmem>>) target(%dma_start3A_221 : memref<10240x128xf32, #tpu.memory_space<vmem_shared>>) offsets(%dma_start3A_218 : memref<64xi32, #tpu.memory_space<vmem>>) semaphore(%run_scoped3A_211 : memref<!tpu.dma_semaphore, #tpu.memory_space<semaphore_mem>>) {add = true}
          %dma_wait3A_222 = arith.constant 0 : i32
          %dma_wait3A_223 = arith.constant 0 : i32
          %dma_wait3A_224 = tpu.memref_slice %arg8[%run_scoped3A_147, %dma_wait3A_222, %dma_wait3A_223] : memref<4x64x128xf32, #tpu.memory_space<vmem>> -> memref<1x64x128xf32, #tpu.memory_space<vmem>>
          %dma_wait3A_225 = tpu.memref_squeeze %dma_wait3A_224 : memref<1x64x128xf32, #tpu.memory_space<vmem>> -> memref<64x128xf32, #tpu.memory_space<vmem>>
          %dma_wait3A_226 = arith.constant 64 : i32
          %dma_wait3A_227 = tpu.memref_slice %arg7[%rem3A_30, %add3A_146, %dma_wait3A_226] : memref<2x16x128xi32, #tpu.memory_space<vmem>> -> memref<1x1x64xi32, #tpu.memory_space<vmem>>
          %dma_wait3A_228 = tpu.memref_squeeze %dma_wait3A_227 : memref<1x1x64xi32, #tpu.memory_space<vmem>> -> memref<64xi32, #tpu.memory_space<vmem>>
          %dma_wait3A_229 = arith.constant 0 : i32
          %dma_wait3A_230 = arith.constant 0 : i32
          %dma_wait3A_231 = tpu.memref_slice %arg10[%dma_wait3A_229, %dma_wait3A_230] : memref<10240x128xf32, #tpu.memory_space<vmem_shared>> -> memref<10240x128xf32, #tpu.memory_space<vmem_shared>>
          tpu.wait_indirect_dma semaphore(%run_scoped3A_211 : memref<!tpu.dma_semaphore, #tpu.memory_space<semaphore_mem>>) src(%dma_wait3A_225 : memref<64x128xf32, #tpu.memory_space<vmem>>) dst(%dma_wait3A_231 : memref<10240x128xf32, #tpu.memory_space<vmem_shared>>)
          tpu.yield
        }) : () -> ()
        %mul3A_148 = arith.constant 4 : i32
        %mul3A_149 = arith.muli %scan3A_85, %mul3A_148 : i32
        %add3A_150 = arith.constant 2 : i32
        %add3A_151 = arith.addi %mul3A_149, %add3A_150 : i32
        %mul3A_152 = arith.constant 2 : i32
        %mul3A_153 = arith.muli %scan3A_85, %mul3A_152 : i32
        %add3A_154 = arith.constant 1 : i32
        %add3A_155 = arith.addi %mul3A_153, %add3A_154 : i32
        %dma_wait3A_156 = arith.constant 2 : i32
        %dma_wait3A_157 = arith.constant 0 : i32
        %dma_wait3A_158 = arith.constant 0 : i32
        %dma_wait3A_159 = tpu.memref_slice %arg8[%dma_wait3A_156, %dma_wait3A_157, %dma_wait3A_158] : memref<4x64x128xf32, #tpu.memory_space<vmem>> -> memref<1x64x128xf32, #tpu.memory_space<vmem>>
        %dma_wait3A_160 = tpu.memref_squeeze %dma_wait3A_159 : memref<1x64x128xf32, #tpu.memory_space<vmem>> -> memref<64x128xf32, #tpu.memory_space<vmem>>
        %dma_wait3A_161 = arith.constant 0 : i32
        %dma_wait3A_162 = tpu.memref_slice %arg6[%rem3A_30, %add3A_155, %dma_wait3A_161] : memref<2x16x128xi32, #tpu.memory_space<vmem>> -> memref<1x1x64xi32, #tpu.memory_space<vmem>>
        %dma_wait3A_163 = tpu.memref_squeeze %dma_wait3A_162 : memref<1x1x64xi32, #tpu.memory_space<vmem>> -> memref<64xi32, #tpu.memory_space<vmem>>
        %dma_wait3A_164 = arith.constant 0 : i32
        %dma_wait3A_165 = arith.constant 0 : i32
        %dma_wait3A_166 = tpu.memref_slice %arg4[%dma_wait3A_164, %dma_wait3A_165] : memref<10240x128xf32, #tpu.memory_space<hbm>> -> memref<10240x128xf32, #tpu.memory_space<hbm>>
        tpu.wait_indirect_dma semaphore(%arg13 : memref<!tpu.dma_semaphore, #tpu.memory_space<semaphore_mem>>) src(%dma_wait3A_166 : memref<10240x128xf32, #tpu.memory_space<hbm>>) dst(%dma_wait3A_160 : memref<64x128xf32, #tpu.memory_space<vmem>>)
        %add3A_167 = arith.constant 3 : i32
        %add3A_168 = arith.addi %add3A_151, %add3A_167 : i32
        %lt3A_169 = arith.constant 32 : i32
        %lt3A_170 = arith.cmpi slt, %add3A_168, %lt3A_169 : i32
        %convert_element_type3A_171 = arith.extui %lt3A_170 : i1 to i32
        %cond3A_172 = arith.constant 0 : i32
        %cond3A_173 = arith.cmpi ne, %convert_element_type3A_171, %cond3A_172 : i32
        scf.if %cond3A_173 {
          %mul3A_211 = arith.constant 2 : i32
          %mul3A_212 = arith.muli %scan3A_85, %mul3A_211 : i32
          %add3A_213 = arith.constant 2 : i32
          %add3A_214 = arith.addi %mul3A_212, %add3A_213 : i32
          %dma_start3A_215 = arith.constant 1 : i32
          %dma_start3A_216 = arith.constant 0 : i32
          %dma_start3A_217 = arith.constant 0 : i32
          %dma_start3A_218 = tpu.memref_slice %arg8[%dma_start3A_215, %dma_start3A_216, %dma_start3A_217] : memref<4x64x128xf32, #tpu.memory_space<vmem>> -> memref<1x64x128xf32, #tpu.memory_space<vmem>>
          %dma_start3A_219 = tpu.memref_squeeze %dma_start3A_218 : memref<1x64x128xf32, #tpu.memory_space<vmem>> -> memref<64x128xf32, #tpu.memory_space<vmem>>
          %dma_start3A_220 = arith.constant 64 : i32
          %dma_start3A_221 = tpu.memref_slice %arg6[%rem3A_30, %add3A_214, %dma_start3A_220] : memref<2x16x128xi32, #tpu.memory_space<vmem>> -> memref<1x1x64xi32, #tpu.memory_space<vmem>>
          %dma_start3A_222 = tpu.memref_squeeze %dma_start3A_221 : memref<1x1x64xi32, #tpu.memory_space<vmem>> -> memref<64xi32, #tpu.memory_space<vmem>>
          %dma_start3A_223 = arith.constant 0 : i32
          %dma_start3A_224 = arith.constant 0 : i32
          %dma_start3A_225 = tpu.memref_slice %arg4[%dma_start3A_223, %dma_start3A_224] : memref<10240x128xf32, #tpu.memory_space<hbm>> -> memref<10240x128xf32, #tpu.memory_space<hbm>>
          tpu.enqueue_indirect_dma source(%dma_start3A_225 : memref<10240x128xf32, #tpu.memory_space<hbm>>) target(%dma_start3A_219 : memref<64x128xf32, #tpu.memory_space<vmem>>) offsets(%dma_start3A_222 : memref<64xi32, #tpu.memory_space<vmem>>) semaphore(%arg12 : memref<!tpu.dma_semaphore, #tpu.memory_space<semaphore_mem>>)
        } else {
        }
        %mul3A_174 = arith.constant 2 : i32
        %mul3A_175 = arith.muli %scan3A_85, %mul3A_174 : i32
        %add3A_176 = arith.constant 1 : i32
        %add3A_177 = arith.addi %mul3A_175, %add3A_176 : i32
        %run_scoped3A_178 = arith.constant 2 : i32
        "tpu.region"() ({
          %run_scoped3A_211 = tpu.sem_alloc : memref<!tpu.dma_semaphore, #tpu.memory_space<semaphore_mem>>
          %dma_start3A_212 = arith.constant 0 : i32
          %dma_start3A_213 = arith.constant 0 : i32
          %dma_start3A_214 = tpu.memref_slice %arg8[%run_scoped3A_178, %dma_start3A_212, %dma_start3A_213] : memref<4x64x128xf32, #tpu.memory_space<vmem>> -> memref<1x64x128xf32, #tpu.memory_space<vmem>>
          %dma_start3A_215 = tpu.memref_squeeze %dma_start3A_214 : memref<1x64x128xf32, #tpu.memory_space<vmem>> -> memref<64x128xf32, #tpu.memory_space<vmem>>
          %dma_start3A_216 = arith.constant 0 : i32
          %dma_start3A_217 = tpu.memref_slice %arg7[%rem3A_30, %add3A_177, %dma_start3A_216] : memref<2x16x128xi32, #tpu.memory_space<vmem>> -> memref<1x1x64xi32, #tpu.memory_space<vmem>>
          %dma_start3A_218 = tpu.memref_squeeze %dma_start3A_217 : memref<1x1x64xi32, #tpu.memory_space<vmem>> -> memref<64xi32, #tpu.memory_space<vmem>>
          %dma_start3A_219 = arith.constant 0 : i32
          %dma_start3A_220 = arith.constant 0 : i32
          %dma_start3A_221 = tpu.memref_slice %arg10[%dma_start3A_219, %dma_start3A_220] : memref<10240x128xf32, #tpu.memory_space<vmem_shared>> -> memref<10240x128xf32, #tpu.memory_space<vmem_shared>>
          tpu.enqueue_indirect_dma source(%dma_start3A_215 : memref<64x128xf32, #tpu.memory_space<vmem>>) target(%dma_start3A_221 : memref<10240x128xf32, #tpu.memory_space<vmem_shared>>) offsets(%dma_start3A_218 : memref<64xi32, #tpu.memory_space<vmem>>) semaphore(%run_scoped3A_211 : memref<!tpu.dma_semaphore, #tpu.memory_space<semaphore_mem>>) {add = true}
          %dma_wait3A_222 = arith.constant 0 : i32
          %dma_wait3A_223 = arith.constant 0 : i32
          %dma_wait3A_224 = tpu.memref_slice %arg8[%run_scoped3A_178, %dma_wait3A_222, %dma_wait3A_223] : memref<4x64x128xf32, #tpu.memory_space<vmem>> -> memref<1x64x128xf32, #tpu.memory_space<vmem>>
          %dma_wait3A_225 = tpu.memref_squeeze %dma_wait3A_224 : memref<1x64x128xf32, #tpu.memory_space<vmem>> -> memref<64x128xf32, #tpu.memory_space<vmem>>
          %dma_wait3A_226 = arith.constant 0 : i32
          %dma_wait3A_227 = tpu.memref_slice %arg7[%rem3A_30, %add3A_177, %dma_wait3A_226] : memref<2x16x128xi32, #tpu.memory_space<vmem>> -> memref<1x1x64xi32, #tpu.memory_space<vmem>>
          %dma_wait3A_228 = tpu.memref_squeeze %dma_wait3A_227 : memref<1x1x64xi32, #tpu.memory_space<vmem>> -> memref<64xi32, #tpu.memory_space<vmem>>
          %dma_wait3A_229 = arith.constant 0 : i32
          %dma_wait3A_230 = arith.constant 0 : i32
          %dma_wait3A_231 = tpu.memref_slice %arg10[%dma_wait3A_229, %dma_wait3A_230] : memref<10240x128xf32, #tpu.memory_space<vmem_shared>> -> memref<10240x128xf32, #tpu.memory_space<vmem_shared>>
          tpu.wait_indirect_dma semaphore(%run_scoped3A_211 : memref<!tpu.dma_semaphore, #tpu.memory_space<semaphore_mem>>) src(%dma_wait3A_225 : memref<64x128xf32, #tpu.memory_space<vmem>>) dst(%dma_wait3A_231 : memref<10240x128xf32, #tpu.memory_space<vmem_shared>>)
          tpu.yield
        }) : () -> ()
        %mul3A_179 = arith.constant 4 : i32
        %mul3A_180 = arith.muli %scan3A_85, %mul3A_179 : i32
        %add3A_181 = arith.constant 3 : i32
        %add3A_182 = arith.addi %mul3A_180, %add3A_181 : i32
        %mul3A_183 = arith.constant 2 : i32
        %mul3A_184 = arith.muli %scan3A_85, %mul3A_183 : i32
        %add3A_185 = arith.constant 1 : i32
        %add3A_186 = arith.addi %mul3A_184, %add3A_185 : i32
        %dma_wait3A_187 = arith.constant 3 : i32
        %dma_wait3A_188 = arith.constant 0 : i32
        %dma_wait3A_189 = arith.constant 0 : i32
        %dma_wait3A_190 = tpu.memref_slice %arg8[%dma_wait3A_187, %dma_wait3A_188, %dma_wait3A_189] : memref<4x64x128xf32, #tpu.memory_space<vmem>> -> memref<1x64x128xf32, #tpu.memory_space<vmem>>
        %dma_wait3A_191 = tpu.memref_squeeze %dma_wait3A_190 : memref<1x64x128xf32, #tpu.memory_space<vmem>> -> memref<64x128xf32, #tpu.memory_space<vmem>>
        %dma_wait3A_192 = arith.constant 64 : i32
        %dma_wait3A_193 = tpu.memref_slice %arg6[%rem3A_30, %add3A_186, %dma_wait3A_192] : memref<2x16x128xi32, #tpu.memory_space<vmem>> -> memref<1x1x64xi32, #tpu.memory_space<vmem>>
        %dma_wait3A_194 = tpu.memref_squeeze %dma_wait3A_193 : memref<1x1x64xi32, #tpu.memory_space<vmem>> -> memref<64xi32, #tpu.memory_space<vmem>>
        %dma_wait3A_195 = arith.constant 0 : i32
        %dma_wait3A_196 = arith.constant 0 : i32
        %dma_wait3A_197 = tpu.memref_slice %arg4[%dma_wait3A_195, %dma_wait3A_196] : memref<10240x128xf32, #tpu.memory_space<hbm>> -> memref<10240x128xf32, #tpu.memory_space<hbm>>
        tpu.wait_indirect_dma semaphore(%arg14 : memref<!tpu.dma_semaphore, #tpu.memory_space<semaphore_mem>>) src(%dma_wait3A_197 : memref<10240x128xf32, #tpu.memory_space<hbm>>) dst(%dma_wait3A_191 : memref<64x128xf32, #tpu.memory_space<vmem>>)
        %add3A_198 = arith.constant 3 : i32
        %add3A_199 = arith.addi %add3A_182, %add3A_198 : i32
        %lt3A_200 = arith.constant 32 : i32
        %lt3A_201 = arith.cmpi slt, %add3A_199, %lt3A_200 : i32
        %convert_element_type3A_202 = arith.extui %lt3A_201 : i1 to i32
        %cond3A_203 = arith.constant 0 : i32
        %cond3A_204 = arith.cmpi ne, %convert_element_type3A_202, %cond3A_203 : i32
        scf.if %cond3A_204 {
          %mul3A_211 = arith.constant 2 : i32
          %mul3A_212 = arith.muli %scan3A_85, %mul3A_211 : i32
          %add3A_213 = arith.constant 3 : i32
          %add3A_214 = arith.addi %mul3A_212, %add3A_213 : i32
          %dma_start3A_215 = arith.constant 2 : i32
          %dma_start3A_216 = arith.constant 0 : i32
          %dma_start3A_217 = arith.constant 0 : i32
          %dma_start3A_218 = tpu.memref_slice %arg8[%dma_start3A_215, %dma_start3A_216, %dma_start3A_217] : memref<4x64x128xf32, #tpu.memory_space<vmem>> -> memref<1x64x128xf32, #tpu.memory_space<vmem>>
          %dma_start3A_219 = tpu.memref_squeeze %dma_start3A_218 : memref<1x64x128xf32, #tpu.memory_space<vmem>> -> memref<64x128xf32, #tpu.memory_space<vmem>>
          %dma_start3A_220 = arith.constant 0 : i32
          %dma_start3A_221 = tpu.memref_slice %arg6[%rem3A_30, %add3A_214, %dma_start3A_220] : memref<2x16x128xi32, #tpu.memory_space<vmem>> -> memref<1x1x64xi32, #tpu.memory_space<vmem>>
          %dma_start3A_222 = tpu.memref_squeeze %dma_start3A_221 : memref<1x1x64xi32, #tpu.memory_space<vmem>> -> memref<64xi32, #tpu.memory_space<vmem>>
          %dma_start3A_223 = arith.constant 0 : i32
          %dma_start3A_224 = arith.constant 0 : i32
          %dma_start3A_225 = tpu.memref_slice %arg4[%dma_start3A_223, %dma_start3A_224] : memref<10240x128xf32, #tpu.memory_space<hbm>> -> memref<10240x128xf32, #tpu.memory_space<hbm>>
          tpu.enqueue_indirect_dma source(%dma_start3A_225 : memref<10240x128xf32, #tpu.memory_space<hbm>>) target(%dma_start3A_219 : memref<64x128xf32, #tpu.memory_space<vmem>>) offsets(%dma_start3A_222 : memref<64xi32, #tpu.memory_space<vmem>>) semaphore(%arg13 : memref<!tpu.dma_semaphore, #tpu.memory_space<semaphore_mem>>)
        } else {
        }
        %mul3A_205 = arith.constant 2 : i32
        %mul3A_206 = arith.muli %scan3A_85, %mul3A_205 : i32
        %add3A_207 = arith.constant 1 : i32
        %add3A_208 = arith.addi %mul3A_206, %add3A_207 : i32
        %run_scoped3A_209 = arith.constant 3 : i32
        "tpu.region"() ({
          %run_scoped3A_211 = tpu.sem_alloc : memref<!tpu.dma_semaphore, #tpu.memory_space<semaphore_mem>>
          %dma_start3A_212 = arith.constant 0 : i32
          %dma_start3A_213 = arith.constant 0 : i32
          %dma_start3A_214 = tpu.memref_slice %arg8[%run_scoped3A_209, %dma_start3A_212, %dma_start3A_213] : memref<4x64x128xf32, #tpu.memory_space<vmem>> -> memref<1x64x128xf32, #tpu.memory_space<vmem>>
          %dma_start3A_215 = tpu.memref_squeeze %dma_start3A_214 : memref<1x64x128xf32, #tpu.memory_space<vmem>> -> memref<64x128xf32, #tpu.memory_space<vmem>>
          %dma_start3A_216 = arith.constant 64 : i32
          %dma_start3A_217 = tpu.memref_slice %arg7[%rem3A_30, %add3A_208, %dma_start3A_216] : memref<2x16x128xi32, #tpu.memory_space<vmem>> -> memref<1x1x64xi32, #tpu.memory_space<vmem>>
          %dma_start3A_218 = tpu.memref_squeeze %dma_start3A_217 : memref<1x1x64xi32, #tpu.memory_space<vmem>> -> memref<64xi32, #tpu.memory_space<vmem>>
          %dma_start3A_219 = arith.constant 0 : i32
          %dma_start3A_220 = arith.constant 0 : i32
          %dma_start3A_221 = tpu.memref_slice %arg10[%dma_start3A_219, %dma_start3A_220] : memref<10240x128xf32, #tpu.memory_space<vmem_shared>> -> memref<10240x128xf32, #tpu.memory_space<vmem_shared>>
          tpu.enqueue_indirect_dma source(%dma_start3A_215 : memref<64x128xf32, #tpu.memory_space<vmem>>) target(%dma_start3A_221 : memref<10240x128xf32, #tpu.memory_space<vmem_shared>>) offsets(%dma_start3A_218 : memref<64xi32, #tpu.memory_space<vmem>>) semaphore(%run_scoped3A_211 : memref<!tpu.dma_semaphore, #tpu.memory_space<semaphore_mem>>) {add = true}
          %dma_wait3A_222 = arith.constant 0 : i32
          %dma_wait3A_223 = arith.constant 0 : i32
          %dma_wait3A_224 = tpu.memref_slice %arg8[%run_scoped3A_209, %dma_wait3A_222, %dma_wait3A_223] : memref<4x64x128xf32, #tpu.memory_space<vmem>> -> memref<1x64x128xf32, #tpu.memory_space<vmem>>
          %dma_wait3A_225 = tpu.memref_squeeze %dma_wait3A_224 : memref<1x64x128xf32, #tpu.memory_space<vmem>> -> memref<64x128xf32, #tpu.memory_space<vmem>>
          %dma_wait3A_226 = arith.constant 64 : i32
          %dma_wait3A_227 = tpu.memref_slice %arg7[%rem3A_30, %add3A_208, %dma_wait3A_226] : memref<2x16x128xi32, #tpu.memory_space<vmem>> -> memref<1x1x64xi32, #tpu.memory_space<vmem>>
          %dma_wait3A_228 = tpu.memref_squeeze %dma_wait3A_227 : memref<1x1x64xi32, #tpu.memory_space<vmem>> -> memref<64xi32, #tpu.memory_space<vmem>>
          %dma_wait3A_229 = arith.constant 0 : i32
          %dma_wait3A_230 = arith.constant 0 : i32
          %dma_wait3A_231 = tpu.memref_slice %arg10[%dma_wait3A_229, %dma_wait3A_230] : memref<10240x128xf32, #tpu.memory_space<vmem_shared>> -> memref<10240x128xf32, #tpu.memory_space<vmem_shared>>
          tpu.wait_indirect_dma semaphore(%run_scoped3A_211 : memref<!tpu.dma_semaphore, #tpu.memory_space<semaphore_mem>>) src(%dma_wait3A_225 : memref<64x128xf32, #tpu.memory_space<vmem>>) dst(%dma_wait3A_231 : memref<10240x128xf32, #tpu.memory_space<vmem_shared>>)
          tpu.yield
        }) : () -> ()
        %scan3A_210 = arith.constant 0 : i32
        scf.yield %scan3A_210 : i32
      }
      %scan3A_76 = arith.constant 8 : i32
      %add3A_77 = arith.constant 1 : i32
      %add3A_78 = arith.addi %scan3A_28, %add3A_77 : i32
      %lt3A_79 = arith.constant 5 : i32
      %lt3A_80 = arith.cmpi slt, %add3A_78, %lt3A_79 : i32
      %convert_element_type3A_81 = arith.extui %lt3A_80 : i1 to i32
      %cond3A_82 = arith.constant 0 : i32
      %cond3A_83 = arith.cmpi ne, %convert_element_type3A_81, %cond3A_82 : i32
      scf.if %cond3A_83 {
        %add3A_85 = arith.constant 1 : i32
        %add3A_86 = arith.addi %scan3A_28, %add3A_85 : i32
        %sub3A = arith.constant 1 : i32
        %sub3A_87 = arith.subi %sub3A, %rem3A_30 : i32
        %dma_wait3A = arith.constant 0 : i32
        %dma_wait3A_88 = arith.constant 0 : i32
        %dma_wait3A_89 = tpu.memref_slice %arg6[%sub3A_87, %dma_wait3A, %dma_wait3A_88] : memref<2x16x128xi32, #tpu.memory_space<vmem>> -> memref<1x16x128xi32, #tpu.memory_space<vmem>>
        %dma_wait3A_90 = tpu.memref_squeeze %dma_wait3A_89 : memref<1x16x128xi32, #tpu.memory_space<vmem>> -> memref<16x128xi32, #tpu.memory_space<vmem>>
        %dma_wait3A_91 = arith.constant 0 : i32
        %dma_wait3A_92 = arith.constant 0 : i32
        %dma_wait3A_93 = tpu.memref_slice %arg2[%add3A, %add3A_86, %dma_wait3A_91, %dma_wait3A_92] : memref<32x5x16x128xi32, #tpu.memory_space<hbm>> -> memref<1x1x16x128xi32, #tpu.memory_space<hbm>>
        %dma_wait3A_94 = tpu.memref_squeeze %dma_wait3A_93 : memref<1x1x16x128xi32, #tpu.memory_space<hbm>> -> memref<16x128xi32, #tpu.memory_space<hbm>>
        %dma_wait3A_95 = arith.constant 0 : i32
        %dma_wait3A_96 = arith.constant 0 : i32
        %dma_wait3A_97 = tpu.memref_slice %arg6[%sub3A_87, %dma_wait3A_95, %dma_wait3A_96] : memref<2x16x128xi32, #tpu.memory_space<vmem>> -> memref<1x16x128xi32, #tpu.memory_space<vmem>>
        %dma_wait3A_98 = tpu.memref_squeeze %dma_wait3A_97 : memref<1x16x128xi32, #tpu.memory_space<vmem>> -> memref<16x128xi32, #tpu.memory_space<vmem>>
        %dma_wait3A_99 = arith.constant 0 : i32
        %dma_wait3A_100 = arith.constant 0 : i32
        %dma_wait3A_101 = tpu.memref_slice %arg2[%add3A, %add3A_86, %dma_wait3A_99, %dma_wait3A_100] : memref<32x5x16x128xi32, #tpu.memory_space<hbm>> -> memref<1x1x16x128xi32, #tpu.memory_space<hbm>>
        %dma_wait3A_102 = tpu.memref_squeeze %dma_wait3A_101 : memref<1x1x16x128xi32, #tpu.memory_space<hbm>> -> memref<16x128xi32, #tpu.memory_space<hbm>>
        tpu.wait_dma2 semaphore(%arg15 : memref<!tpu.dma_semaphore, #tpu.memory_space<semaphore_mem>>) src(%dma_wait3A_102 : memref<16x128xi32, #tpu.memory_space<hbm>>) dst(%dma_wait3A_98 : memref<16x128xi32, #tpu.memory_space<vmem>>)
        %add3A_103 = arith.constant 1 : i32
        %add3A_104 = arith.addi %scan3A_28, %add3A_103 : i32
        %sub3A_105 = arith.constant 1 : i32
        %sub3A_106 = arith.subi %sub3A_105, %rem3A_30 : i32
        %dma_wait3A_107 = arith.constant 0 : i32
        %dma_wait3A_108 = arith.constant 0 : i32
        %dma_wait3A_109 = tpu.memref_slice %arg7[%sub3A_106, %dma_wait3A_107, %dma_wait3A_108] : memref<2x16x128xi32, #tpu.memory_space<vmem>> -> memref<1x16x128xi32, #tpu.memory_space<vmem>>
        %dma_wait3A_110 = tpu.memref_squeeze %dma_wait3A_109 : memref<1x16x128xi32, #tpu.memory_space<vmem>> -> memref<16x128xi32, #tpu.memory_space<vmem>>
        %dma_wait3A_111 = arith.constant 0 : i32
        %dma_wait3A_112 = arith.constant 0 : i32
        %dma_wait3A_113 = tpu.memref_slice %arg3[%add3A, %add3A_104, %dma_wait3A_111, %dma_wait3A_112] : memref<32x5x16x128xi32, #tpu.memory_space<hbm>> -> memref<1x1x16x128xi32, #tpu.memory_space<hbm>>
        %dma_wait3A_114 = tpu.memref_squeeze %dma_wait3A_113 : memref<1x1x16x128xi32, #tpu.memory_space<hbm>> -> memref<16x128xi32, #tpu.memory_space<hbm>>
        %dma_wait3A_115 = arith.constant 0 : i32
        %dma_wait3A_116 = arith.constant 0 : i32
        %dma_wait3A_117 = tpu.memref_slice %arg7[%sub3A_106, %dma_wait3A_115, %dma_wait3A_116] : memref<2x16x128xi32, #tpu.memory_space<vmem>> -> memref<1x16x128xi32, #tpu.memory_space<vmem>>
        %dma_wait3A_118 = tpu.memref_squeeze %dma_wait3A_117 : memref<1x16x128xi32, #tpu.memory_space<vmem>> -> memref<16x128xi32, #tpu.memory_space<vmem>>
        %dma_wait3A_119 = arith.constant 0 : i32
        %dma_wait3A_120 = arith.constant 0 : i32
        %dma_wait3A_121 = tpu.memref_slice %arg3[%add3A, %add3A_104, %dma_wait3A_119, %dma_wait3A_120] : memref<32x5x16x128xi32, #tpu.memory_space<hbm>> -> memref<1x1x16x128xi32, #tpu.memory_space<hbm>>
        %dma_wait3A_122 = tpu.memref_squeeze %dma_wait3A_121 : memref<1x1x16x128xi32, #tpu.memory_space<hbm>> -> memref<16x128xi32, #tpu.memory_space<hbm>>
        tpu.wait_dma2 semaphore(%arg15 : memref<!tpu.dma_semaphore, #tpu.memory_space<semaphore_mem>>) src(%dma_wait3A_122 : memref<16x128xi32, #tpu.memory_space<hbm>>) dst(%dma_wait3A_118 : memref<16x128xi32, #tpu.memory_space<vmem>>)
      } else {
      }
      %scan3A_84 = arith.constant 0 : i32
      scf.yield %scan3A_84 : i32
    }
    %scan3A_24 = arith.constant 5 : i32
    %barrier3A_25 = arith.constant 0 : index
    tpu.barrier barrier_id(%barrier3A_25)
    %mul3A_26 = arith.constant 640 : i32
    %mul3A_27 = arith.muli %arg1, %mul3A_26 : i32
    %multiple_of3A = tpu.assume_multiple %mul3A_27, 640 : i32
    "tpu.region"() ({
      %run_scoped3A_28 = tpu.sem_alloc : memref<!tpu.dma_semaphore, #tpu.memory_space<semaphore_mem>>
      %dma_start3A = arith.constant 0 : i32
      %dma_start3A_29 = tpu.memref_slice %arg5[%arg0, %multiple_of3A, %dma_start3A] : memref<2x10240x128xf32, #tpu.memory_space<hbm>> -> memref<1x640x128xf32, #tpu.memory_space<hbm>>
      %dma_start3A_30 = tpu.memref_squeeze %dma_start3A_29 : memref<1x640x128xf32, #tpu.memory_space<hbm>> -> memref<640x128xf32, #tpu.memory_space<hbm>>
      %dma_start3A_31 = arith.constant 0 : i32
      %dma_start3A_32 = tpu.memref_slice %arg10[%multiple_of3A, %dma_start3A_31] : memref<10240x128xf32, #tpu.memory_space<vmem_shared>> -> memref<640x128xf32, #tpu.memory_space<vmem_shared>>
      tpu.enqueue_dma source(%dma_start3A_32 : memref<640x128xf32, #tpu.memory_space<vmem_shared>>) target(%dma_start3A_30 : memref<640x128xf32, #tpu.memory_space<hbm>>) target_semaphore(%run_scoped3A_28 : memref<!tpu.dma_semaphore, #tpu.memory_space<semaphore_mem>>)
      %dma_wait3A = arith.constant 0 : i32
      %dma_wait3A_33 = tpu.memref_slice %arg5[%arg0, %multiple_of3A, %dma_wait3A] : memref<2x10240x128xf32, #tpu.memory_space<hbm>> -> memref<1x640x128xf32, #tpu.memory_space<hbm>>
      %dma_wait3A_34 = tpu.memref_squeeze %dma_wait3A_33 : memref<1x640x128xf32, #tpu.memory_space<hbm>> -> memref<640x128xf32, #tpu.memory_space<hbm>>
      %dma_wait3A_35 = arith.constant 0 : i32
      %dma_wait3A_36 = tpu.memref_slice %arg10[%multiple_of3A, %dma_wait3A_35] : memref<10240x128xf32, #tpu.memory_space<vmem_shared>> -> memref<640x128xf32, #tpu.memory_space<vmem_shared>>
      tpu.wait_dma2 semaphore(%run_scoped3A_28 : memref<!tpu.dma_semaphore, #tpu.memory_space<semaphore_mem>>) src(%dma_wait3A_36 : memref<640x128xf32, #tpu.memory_space<vmem_shared>>) dst(%dma_wait3A_34 : memref<640x128xf32, #tpu.memory_space<hbm>>)
      tpu.yield
    }) : () -> ()
    return
  }
}

#map = affine_map<(d0, d1) -> (0, 0, 0, 0)>
#map1 = affine_map<(d0, d1) -> (0, 0)>
#map2 = affine_map<(d0, d1) -> (0, 0, 0)>
module attributes {stable_mosaic.version = 14 : i64} {
  func.func @edge_kernel(%arg0: i32, %arg1: i32, %arg2: memref<32x5x16x128xi32, #tpu.memory_space<hbm>>, %arg3: memref<32x5x16x128xi32, #tpu.memory_space<hbm>>, %arg4: memref<10240x128xf32, #tpu.memory_space<hbm>>, %arg5: memref<2x10240x128xf32, #tpu.memory_space<hbm>>, %arg6: memref<2x16x128xi32, #tpu.memory_space<vmem>>, %arg7: memref<2x16x128xi32, #tpu.memory_space<vmem>>, %arg8: memref<4x64x128xf32, #tpu.memory_space<vmem>>, %arg9: memref<16x128xf32, #tpu.memory_space<vmem>>, %arg10: memref<10240x128xf32, #tpu.memory_space<vmem_shared>>, %arg11: memref<!tpu.dma_semaphore, #tpu.memory_space<semaphore_mem>>, %arg12: memref<!tpu.dma_semaphore, #tpu.memory_space<semaphore_mem>>, %arg13: memref<!tpu.dma_semaphore, #tpu.memory_space<semaphore_mem>>, %arg14: memref<!tpu.dma_semaphore, #tpu.memory_space<semaphore_mem>>, %arg15: memref<!tpu.dma_semaphore, #tpu.memory_space<semaphore_mem>>) attributes {dimension_semantics = [#tpu.dimension_semantics<core_parallel>, #tpu.dimension_semantics<subcore_parallel>], iteration_bounds = array<i64: 2, 16>, scalar_prefetch = 0 : i64, scratch_operands = 10 : i64, tpu.core_type = #tpu.core_type<sc_vector_subcore>, window_params = [{transform_indices = #map}, {transform_indices = #map}, {transform_indices = #map1}, {transform_indices = #map2}]} {
    %mul3A = arith.constant 16 : i32
    %mul3A_0 = arith.muli %arg0, %mul3A : i32
    %add3A = arith.addi %mul3A_0, %arg1 : i32
    %run_scoped3A = arith.constant 0 : i32
    %run_scoped3A_1 = arith.constant 0 : i32
    "tpu.region"() ({
      %run_scoped3A_28 = tpu.sem_alloc : memref<!tpu.dma_semaphore, #tpu.memory_space<semaphore_mem>>
      %dma_start3A = arith.constant 0 : i32
      %dma_start3A_29 = arith.constant 0 : i32
      %dma_start3A_30 = tpu.memref_slice %arg6[%run_scoped3A_1, %dma_start3A, %dma_start3A_29] : memref<2x16x128xi32, #tpu.memory_space<vmem>> -> memref<1x16x128xi32, #tpu.memory_space<vmem>>
      %dma_start3A_31 = tpu.memref_squeeze %dma_start3A_30 : memref<1x16x128xi32, #tpu.memory_space<vmem>> -> memref<16x128xi32, #tpu.memory_space<vmem>>
      %dma_start3A_32 = arith.constant 0 : i32
      %dma_start3A_33 = arith.constant 0 : i32
      %dma_start3A_34 = tpu.memref_slice %arg2[%add3A, %run_scoped3A, %dma_start3A_32, %dma_start3A_33] : memref<32x5x16x128xi32, #tpu.memory_space<hbm>> -> memref<1x1x16x128xi32, #tpu.memory_space<hbm>>
      %dma_start3A_35 = tpu.memref_squeeze %dma_start3A_34 : memref<1x1x16x128xi32, #tpu.memory_space<hbm>> -> memref<16x128xi32, #tpu.memory_space<hbm>>
      %dma_start3A_36 = arith.constant 0 : i32
      %dma_start3A_37 = arith.constant 0 : i32
      %dma_start3A_38 = tpu.memref_slice %arg6[%run_scoped3A_1, %dma_start3A_36, %dma_start3A_37] : memref<2x16x128xi32, #tpu.memory_space<vmem>> -> memref<1x16x128xi32, #tpu.memory_space<vmem>>
      %dma_start3A_39 = tpu.memref_squeeze %dma_start3A_38 : memref<1x16x128xi32, #tpu.memory_space<vmem>> -> memref<16x128xi32, #tpu.memory_space<vmem>>
      %dma_start3A_40 = arith.constant 0 : i32
      %dma_start3A_41 = arith.constant 0 : i32
      %dma_start3A_42 = tpu.memref_slice %arg2[%add3A, %run_scoped3A, %dma_start3A_40, %dma_start3A_41] : memref<32x5x16x128xi32, #tpu.memory_space<hbm>> -> memref<1x1x16x128xi32, #tpu.memory_space<hbm>>
      %dma_start3A_43 = tpu.memref_squeeze %dma_start3A_42 : memref<1x1x16x128xi32, #tpu.memory_space<hbm>> -> memref<16x128xi32, #tpu.memory_space<hbm>>
      tpu.enqueue_dma source(%dma_start3A_43 : memref<16x128xi32, #tpu.memory_space<hbm>>) target(%dma_start3A_39 : memref<16x128xi32, #tpu.memory_space<vmem>>) target_semaphore(%run_scoped3A_28 : memref<!tpu.dma_semaphore, #tpu.memory_space<semaphore_mem>>)
      %dma_wait3A = arith.constant 0 : i32
      %dma_wait3A_44 = arith.constant 0 : i32
      %dma_wait3A_45 = tpu.memref_slice %arg6[%run_scoped3A_1, %dma_wait3A, %dma_wait3A_44] : memref<2x16x128xi32, #tpu.memory_space<vmem>> -> memref<1x16x128xi32, #tpu.memory_space<vmem>>
      %dma_wait3A_46 = tpu.memref_squeeze %dma_wait3A_45 : memref<1x16x128xi32, #tpu.memory_space<vmem>> -> memref<16x128xi32, #tpu.memory_space<vmem>>
      %dma_wait3A_47 = arith.constant 0 : i32
      %dma_wait3A_48 = arith.constant 0 : i32
      %dma_wait3A_49 = tpu.memref_slice %arg2[%add3A, %run_scoped3A, %dma_wait3A_47, %dma_wait3A_48] : memref<32x5x16x128xi32, #tpu.memory_space<hbm>> -> memref<1x1x16x128xi32, #tpu.memory_space<hbm>>
      %dma_wait3A_50 = tpu.memref_squeeze %dma_wait3A_49 : memref<1x1x16x128xi32, #tpu.memory_space<hbm>> -> memref<16x128xi32, #tpu.memory_space<hbm>>
      %dma_wait3A_51 = arith.constant 0 : i32
      %dma_wait3A_52 = arith.constant 0 : i32
      %dma_wait3A_53 = tpu.memref_slice %arg6[%run_scoped3A_1, %dma_wait3A_51, %dma_wait3A_52] : memref<2x16x128xi32, #tpu.memory_space<vmem>> -> memref<1x16x128xi32, #tpu.memory_space<vmem>>
      %dma_wait3A_54 = tpu.memref_squeeze %dma_wait3A_53 : memref<1x16x128xi32, #tpu.memory_space<vmem>> -> memref<16x128xi32, #tpu.memory_space<vmem>>
      %dma_wait3A_55 = arith.constant 0 : i32
      %dma_wait3A_56 = arith.constant 0 : i32
      %dma_wait3A_57 = tpu.memref_slice %arg2[%add3A, %run_scoped3A, %dma_wait3A_55, %dma_wait3A_56] : memref<32x5x16x128xi32, #tpu.memory_space<hbm>> -> memref<1x1x16x128xi32, #tpu.memory_space<hbm>>
      %dma_wait3A_58 = tpu.memref_squeeze %dma_wait3A_57 : memref<1x1x16x128xi32, #tpu.memory_space<hbm>> -> memref<16x128xi32, #tpu.memory_space<hbm>>
      tpu.wait_dma2 semaphore(%run_scoped3A_28 : memref<!tpu.dma_semaphore, #tpu.memory_space<semaphore_mem>>) src(%dma_wait3A_58 : memref<16x128xi32, #tpu.memory_space<hbm>>) dst(%dma_wait3A_54 : memref<16x128xi32, #tpu.memory_space<vmem>>)
      tpu.yield
    }) : () -> ()
    %run_scoped3A_2 = arith.constant 0 : i32
    %run_scoped3A_3 = arith.constant 0 : i32
    "tpu.region"() ({
      %run_scoped3A_28 = tpu.sem_alloc : memref<!tpu.dma_semaphore, #tpu.memory_space<semaphore_mem>>
      %dma_start3A = arith.constant 0 : i32
      %dma_start3A_29 = arith.constant 0 : i32
      %dma_start3A_30 = tpu.memref_slice %arg7[%run_scoped3A_3, %dma_start3A, %dma_start3A_29] : memref<2x16x128xi32, #tpu.memory_space<vmem>> -> memref<1x16x128xi32, #tpu.memory_space<vmem>>
      %dma_start3A_31 = tpu.memref_squeeze %dma_start3A_30 : memref<1x16x128xi32, #tpu.memory_space<vmem>> -> memref<16x128xi32, #tpu.memory_space<vmem>>
      %dma_start3A_32 = arith.constant 0 : i32
      %dma_start3A_33 = arith.constant 0 : i32
      %dma_start3A_34 = tpu.memref_slice %arg3[%add3A, %run_scoped3A_2, %dma_start3A_32, %dma_start3A_33] : memref<32x5x16x128xi32, #tpu.memory_space<hbm>> -> memref<1x1x16x128xi32, #tpu.memory_space<hbm>>
      %dma_start3A_35 = tpu.memref_squeeze %dma_start3A_34 : memref<1x1x16x128xi32, #tpu.memory_space<hbm>> -> memref<16x128xi32, #tpu.memory_space<hbm>>
      %dma_start3A_36 = arith.constant 0 : i32
      %dma_start3A_37 = arith.constant 0 : i32
      %dma_start3A_38 = tpu.memref_slice %arg7[%run_scoped3A_3, %dma_start3A_36, %dma_start3A_37] : memref<2x16x128xi32, #tpu.memory_space<vmem>> -> memref<1x16x128xi32, #tpu.memory_space<vmem>>
      %dma_start3A_39 = tpu.memref_squeeze %dma_start3A_38 : memref<1x16x128xi32, #tpu.memory_space<vmem>> -> memref<16x128xi32, #tpu.memory_space<vmem>>
      %dma_start3A_40 = arith.constant 0 : i32
      %dma_start3A_41 = arith.constant 0 : i32
      %dma_start3A_42 = tpu.memref_slice %arg3[%add3A, %run_scoped3A_2, %dma_start3A_40, %dma_start3A_41] : memref<32x5x16x128xi32, #tpu.memory_space<hbm>> -> memref<1x1x16x128xi32, #tpu.memory_space<hbm>>
      %dma_start3A_43 = tpu.memref_squeeze %dma_start3A_42 : memref<1x1x16x128xi32, #tpu.memory_space<hbm>> -> memref<16x128xi32, #tpu.memory_space<hbm>>
      tpu.enqueue_dma source(%dma_start3A_43 : memref<16x128xi32, #tpu.memory_space<hbm>>) target(%dma_start3A_39 : memref<16x128xi32, #tpu.memory_space<vmem>>) target_semaphore(%run_scoped3A_28 : memref<!tpu.dma_semaphore, #tpu.memory_space<semaphore_mem>>)
      %dma_wait3A = arith.constant 0 : i32
      %dma_wait3A_44 = arith.constant 0 : i32
      %dma_wait3A_45 = tpu.memref_slice %arg7[%run_scoped3A_3, %dma_wait3A, %dma_wait3A_44] : memref<2x16x128xi32, #tpu.memory_space<vmem>> -> memref<1x16x128xi32, #tpu.memory_space<vmem>>
      %dma_wait3A_46 = tpu.memref_squeeze %dma_wait3A_45 : memref<1x16x128xi32, #tpu.memory_space<vmem>> -> memref<16x128xi32, #tpu.memory_space<vmem>>
      %dma_wait3A_47 = arith.constant 0 : i32
      %dma_wait3A_48 = arith.constant 0 : i32
      %dma_wait3A_49 = tpu.memref_slice %arg3[%add3A, %run_scoped3A_2, %dma_wait3A_47, %dma_wait3A_48] : memref<32x5x16x128xi32, #tpu.memory_space<hbm>> -> memref<1x1x16x128xi32, #tpu.memory_space<hbm>>
      %dma_wait3A_50 = tpu.memref_squeeze %dma_wait3A_49 : memref<1x1x16x128xi32, #tpu.memory_space<hbm>> -> memref<16x128xi32, #tpu.memory_space<hbm>>
      %dma_wait3A_51 = arith.constant 0 : i32
      %dma_wait3A_52 = arith.constant 0 : i32
      %dma_wait3A_53 = tpu.memref_slice %arg7[%run_scoped3A_3, %dma_wait3A_51, %dma_wait3A_52] : memref<2x16x128xi32, #tpu.memory_space<vmem>> -> memref<1x16x128xi32, #tpu.memory_space<vmem>>
      %dma_wait3A_54 = tpu.memref_squeeze %dma_wait3A_53 : memref<1x16x128xi32, #tpu.memory_space<vmem>> -> memref<16x128xi32, #tpu.memory_space<vmem>>
      %dma_wait3A_55 = arith.constant 0 : i32
      %dma_wait3A_56 = arith.constant 0 : i32
      %dma_wait3A_57 = tpu.memref_slice %arg3[%add3A, %run_scoped3A_2, %dma_wait3A_55, %dma_wait3A_56] : memref<32x5x16x128xi32, #tpu.memory_space<hbm>> -> memref<1x1x16x128xi32, #tpu.memory_space<hbm>>
      %dma_wait3A_58 = tpu.memref_squeeze %dma_wait3A_57 : memref<1x1x16x128xi32, #tpu.memory_space<hbm>> -> memref<16x128xi32, #tpu.memory_space<hbm>>
      tpu.wait_dma2 semaphore(%run_scoped3A_28 : memref<!tpu.dma_semaphore, #tpu.memory_space<semaphore_mem>>) src(%dma_wait3A_58 : memref<16x128xi32, #tpu.memory_space<hbm>>) dst(%dma_wait3A_54 : memref<16x128xi32, #tpu.memory_space<vmem>>)
      tpu.yield
    }) : () -> ()
    %broadcast_in_dim3A = arith.constant 0.000000e+00 : f32
    %broadcast_in_dim3A_4 = vector.broadcast %broadcast_in_dim3A : f32 to vector<16xf32>
    %scan3A = arith.constant 0 : i32
    %scan3A_5 = arith.constant 0 : i32
    %scan3A_6 = arith.constant 16 : i32
    %scan3A_7 = arith.addi %scan3A_5, %scan3A_6 : i32
    %scan3A_8 = arith.constant 1 : i32
    %scan3A_9 = scf.for %scan3A_28 = %scan3A_5 to %scan3A_7 step %scan3A_8 iter_args(%scan3A_29 = %scan3A) -> (i32)  : i32 {
      %swap3A = arith.index_cast %scan3A_28 : i32 to index
      %swap3A_30 = arith.constant 0 : index
      %swap3A_31 = tpu.vector_load %arg9[%swap3A, %swap3A_30] {strides = array<i32>} : memref<16x128xf32, #tpu.memory_space<vmem>>, vector<16xf32>,
      tpu.vector_store %arg9[%swap3A, %swap3A_30], %broadcast_in_dim3A_4 {strides = array<i32>} : memref<16x128xf32, #tpu.memory_space<vmem>>, vector<16xf32>,
      %swap3A_32 = arith.index_cast %scan3A_28 : i32 to index
      %swap3A_33 = arith.constant 16 : index
      %swap3A_34 = tpu.vector_load %arg9[%swap3A_32, %swap3A_33] {strides = array<i32>} : memref<16x128xf32, #tpu.memory_space<vmem>>, vector<16xf32>,
      tpu.vector_store %arg9[%swap3A_32, %swap3A_33], %broadcast_in_dim3A_4 {strides = array<i32>} : memref<16x128xf32, #tpu.memory_space<vmem>>, vector<16xf32>,
      %swap3A_35 = arith.index_cast %scan3A_28 : i32 to index
      %swap3A_36 = arith.constant 32 : index
      %swap3A_37 = tpu.vector_load %arg9[%swap3A_35, %swap3A_36] {strides = array<i32>} : memref<16x128xf32, #tpu.memory_space<vmem>>, vector<16xf32>,
      tpu.vector_store %arg9[%swap3A_35, %swap3A_36], %broadcast_in_dim3A_4 {strides = array<i32>} : memref<16x128xf32, #tpu.memory_space<vmem>>, vector<16xf32>,
      %swap3A_38 = arith.index_cast %scan3A_28 : i32 to index
      %swap3A_39 = arith.constant 48 : index
      %swap3A_40 = tpu.vector_load %arg9[%swap3A_38, %swap3A_39] {strides = array<i32>} : memref<16x128xf32, #tpu.memory_space<vmem>>, vector<16xf32>,
      tpu.vector_store %arg9[%swap3A_38, %swap3A_39], %broadcast_in_dim3A_4 {strides = array<i32>} : memref<16x128xf32, #tpu.memory_space<vmem>>, vector<16xf32>,
      %swap3A_41 = arith.index_cast %scan3A_28 : i32 to index
      %swap3A_42 = arith.constant 64 : index
      %swap3A_43 = tpu.vector_load %arg9[%swap3A_41, %swap3A_42] {strides = array<i32>} : memref<16x128xf32, #tpu.memory_space<vmem>>, vector<16xf32>,
      tpu.vector_store %arg9[%swap3A_41, %swap3A_42], %broadcast_in_dim3A_4 {strides = array<i32>} : memref<16x128xf32, #tpu.memory_space<vmem>>, vector<16xf32>,
      %swap3A_44 = arith.index_cast %scan3A_28 : i32 to index
      %swap3A_45 = arith.constant 80 : index
      %swap3A_46 = tpu.vector_load %arg9[%swap3A_44, %swap3A_45] {strides = array<i32>} : memref<16x128xf32, #tpu.memory_space<vmem>>, vector<16xf32>,
      tpu.vector_store %arg9[%swap3A_44, %swap3A_45], %broadcast_in_dim3A_4 {strides = array<i32>} : memref<16x128xf32, #tpu.memory_space<vmem>>, vector<16xf32>,
      %swap3A_47 = arith.index_cast %scan3A_28 : i32 to index
      %swap3A_48 = arith.constant 96 : index
      %swap3A_49 = tpu.vector_load %arg9[%swap3A_47, %swap3A_48] {strides = array<i32>} : memref<16x128xf32, #tpu.memory_space<vmem>>, vector<16xf32>,
      tpu.vector_store %arg9[%swap3A_47, %swap3A_48], %broadcast_in_dim3A_4 {strides = array<i32>} : memref<16x128xf32, #tpu.memory_space<vmem>>, vector<16xf32>,
      %swap3A_50 = arith.index_cast %scan3A_28 : i32 to index
      %swap3A_51 = arith.constant 112 : index
      %swap3A_52 = tpu.vector_load %arg9[%swap3A_50, %swap3A_51] {strides = array<i32>} : memref<16x128xf32, #tpu.memory_space<vmem>>, vector<16xf32>,
      tpu.vector_store %arg9[%swap3A_50, %swap3A_51], %broadcast_in_dim3A_4 {strides = array<i32>} : memref<16x128xf32, #tpu.memory_space<vmem>>, vector<16xf32>,
      %scan3A_53 = arith.constant 0 : i32
      scf.yield %scan3A_53 : i32
    }
    %scan3A_10 = arith.constant 16 : i32
    %scan3A_11 = arith.constant 0 : i32
    %scan3A_12 = arith.constant 0 : i32
    %scan3A_13 = arith.constant 40 : i32
    %scan3A_14 = arith.addi %scan3A_12, %scan3A_13 : i32
    %scan3A_15 = arith.constant 1 : i32
    %scan3A_16 = scf.for %scan3A_28 = %scan3A_12 to %scan3A_14 step %scan3A_15 iter_args(%scan3A_29 = %scan3A_11) -> (i32)  : i32 {
      %mul3A_30 = arith.constant 640 : i32
      %mul3A_31 = arith.muli %arg1, %mul3A_30 : i32
      %mul3A_32 = arith.constant 16 : i32
      %mul3A_33 = arith.muli %scan3A_28, %mul3A_32 : i32
      %add3A_34 = arith.addi %mul3A_31, %mul3A_33 : i32
      %multiple_of3A_35 = tpu.assume_multiple %add3A_34, 16 : i32
      "tpu.region"() ({
        %run_scoped3A_37 = tpu.sem_alloc : memref<!tpu.dma_semaphore, #tpu.memory_space<semaphore_mem>>
        %dma_start3A = arith.constant 0 : i32
        %dma_start3A_38 = tpu.memref_slice %arg10[%multiple_of3A_35, %dma_start3A] : memref<10240x128xf32, #tpu.memory_space<vmem_shared>> -> memref<16x128xf32, #tpu.memory_space<vmem_shared>>
        %dma_start3A_39 = arith.constant 0 : i32
        %dma_start3A_40 = tpu.memref_slice %arg10[%multiple_of3A_35, %dma_start3A_39] : memref<10240x128xf32, #tpu.memory_space<vmem_shared>> -> memref<16x128xf32, #tpu.memory_space<vmem_shared>>
        tpu.enqueue_dma source(%arg9 : memref<16x128xf32, #tpu.memory_space<vmem>>) target(%dma_start3A_40 : memref<16x128xf32, #tpu.memory_space<vmem_shared>>) target_semaphore(%run_scoped3A_37 : memref<!tpu.dma_semaphore, #tpu.memory_space<semaphore_mem>>)
        %dma_wait3A = arith.constant 0 : i32
        %dma_wait3A_41 = tpu.memref_slice %arg10[%multiple_of3A_35, %dma_wait3A] : memref<10240x128xf32, #tpu.memory_space<vmem_shared>> -> memref<16x128xf32, #tpu.memory_space<vmem_shared>>
        %dma_wait3A_42 = arith.constant 0 : i32
        %dma_wait3A_43 = tpu.memref_slice %arg10[%multiple_of3A_35, %dma_wait3A_42] : memref<10240x128xf32, #tpu.memory_space<vmem_shared>> -> memref<16x128xf32, #tpu.memory_space<vmem_shared>>
        tpu.wait_dma2 semaphore(%run_scoped3A_37 : memref<!tpu.dma_semaphore, #tpu.memory_space<semaphore_mem>>) src(%arg9 : memref<16x128xf32, #tpu.memory_space<vmem>>) dst(%dma_wait3A_43 : memref<16x128xf32, #tpu.memory_space<vmem_shared>>)
        tpu.yield
      }) : () -> ()
      %scan3A_36 = arith.constant 0 : i32
      scf.yield %scan3A_36 : i32
    }
    %scan3A_17 = arith.constant 40 : i32
    %barrier3A = arith.constant 0 : index
    tpu.barrier barrier_id(%barrier3A)
    %scan3A_18 = arith.constant 0 : i32
    %scan3A_19 = arith.constant 0 : i32
    %scan3A_20 = arith.constant 5 : i32
    %scan3A_21 = arith.addi %scan3A_19, %scan3A_20 : i32
    %scan3A_22 = arith.constant 1 : i32
    %scan3A_23 = scf.for %scan3A_28 = %scan3A_19 to %scan3A_21 step %scan3A_22 iter_args(%scan3A_29 = %scan3A_18) -> (i32)  : i32 {
      %rem3A = arith.constant 2 : i32
      %rem3A_30 = arith.remsi %scan3A_28, %rem3A : i32
      %add3A_31 = arith.constant 1 : i32
      %add3A_32 = arith.addi %scan3A_28, %add3A_31 : i32
      %lt3A = arith.constant 5 : i32
      %lt3A_33 = arith.cmpi slt, %add3A_32, %lt3A : i32
      %convert_element_type3A = arith.extui %lt3A_33 : i1 to i32
      %cond3A = arith.constant 0 : i32
      %cond3A_34 = arith.cmpi ne, %convert_element_type3A, %cond3A : i32
      scf.if %cond3A_34 {
        %add3A_85 = arith.constant 1 : i32
        %add3A_86 = arith.addi %scan3A_28, %add3A_85 : i32
        %sub3A = arith.constant 1 : i32
        %sub3A_87 = arith.subi %sub3A, %rem3A_30 : i32
        %dma_start3A_88 = arith.constant 0 : i32
        %dma_start3A_89 = arith.constant 0 : i32
        %dma_start3A_90 = tpu.memref_slice %arg6[%sub3A_87, %dma_start3A_88, %dma_start3A_89] : memref<2x16x128xi32, #tpu.memory_space<vmem>> -> memref<1x16x128xi32, #tpu.memory_space<vmem>>
        %dma_start3A_91 = tpu.memref_squeeze %dma_start3A_90 : memref<1x16x128xi32, #tpu.memory_space<vmem>> -> memref<16x128xi32, #tpu.memory_space<vmem>>
        %dma_start3A_92 = arith.constant 0 : i32
        %dma_start3A_93 = arith.constant 0 : i32
        %dma_start3A_94 = tpu.memref_slice %arg2[%add3A, %add3A_86, %dma_start3A_92, %dma_start3A_93] : memref<32x5x16x128xi32, #tpu.memory_space<hbm>> -> memref<1x1x16x128xi32, #tpu.memory_space<hbm>>
        %dma_start3A_95 = tpu.memref_squeeze %dma_start3A_94 : memref<1x1x16x128xi32, #tpu.memory_space<hbm>> -> memref<16x128xi32, #tpu.memory_space<hbm>>
        %dma_start3A_96 = arith.constant 0 : i32
        %dma_start3A_97 = arith.constant 0 : i32
        %dma_start3A_98 = tpu.memref_slice %arg6[%sub3A_87, %dma_start3A_96, %dma_start3A_97] : memref<2x16x128xi32, #tpu.memory_space<vmem>> -> memref<1x16x128xi32, #tpu.memory_space<vmem>>
        %dma_start3A_99 = tpu.memref_squeeze %dma_start3A_98 : memref<1x16x128xi32, #tpu.memory_space<vmem>> -> memref<16x128xi32, #tpu.memory_space<vmem>>
        %dma_start3A_100 = arith.constant 0 : i32
        %dma_start3A_101 = arith.constant 0 : i32
        %dma_start3A_102 = tpu.memref_slice %arg2[%add3A, %add3A_86, %dma_start3A_100, %dma_start3A_101] : memref<32x5x16x128xi32, #tpu.memory_space<hbm>> -> memref<1x1x16x128xi32, #tpu.memory_space<hbm>>
        %dma_start3A_103 = tpu.memref_squeeze %dma_start3A_102 : memref<1x1x16x128xi32, #tpu.memory_space<hbm>> -> memref<16x128xi32, #tpu.memory_space<hbm>>
        tpu.enqueue_dma source(%dma_start3A_103 : memref<16x128xi32, #tpu.memory_space<hbm>>) target(%dma_start3A_99 : memref<16x128xi32, #tpu.memory_space<vmem>>) target_semaphore(%arg15 : memref<!tpu.dma_semaphore, #tpu.memory_space<semaphore_mem>>)
        %add3A_104 = arith.constant 1 : i32
        %add3A_105 = arith.addi %scan3A_28, %add3A_104 : i32
        %sub3A_106 = arith.constant 1 : i32
        %sub3A_107 = arith.subi %sub3A_106, %rem3A_30 : i32
        %dma_start3A_108 = arith.constant 0 : i32
        %dma_start3A_109 = arith.constant 0 : i32
        %dma_start3A_110 = tpu.memref_slice %arg7[%sub3A_107, %dma_start3A_108, %dma_start3A_109] : memref<2x16x128xi32, #tpu.memory_space<vmem>> -> memref<1x16x128xi32, #tpu.memory_space<vmem>>
        %dma_start3A_111 = tpu.memref_squeeze %dma_start3A_110 : memref<1x16x128xi32, #tpu.memory_space<vmem>> -> memref<16x128xi32, #tpu.memory_space<vmem>>
        %dma_start3A_112 = arith.constant 0 : i32
        %dma_start3A_113 = arith.constant 0 : i32
        %dma_start3A_114 = tpu.memref_slice %arg3[%add3A, %add3A_105, %dma_start3A_112, %dma_start3A_113] : memref<32x5x16x128xi32, #tpu.memory_space<hbm>> -> memref<1x1x16x128xi32, #tpu.memory_space<hbm>>
        %dma_start3A_115 = tpu.memref_squeeze %dma_start3A_114 : memref<1x1x16x128xi32, #tpu.memory_space<hbm>> -> memref<16x128xi32, #tpu.memory_space<hbm>>
        %dma_start3A_116 = arith.constant 0 : i32
        %dma_start3A_117 = arith.constant 0 : i32
        %dma_start3A_118 = tpu.memref_slice %arg7[%sub3A_107, %dma_start3A_116, %dma_start3A_117] : memref<2x16x128xi32, #tpu.memory_space<vmem>> -> memref<1x16x128xi32, #tpu.memory_space<vmem>>
        %dma_start3A_119 = tpu.memref_squeeze %dma_start3A_118 : memref<1x16x128xi32, #tpu.memory_space<vmem>> -> memref<16x128xi32, #tpu.memory_space<vmem>>
        %dma_start3A_120 = arith.constant 0 : i32
        %dma_start3A_121 = arith.constant 0 : i32
        %dma_start3A_122 = tpu.memref_slice %arg3[%add3A, %add3A_105, %dma_start3A_120, %dma_start3A_121] : memref<32x5x16x128xi32, #tpu.memory_space<hbm>> -> memref<1x1x16x128xi32, #tpu.memory_space<hbm>>
        %dma_start3A_123 = tpu.memref_squeeze %dma_start3A_122 : memref<1x1x16x128xi32, #tpu.memory_space<hbm>> -> memref<16x128xi32, #tpu.memory_space<hbm>>
        tpu.enqueue_dma source(%dma_start3A_123 : memref<16x128xi32, #tpu.memory_space<hbm>>) target(%dma_start3A_119 : memref<16x128xi32, #tpu.memory_space<vmem>>) target_semaphore(%arg15 : memref<!tpu.dma_semaphore, #tpu.memory_space<semaphore_mem>>)
      } else {
      }
      %dma_start3A = arith.constant 0 : i32
      %dma_start3A_35 = arith.constant 0 : i32
      %dma_start3A_36 = arith.constant 0 : i32
      %dma_start3A_37 = arith.constant 0 : i32
      %dma_start3A_38 = tpu.memref_slice %arg8[%dma_start3A_35, %dma_start3A_36, %dma_start3A_37] : memref<4x64x128xf32, #tpu.memory_space<vmem>> -> memref<1x64x128xf32, #tpu.memory_space<vmem>>
      %dma_start3A_39 = tpu.memref_squeeze %dma_start3A_38 : memref<1x64x128xf32, #tpu.memory_space<vmem>> -> memref<64x128xf32, #tpu.memory_space<vmem>>
      %dma_start3A_40 = arith.constant 0 : i32
      %dma_start3A_41 = tpu.memref_slice %arg6[%rem3A_30, %dma_start3A, %dma_start3A_40] : memref<2x16x128xi32, #tpu.memory_space<vmem>> -> memref<1x1x64xi32, #tpu.memory_space<vmem>>
      %dma_start3A_42 = tpu.memref_squeeze %dma_start3A_41 : memref<1x1x64xi32, #tpu.memory_space<vmem>> -> memref<64xi32, #tpu.memory_space<vmem>>
      %dma_start3A_43 = arith.constant 0 : i32
      %dma_start3A_44 = arith.constant 0 : i32
      %dma_start3A_45 = tpu.memref_slice %arg4[%dma_start3A_43, %dma_start3A_44] : memref<10240x128xf32, #tpu.memory_space<hbm>> -> memref<10240x128xf32, #tpu.memory_space<hbm>>
      tpu.enqueue_indirect_dma source(%dma_start3A_45 : memref<10240x128xf32, #tpu.memory_space<hbm>>) target(%dma_start3A_39 : memref<64x128xf32, #tpu.memory_space<vmem>>) offsets(%dma_start3A_42 : memref<64xi32, #tpu.memory_space<vmem>>) semaphore(%arg11 : memref<!tpu.dma_semaphore, #tpu.memory_space<semaphore_mem>>)
      %dma_start3A_46 = arith.constant 0 : i32
      %dma_start3A_47 = arith.constant 1 : i32
      %dma_start3A_48 = arith.constant 0 : i32
      %dma_start3A_49 = arith.constant 0 : i32
      %dma_start3A_50 = tpu.memref_slice %arg8[%dma_start3A_47, %dma_start3A_48, %dma_start3A_49] : memref<4x64x128xf32, #tpu.memory_space<vmem>> -> memref<1x64x128xf32, #tpu.memory_space<vmem>>
      %dma_start3A_51 = tpu.memref_squeeze %dma_start3A_50 : memref<1x64x128xf32, #tpu.memory_space<vmem>> -> memref<64x128xf32, #tpu.memory_space<vmem>>
      %dma_start3A_52 = arith.constant 64 : i32
      %dma_start3A_53 = tpu.memref_slice %arg6[%rem3A_30, %dma_start3A_46, %dma_start3A_52] : memref<2x16x128xi32, #tpu.memory_space<vmem>> -> memref<1x1x64xi32, #tpu.memory_space<vmem>>
      %dma_start3A_54 = tpu.memref_squeeze %dma_start3A_53 : memref<1x1x64xi32, #tpu.memory_space<vmem>> -> memref<64xi32, #tpu.memory_space<vmem>>
      %dma_start3A_55 = arith.constant 0 : i32
      %dma_start3A_56 = arith.constant 0 : i32
      %dma_start3A_57 = tpu.memref_slice %arg4[%dma_start3A_55, %dma_start3A_56] : memref<10240x128xf32, #tpu.memory_space<hbm>> -> memref<10240x128xf32, #tpu.memory_space<hbm>>
      tpu.enqueue_indirect_dma source(%dma_start3A_57 : memref<10240x128xf32, #tpu.memory_space<hbm>>) target(%dma_start3A_51 : memref<64x128xf32, #tpu.memory_space<vmem>>) offsets(%dma_start3A_54 : memref<64xi32, #tpu.memory_space<vmem>>) semaphore(%arg12 : memref<!tpu.dma_semaphore, #tpu.memory_space<semaphore_mem>>)
      %dma_start3A_58 = arith.constant 1 : i32
      %dma_start3A_59 = arith.constant 2 : i32
      %dma_start3A_60 = arith.constant 0 : i32
      %dma_start3A_61 = arith.constant 0 : i32
      %dma_start3A_62 = tpu.memref_slice %arg8[%dma_start3A_59, %dma_start3A_60, %dma_start3A_61] : memref<4x64x128xf32, #tpu.memory_space<vmem>> -> memref<1x64x128xf32, #tpu.memory_space<vmem>>
      %dma_start3A_63 = tpu.memref_squeeze %dma_start3A_62 : memref<1x64x128xf32, #tpu.memory_space<vmem>> -> memref<64x128xf32, #tpu.memory_space<vmem>>
      %dma_start3A_64 = arith.constant 0 : i32
      %dma_start3A_65 = tpu.memref_slice %arg6[%rem3A_30, %dma_start3A_58, %dma_start3A_64] : memref<2x16x128xi32, #tpu.memory_space<vmem>> -> memref<1x1x64xi32, #tpu.memory_space<vmem>>
      %dma_start3A_66 = tpu.memref_squeeze %dma_start3A_65 : memref<1x1x64xi32, #tpu.memory_space<vmem>> -> memref<64xi32, #tpu.memory_space<vmem>>
      %dma_start3A_67 = arith.constant 0 : i32
      %dma_start3A_68 = arith.constant 0 : i32
      %dma_start3A_69 = tpu.memref_slice %arg4[%dma_start3A_67, %dma_start3A_68] : memref<10240x128xf32, #tpu.memory_space<hbm>> -> memref<10240x128xf32, #tpu.memory_space<hbm>>
      tpu.enqueue_indirect_dma source(%dma_start3A_69 : memref<10240x128xf32, #tpu.memory_space<hbm>>) target(%dma_start3A_63 : memref<64x128xf32, #tpu.memory_space<vmem>>) offsets(%dma_start3A_66 : memref<64xi32, #tpu.memory_space<vmem>>) semaphore(%arg13 : memref<!tpu.dma_semaphore, #tpu.memory_space<semaphore_mem>>)
      %scan3A_70 = arith.constant 0 : i32
      %scan3A_71 = arith.constant 0 : i32
      %scan3A_72 = arith.constant 8 : i32
      %scan3A_73 = arith.addi %scan3A_71, %scan3A_72 : i32
      %scan3A_74 = arith.constant 1 : i32
      %scan3A_75 = scf.for %scan3A_85 = %scan3A_71 to %scan3A_73 step %scan3A_74 iter_args(%scan3A_86 = %scan3A_70) -> (i32)  : i32 {
        %mul3A_87 = arith.constant 4 : i32
        %mul3A_88 = arith.muli %scan3A_85, %mul3A_87 : i32
        %add3A_89 = arith.constant 0 : i32
        %add3A_90 = arith.addi %mul3A_88, %add3A_89 : i32
        %mul3A_91 = arith.constant 2 : i32
        %mul3A_92 = arith.muli %scan3A_85, %mul3A_91 : i32
        %add3A_93 = arith.constant 0 : i32
        %add3A_94 = arith.addi %mul3A_92, %add3A_93 : i32
        %dma_wait3A = arith.constant 0 : i32
        %dma_wait3A_95 = arith.constant 0 : i32
        %dma_wait3A_96 = arith.constant 0 : i32
        %dma_wait3A_97 = tpu.memref_slice %arg8[%dma_wait3A, %dma_wait3A_95, %dma_wait3A_96] : memref<4x64x128xf32, #tpu.memory_space<vmem>> -> memref<1x64x128xf32, #tpu.memory_space<vmem>>
        %dma_wait3A_98 = tpu.memref_squeeze %dma_wait3A_97 : memref<1x64x128xf32, #tpu.memory_space<vmem>> -> memref<64x128xf32, #tpu.memory_space<vmem>>
        %dma_wait3A_99 = arith.constant 0 : i32
        %dma_wait3A_100 = tpu.memref_slice %arg6[%rem3A_30, %add3A_94, %dma_wait3A_99] : memref<2x16x128xi32, #tpu.memory_space<vmem>> -> memref<1x1x64xi32, #tpu.memory_space<vmem>>
        %dma_wait3A_101 = tpu.memref_squeeze %dma_wait3A_100 : memref<1x1x64xi32, #tpu.memory_space<vmem>> -> memref<64xi32, #tpu.memory_space<vmem>>
        %dma_wait3A_102 = arith.constant 0 : i32
        %dma_wait3A_103 = arith.constant 0 : i32
        %dma_wait3A_104 = tpu.memref_slice %arg4[%dma_wait3A_102, %dma_wait3A_103] : memref<10240x128xf32, #tpu.memory_space<hbm>> -> memref<10240x128xf32, #tpu.memory_space<hbm>>
        tpu.wait_indirect_dma semaphore(%arg11 : memref<!tpu.dma_semaphore, #tpu.memory_space<semaphore_mem>>) src(%dma_wait3A_104 : memref<10240x128xf32, #tpu.memory_space<hbm>>) dst(%dma_wait3A_98 : memref<64x128xf32, #tpu.memory_space<vmem>>)
        %add3A_105 = arith.constant 3 : i32
        %add3A_106 = arith.addi %add3A_90, %add3A_105 : i32
        %lt3A_107 = arith.constant 32 : i32
        %lt3A_108 = arith.cmpi slt, %add3A_106, %lt3A_107 : i32
        %convert_element_type3A_109 = arith.extui %lt3A_108 : i1 to i32
        %cond3A_110 = arith.constant 0 : i32
        %cond3A_111 = arith.cmpi ne, %convert_element_type3A_109, %cond3A_110 : i32
        scf.if %cond3A_111 {
          %mul3A_211 = arith.constant 2 : i32
          %mul3A_212 = arith.muli %scan3A_85, %mul3A_211 : i32
          %add3A_213 = arith.constant 1 : i32
          %add3A_214 = arith.addi %mul3A_212, %add3A_213 : i32
          %dma_start3A_215 = arith.constant 3 : i32
          %dma_start3A_216 = arith.constant 0 : i32
          %dma_start3A_217 = arith.constant 0 : i32
          %dma_start3A_218 = tpu.memref_slice %arg8[%dma_start3A_215, %dma_start3A_216, %dma_start3A_217] : memref<4x64x128xf32, #tpu.memory_space<vmem>> -> memref<1x64x128xf32, #tpu.memory_space<vmem>>
          %dma_start3A_219 = tpu.memref_squeeze %dma_start3A_218 : memref<1x64x128xf32, #tpu.memory_space<vmem>> -> memref<64x128xf32, #tpu.memory_space<vmem>>
          %dma_start3A_220 = arith.constant 64 : i32
          %dma_start3A_221 = tpu.memref_slice %arg6[%rem3A_30, %add3A_214, %dma_start3A_220] : memref<2x16x128xi32, #tpu.memory_space<vmem>> -> memref<1x1x64xi32, #tpu.memory_space<vmem>>
          %dma_start3A_222 = tpu.memref_squeeze %dma_start3A_221 : memref<1x1x64xi32, #tpu.memory_space<vmem>> -> memref<64xi32, #tpu.memory_space<vmem>>
          %dma_start3A_223 = arith.constant 0 : i32
          %dma_start3A_224 = arith.constant 0 : i32
          %dma_start3A_225 = tpu.memref_slice %arg4[%dma_start3A_223, %dma_start3A_224] : memref<10240x128xf32, #tpu.memory_space<hbm>> -> memref<10240x128xf32, #tpu.memory_space<hbm>>
          tpu.enqueue_indirect_dma source(%dma_start3A_225 : memref<10240x128xf32, #tpu.memory_space<hbm>>) target(%dma_start3A_219 : memref<64x128xf32, #tpu.memory_space<vmem>>) offsets(%dma_start3A_222 : memref<64xi32, #tpu.memory_space<vmem>>) semaphore(%arg14 : memref<!tpu.dma_semaphore, #tpu.memory_space<semaphore_mem>>)
        } else {
        }
        %mul3A_112 = arith.constant 2 : i32
        %mul3A_113 = arith.muli %scan3A_85, %mul3A_112 : i32
        %add3A_114 = arith.constant 0 : i32
        %add3A_115 = arith.addi %mul3A_113, %add3A_114 : i32
        %run_scoped3A_116 = arith.constant 0 : i32
        "tpu.region"() ({
          %run_scoped3A_211 = tpu.sem_alloc : memref<!tpu.dma_semaphore, #tpu.memory_space<semaphore_mem>>
          %dma_start3A_212 = arith.constant 0 : i32
          %dma_start3A_213 = arith.constant 0 : i32
          %dma_start3A_214 = tpu.memref_slice %arg8[%run_scoped3A_116, %dma_start3A_212, %dma_start3A_213] : memref<4x64x128xf32, #tpu.memory_space<vmem>> -> memref<1x64x128xf32, #tpu.memory_space<vmem>>
          %dma_start3A_215 = tpu.memref_squeeze %dma_start3A_214 : memref<1x64x128xf32, #tpu.memory_space<vmem>> -> memref<64x128xf32, #tpu.memory_space<vmem>>
          %dma_start3A_216 = arith.constant 0 : i32
          %dma_start3A_217 = tpu.memref_slice %arg7[%rem3A_30, %add3A_115, %dma_start3A_216] : memref<2x16x128xi32, #tpu.memory_space<vmem>> -> memref<1x1x64xi32, #tpu.memory_space<vmem>>
          %dma_start3A_218 = tpu.memref_squeeze %dma_start3A_217 : memref<1x1x64xi32, #tpu.memory_space<vmem>> -> memref<64xi32, #tpu.memory_space<vmem>>
          %dma_start3A_219 = arith.constant 0 : i32
          %dma_start3A_220 = arith.constant 0 : i32
          %dma_start3A_221 = tpu.memref_slice %arg10[%dma_start3A_219, %dma_start3A_220] : memref<10240x128xf32, #tpu.memory_space<vmem_shared>> -> memref<10240x128xf32, #tpu.memory_space<vmem_shared>>
          tpu.enqueue_indirect_dma source(%dma_start3A_215 : memref<64x128xf32, #tpu.memory_space<vmem>>) target(%dma_start3A_221 : memref<10240x128xf32, #tpu.memory_space<vmem_shared>>) offsets(%dma_start3A_218 : memref<64xi32, #tpu.memory_space<vmem>>) semaphore(%run_scoped3A_211 : memref<!tpu.dma_semaphore, #tpu.memory_space<semaphore_mem>>) {add = true}
          %dma_wait3A_222 = arith.constant 0 : i32
          %dma_wait3A_223 = arith.constant 0 : i32
          %dma_wait3A_224 = tpu.memref_slice %arg8[%run_scoped3A_116, %dma_wait3A_222, %dma_wait3A_223] : memref<4x64x128xf32, #tpu.memory_space<vmem>> -> memref<1x64x128xf32, #tpu.memory_space<vmem>>
          %dma_wait3A_225 = tpu.memref_squeeze %dma_wait3A_224 : memref<1x64x128xf32, #tpu.memory_space<vmem>> -> memref<64x128xf32, #tpu.memory_space<vmem>>
          %dma_wait3A_226 = arith.constant 0 : i32
          %dma_wait3A_227 = tpu.memref_slice %arg7[%rem3A_30, %add3A_115, %dma_wait3A_226] : memref<2x16x128xi32, #tpu.memory_space<vmem>> -> memref<1x1x64xi32, #tpu.memory_space<vmem>>
          %dma_wait3A_228 = tpu.memref_squeeze %dma_wait3A_227 : memref<1x1x64xi32, #tpu.memory_space<vmem>> -> memref<64xi32, #tpu.memory_space<vmem>>
          %dma_wait3A_229 = arith.constant 0 : i32
          %dma_wait3A_230 = arith.constant 0 : i32
          %dma_wait3A_231 = tpu.memref_slice %arg10[%dma_wait3A_229, %dma_wait3A_230] : memref<10240x128xf32, #tpu.memory_space<vmem_shared>> -> memref<10240x128xf32, #tpu.memory_space<vmem_shared>>
          tpu.wait_indirect_dma semaphore(%run_scoped3A_211 : memref<!tpu.dma_semaphore, #tpu.memory_space<semaphore_mem>>) src(%dma_wait3A_225 : memref<64x128xf32, #tpu.memory_space<vmem>>) dst(%dma_wait3A_231 : memref<10240x128xf32, #tpu.memory_space<vmem_shared>>)
          tpu.yield
        }) : () -> ()
        %mul3A_117 = arith.constant 4 : i32
        %mul3A_118 = arith.muli %scan3A_85, %mul3A_117 : i32
        %add3A_119 = arith.constant 1 : i32
        %add3A_120 = arith.addi %mul3A_118, %add3A_119 : i32
        %mul3A_121 = arith.constant 2 : i32
        %mul3A_122 = arith.muli %scan3A_85, %mul3A_121 : i32
        %add3A_123 = arith.constant 0 : i32
        %add3A_124 = arith.addi %mul3A_122, %add3A_123 : i32
        %dma_wait3A_125 = arith.constant 1 : i32
        %dma_wait3A_126 = arith.constant 0 : i32
        %dma_wait3A_127 = arith.constant 0 : i32
        %dma_wait3A_128 = tpu.memref_slice %arg8[%dma_wait3A_125, %dma_wait3A_126, %dma_wait3A_127] : memref<4x64x128xf32, #tpu.memory_space<vmem>> -> memref<1x64x128xf32, #tpu.memory_space<vmem>>
        %dma_wait3A_129 = tpu.memref_squeeze %dma_wait3A_128 : memref<1x64x128xf32, #tpu.memory_space<vmem>> -> memref<64x128xf32, #tpu.memory_space<vmem>>
        %dma_wait3A_130 = arith.constant 64 : i32
        %dma_wait3A_131 = tpu.memref_slice %arg6[%rem3A_30, %add3A_124, %dma_wait3A_130] : memref<2x16x128xi32, #tpu.memory_space<vmem>> -> memref<1x1x64xi32, #tpu.memory_space<vmem>>
        %dma_wait3A_132 = tpu.memref_squeeze %dma_wait3A_131 : memref<1x1x64xi32, #tpu.memory_space<vmem>> -> memref<64xi32, #tpu.memory_space<vmem>>
        %dma_wait3A_133 = arith.constant 0 : i32
        %dma_wait3A_134 = arith.constant 0 : i32
        %dma_wait3A_135 = tpu.memref_slice %arg4[%dma_wait3A_133, %dma_wait3A_134] : memref<10240x128xf32, #tpu.memory_space<hbm>> -> memref<10240x128xf32, #tpu.memory_space<hbm>>
        tpu.wait_indirect_dma semaphore(%arg12 : memref<!tpu.dma_semaphore, #tpu.memory_space<semaphore_mem>>) src(%dma_wait3A_135 : memref<10240x128xf32, #tpu.memory_space<hbm>>) dst(%dma_wait3A_129 : memref<64x128xf32, #tpu.memory_space<vmem>>)
        %add3A_136 = arith.constant 3 : i32
        %add3A_137 = arith.addi %add3A_120, %add3A_136 : i32
        %lt3A_138 = arith.constant 32 : i32
        %lt3A_139 = arith.cmpi slt, %add3A_137, %lt3A_138 : i32
        %convert_element_type3A_140 = arith.extui %lt3A_139 : i1 to i32
        %cond3A_141 = arith.constant 0 : i32
        %cond3A_142 = arith.cmpi ne, %convert_element_type3A_140, %cond3A_141 : i32
        scf.if %cond3A_142 {
          %mul3A_211 = arith.constant 2 : i32
          %mul3A_212 = arith.muli %scan3A_85, %mul3A_211 : i32
          %add3A_213 = arith.constant 2 : i32
          %add3A_214 = arith.addi %mul3A_212, %add3A_213 : i32
          %dma_start3A_215 = arith.constant 0 : i32
          %dma_start3A_216 = arith.constant 0 : i32
          %dma_start3A_217 = arith.constant 0 : i32
          %dma_start3A_218 = tpu.memref_slice %arg8[%dma_start3A_215, %dma_start3A_216, %dma_start3A_217] : memref<4x64x128xf32, #tpu.memory_space<vmem>> -> memref<1x64x128xf32, #tpu.memory_space<vmem>>
          %dma_start3A_219 = tpu.memref_squeeze %dma_start3A_218 : memref<1x64x128xf32, #tpu.memory_space<vmem>> -> memref<64x128xf32, #tpu.memory_space<vmem>>
          %dma_start3A_220 = arith.constant 0 : i32
          %dma_start3A_221 = tpu.memref_slice %arg6[%rem3A_30, %add3A_214, %dma_start3A_220] : memref<2x16x128xi32, #tpu.memory_space<vmem>> -> memref<1x1x64xi32, #tpu.memory_space<vmem>>
          %dma_start3A_222 = tpu.memref_squeeze %dma_start3A_221 : memref<1x1x64xi32, #tpu.memory_space<vmem>> -> memref<64xi32, #tpu.memory_space<vmem>>
          %dma_start3A_223 = arith.constant 0 : i32
          %dma_start3A_224 = arith.constant 0 : i32
          %dma_start3A_225 = tpu.memref_slice %arg4[%dma_start3A_223, %dma_start3A_224] : memref<10240x128xf32, #tpu.memory_space<hbm>> -> memref<10240x128xf32, #tpu.memory_space<hbm>>
          tpu.enqueue_indirect_dma source(%dma_start3A_225 : memref<10240x128xf32, #tpu.memory_space<hbm>>) target(%dma_start3A_219 : memref<64x128xf32, #tpu.memory_space<vmem>>) offsets(%dma_start3A_222 : memref<64xi32, #tpu.memory_space<vmem>>) semaphore(%arg11 : memref<!tpu.dma_semaphore, #tpu.memory_space<semaphore_mem>>)
        } else {
        }
        %mul3A_143 = arith.constant 2 : i32
        %mul3A_144 = arith.muli %scan3A_85, %mul3A_143 : i32
        %add3A_145 = arith.constant 0 : i32
        %add3A_146 = arith.addi %mul3A_144, %add3A_145 : i32
        %run_scoped3A_147 = arith.constant 1 : i32
        "tpu.region"() ({
          %run_scoped3A_211 = tpu.sem_alloc : memref<!tpu.dma_semaphore, #tpu.memory_space<semaphore_mem>>
          %dma_start3A_212 = arith.constant 0 : i32
          %dma_start3A_213 = arith.constant 0 : i32
          %dma_start3A_214 = tpu.memref_slice %arg8[%run_scoped3A_147, %dma_start3A_212, %dma_start3A_213] : memref<4x64x128xf32, #tpu.memory_space<vmem>> -> memref<1x64x128xf32, #tpu.memory_space<vmem>>
          %dma_start3A_215 = tpu.memref_squeeze %dma_start3A_214 : memref<1x64x128xf32, #tpu.memory_space<vmem>> -> memref<64x128xf32, #tpu.memory_space<vmem>>
          %dma_start3A_216 = arith.constant 64 : i32
          %dma_start3A_217 = tpu.memref_slice %arg7[%rem3A_30, %add3A_146, %dma_start3A_216] : memref<2x16x128xi32, #tpu.memory_space<vmem>> -> memref<1x1x64xi32, #tpu.memory_space<vmem>>
          %dma_start3A_218 = tpu.memref_squeeze %dma_start3A_217 : memref<1x1x64xi32, #tpu.memory_space<vmem>> -> memref<64xi32, #tpu.memory_space<vmem>>
          %dma_start3A_219 = arith.constant 0 : i32
          %dma_start3A_220 = arith.constant 0 : i32
          %dma_start3A_221 = tpu.memref_slice %arg10[%dma_start3A_219, %dma_start3A_220] : memref<10240x128xf32, #tpu.memory_space<vmem_shared>> -> memref<10240x128xf32, #tpu.memory_space<vmem_shared>>
          tpu.enqueue_indirect_dma source(%dma_start3A_215 : memref<64x128xf32, #tpu.memory_space<vmem>>) target(%dma_start3A_221 : memref<10240x128xf32, #tpu.memory_space<vmem_shared>>) offsets(%dma_start3A_218 : memref<64xi32, #tpu.memory_space<vmem>>) semaphore(%run_scoped3A_211 : memref<!tpu.dma_semaphore, #tpu.memory_space<semaphore_mem>>) {add = true}
          %dma_wait3A_222 = arith.constant 0 : i32
          %dma_wait3A_223 = arith.constant 0 : i32
          %dma_wait3A_224 = tpu.memref_slice %arg8[%run_scoped3A_147, %dma_wait3A_222, %dma_wait3A_223] : memref<4x64x128xf32, #tpu.memory_space<vmem>> -> memref<1x64x128xf32, #tpu.memory_space<vmem>>
          %dma_wait3A_225 = tpu.memref_squeeze %dma_wait3A_224 : memref<1x64x128xf32, #tpu.memory_space<vmem>> -> memref<64x128xf32, #tpu.memory_space<vmem>>
          %dma_wait3A_226 = arith.constant 64 : i32
          %dma_wait3A_227 = tpu.memref_slice %arg7[%rem3A_30, %add3A_146, %dma_wait3A_226] : memref<2x16x128xi32, #tpu.memory_space<vmem>> -> memref<1x1x64xi32, #tpu.memory_space<vmem>>
          %dma_wait3A_228 = tpu.memref_squeeze %dma_wait3A_227 : memref<1x1x64xi32, #tpu.memory_space<vmem>> -> memref<64xi32, #tpu.memory_space<vmem>>
          %dma_wait3A_229 = arith.constant 0 : i32
          %dma_wait3A_230 = arith.constant 0 : i32
          %dma_wait3A_231 = tpu.memref_slice %arg10[%dma_wait3A_229, %dma_wait3A_230] : memref<10240x128xf32, #tpu.memory_space<vmem_shared>> -> memref<10240x128xf32, #tpu.memory_space<vmem_shared>>
          tpu.wait_indirect_dma semaphore(%run_scoped3A_211 : memref<!tpu.dma_semaphore, #tpu.memory_space<semaphore_mem>>) src(%dma_wait3A_225 : memref<64x128xf32, #tpu.memory_space<vmem>>) dst(%dma_wait3A_231 : memref<10240x128xf32, #tpu.memory_space<vmem_shared>>)
          tpu.yield
        }) : () -> ()
        %mul3A_148 = arith.constant 4 : i32
        %mul3A_149 = arith.muli %scan3A_85, %mul3A_148 : i32
        %add3A_150 = arith.constant 2 : i32
        %add3A_151 = arith.addi %mul3A_149, %add3A_150 : i32
        %mul3A_152 = arith.constant 2 : i32
        %mul3A_153 = arith.muli %scan3A_85, %mul3A_152 : i32
        %add3A_154 = arith.constant 1 : i32
        %add3A_155 = arith.addi %mul3A_153, %add3A_154 : i32
        %dma_wait3A_156 = arith.constant 2 : i32
        %dma_wait3A_157 = arith.constant 0 : i32
        %dma_wait3A_158 = arith.constant 0 : i32
        %dma_wait3A_159 = tpu.memref_slice %arg8[%dma_wait3A_156, %dma_wait3A_157, %dma_wait3A_158] : memref<4x64x128xf32, #tpu.memory_space<vmem>> -> memref<1x64x128xf32, #tpu.memory_space<vmem>>
        %dma_wait3A_160 = tpu.memref_squeeze %dma_wait3A_159 : memref<1x64x128xf32, #tpu.memory_space<vmem>> -> memref<64x128xf32, #tpu.memory_space<vmem>>
        %dma_wait3A_161 = arith.constant 0 : i32
        %dma_wait3A_162 = tpu.memref_slice %arg6[%rem3A_30, %add3A_155, %dma_wait3A_161] : memref<2x16x128xi32, #tpu.memory_space<vmem>> -> memref<1x1x64xi32, #tpu.memory_space<vmem>>
        %dma_wait3A_163 = tpu.memref_squeeze %dma_wait3A_162 : memref<1x1x64xi32, #tpu.memory_space<vmem>> -> memref<64xi32, #tpu.memory_space<vmem>>
        %dma_wait3A_164 = arith.constant 0 : i32
        %dma_wait3A_165 = arith.constant 0 : i32
        %dma_wait3A_166 = tpu.memref_slice %arg4[%dma_wait3A_164, %dma_wait3A_165] : memref<10240x128xf32, #tpu.memory_space<hbm>> -> memref<10240x128xf32, #tpu.memory_space<hbm>>
        tpu.wait_indirect_dma semaphore(%arg13 : memref<!tpu.dma_semaphore, #tpu.memory_space<semaphore_mem>>) src(%dma_wait3A_166 : memref<10240x128xf32, #tpu.memory_space<hbm>>) dst(%dma_wait3A_160 : memref<64x128xf32, #tpu.memory_space<vmem>>)
        %add3A_167 = arith.constant 3 : i32
        %add3A_168 = arith.addi %add3A_151, %add3A_167 : i32
        %lt3A_169 = arith.constant 32 : i32
        %lt3A_170 = arith.cmpi slt, %add3A_168, %lt3A_169 : i32
        %convert_element_type3A_171 = arith.extui %lt3A_170 : i1 to i32
        %cond3A_172 = arith.constant 0 : i32
        %cond3A_173 = arith.cmpi ne, %convert_element_type3A_171, %cond3A_172 : i32
        scf.if %cond3A_173 {
          %mul3A_211 = arith.constant 2 : i32
          %mul3A_212 = arith.muli %scan3A_85, %mul3A_211 : i32
          %add3A_213 = arith.constant 2 : i32
          %add3A_214 = arith.addi %mul3A_212, %add3A_213 : i32
          %dma_start3A_215 = arith.constant 1 : i32
          %dma_start3A_216 = arith.constant 0 : i32
          %dma_start3A_217 = arith.constant 0 : i32
          %dma_start3A_218 = tpu.memref_slice %arg8[%dma_start3A_215, %dma_start3A_216, %dma_start3A_217] : memref<4x64x128xf32, #tpu.memory_space<vmem>> -> memref<1x64x128xf32, #tpu.memory_space<vmem>>
          %dma_start3A_219 = tpu.memref_squeeze %dma_start3A_218 : memref<1x64x128xf32, #tpu.memory_space<vmem>> -> memref<64x128xf32, #tpu.memory_space<vmem>>
          %dma_start3A_220 = arith.constant 64 : i32
          %dma_start3A_221 = tpu.memref_slice %arg6[%rem3A_30, %add3A_214, %dma_start3A_220] : memref<2x16x128xi32, #tpu.memory_space<vmem>> -> memref<1x1x64xi32, #tpu.memory_space<vmem>>
          %dma_start3A_222 = tpu.memref_squeeze %dma_start3A_221 : memref<1x1x64xi32, #tpu.memory_space<vmem>> -> memref<64xi32, #tpu.memory_space<vmem>>
          %dma_start3A_223 = arith.constant 0 : i32
          %dma_start3A_224 = arith.constant 0 : i32
          %dma_start3A_225 = tpu.memref_slice %arg4[%dma_start3A_223, %dma_start3A_224] : memref<10240x128xf32, #tpu.memory_space<hbm>> -> memref<10240x128xf32, #tpu.memory_space<hbm>>
          tpu.enqueue_indirect_dma source(%dma_start3A_225 : memref<10240x128xf32, #tpu.memory_space<hbm>>) target(%dma_start3A_219 : memref<64x128xf32, #tpu.memory_space<vmem>>) offsets(%dma_start3A_222 : memref<64xi32, #tpu.memory_space<vmem>>) semaphore(%arg12 : memref<!tpu.dma_semaphore, #tpu.memory_space<semaphore_mem>>)
        } else {
        }
        %mul3A_174 = arith.constant 2 : i32
        %mul3A_175 = arith.muli %scan3A_85, %mul3A_174 : i32
        %add3A_176 = arith.constant 1 : i32
        %add3A_177 = arith.addi %mul3A_175, %add3A_176 : i32
        %run_scoped3A_178 = arith.constant 2 : i32
        "tpu.region"() ({
          %run_scoped3A_211 = tpu.sem_alloc : memref<!tpu.dma_semaphore, #tpu.memory_space<semaphore_mem>>
          %dma_start3A_212 = arith.constant 0 : i32
          %dma_start3A_213 = arith.constant 0 : i32
          %dma_start3A_214 = tpu.memref_slice %arg8[%run_scoped3A_178, %dma_start3A_212, %dma_start3A_213] : memref<4x64x128xf32, #tpu.memory_space<vmem>> -> memref<1x64x128xf32, #tpu.memory_space<vmem>>
          %dma_start3A_215 = tpu.memref_squeeze %dma_start3A_214 : memref<1x64x128xf32, #tpu.memory_space<vmem>> -> memref<64x128xf32, #tpu.memory_space<vmem>>
          %dma_start3A_216 = arith.constant 0 : i32
          %dma_start3A_217 = tpu.memref_slice %arg7[%rem3A_30, %add3A_177, %dma_start3A_216] : memref<2x16x128xi32, #tpu.memory_space<vmem>> -> memref<1x1x64xi32, #tpu.memory_space<vmem>>
          %dma_start3A_218 = tpu.memref_squeeze %dma_start3A_217 : memref<1x1x64xi32, #tpu.memory_space<vmem>> -> memref<64xi32, #tpu.memory_space<vmem>>
          %dma_start3A_219 = arith.constant 0 : i32
          %dma_start3A_220 = arith.constant 0 : i32
          %dma_start3A_221 = tpu.memref_slice %arg10[%dma_start3A_219, %dma_start3A_220] : memref<10240x128xf32, #tpu.memory_space<vmem_shared>> -> memref<10240x128xf32, #tpu.memory_space<vmem_shared>>
          tpu.enqueue_indirect_dma source(%dma_start3A_215 : memref<64x128xf32, #tpu.memory_space<vmem>>) target(%dma_start3A_221 : memref<10240x128xf32, #tpu.memory_space<vmem_shared>>) offsets(%dma_start3A_218 : memref<64xi32, #tpu.memory_space<vmem>>) semaphore(%run_scoped3A_211 : memref<!tpu.dma_semaphore, #tpu.memory_space<semaphore_mem>>) {add = true}
          %dma_wait3A_222 = arith.constant 0 : i32
          %dma_wait3A_223 = arith.constant 0 : i32
          %dma_wait3A_224 = tpu.memref_slice %arg8[%run_scoped3A_178, %dma_wait3A_222, %dma_wait3A_223] : memref<4x64x128xf32, #tpu.memory_space<vmem>> -> memref<1x64x128xf32, #tpu.memory_space<vmem>>
          %dma_wait3A_225 = tpu.memref_squeeze %dma_wait3A_224 : memref<1x64x128xf32, #tpu.memory_space<vmem>> -> memref<64x128xf32, #tpu.memory_space<vmem>>
          %dma_wait3A_226 = arith.constant 0 : i32
          %dma_wait3A_227 = tpu.memref_slice %arg7[%rem3A_30, %add3A_177, %dma_wait3A_226] : memref<2x16x128xi32, #tpu.memory_space<vmem>> -> memref<1x1x64xi32, #tpu.memory_space<vmem>>
          %dma_wait3A_228 = tpu.memref_squeeze %dma_wait3A_227 : memref<1x1x64xi32, #tpu.memory_space<vmem>> -> memref<64xi32, #tpu.memory_space<vmem>>
          %dma_wait3A_229 = arith.constant 0 : i32
          %dma_wait3A_230 = arith.constant 0 : i32
          %dma_wait3A_231 = tpu.memref_slice %arg10[%dma_wait3A_229, %dma_wait3A_230] : memref<10240x128xf32, #tpu.memory_space<vmem_shared>> -> memref<10240x128xf32, #tpu.memory_space<vmem_shared>>
          tpu.wait_indirect_dma semaphore(%run_scoped3A_211 : memref<!tpu.dma_semaphore, #tpu.memory_space<semaphore_mem>>) src(%dma_wait3A_225 : memref<64x128xf32, #tpu.memory_space<vmem>>) dst(%dma_wait3A_231 : memref<10240x128xf32, #tpu.memory_space<vmem_shared>>)
          tpu.yield
        }) : () -> ()
        %mul3A_179 = arith.constant 4 : i32
        %mul3A_180 = arith.muli %scan3A_85, %mul3A_179 : i32
        %add3A_181 = arith.constant 3 : i32
        %add3A_182 = arith.addi %mul3A_180, %add3A_181 : i32
        %mul3A_183 = arith.constant 2 : i32
        %mul3A_184 = arith.muli %scan3A_85, %mul3A_183 : i32
        %add3A_185 = arith.constant 1 : i32
        %add3A_186 = arith.addi %mul3A_184, %add3A_185 : i32
        %dma_wait3A_187 = arith.constant 3 : i32
        %dma_wait3A_188 = arith.constant 0 : i32
        %dma_wait3A_189 = arith.constant 0 : i32
        %dma_wait3A_190 = tpu.memref_slice %arg8[%dma_wait3A_187, %dma_wait3A_188, %dma_wait3A_189] : memref<4x64x128xf32, #tpu.memory_space<vmem>> -> memref<1x64x128xf32, #tpu.memory_space<vmem>>
        %dma_wait3A_191 = tpu.memref_squeeze %dma_wait3A_190 : memref<1x64x128xf32, #tpu.memory_space<vmem>> -> memref<64x128xf32, #tpu.memory_space<vmem>>
        %dma_wait3A_192 = arith.constant 64 : i32
        %dma_wait3A_193 = tpu.memref_slice %arg6[%rem3A_30, %add3A_186, %dma_wait3A_192] : memref<2x16x128xi32, #tpu.memory_space<vmem>> -> memref<1x1x64xi32, #tpu.memory_space<vmem>>
        %dma_wait3A_194 = tpu.memref_squeeze %dma_wait3A_193 : memref<1x1x64xi32, #tpu.memory_space<vmem>> -> memref<64xi32, #tpu.memory_space<vmem>>
        %dma_wait3A_195 = arith.constant 0 : i32
        %dma_wait3A_196 = arith.constant 0 : i32
        %dma_wait3A_197 = tpu.memref_slice %arg4[%dma_wait3A_195, %dma_wait3A_196] : memref<10240x128xf32, #tpu.memory_space<hbm>> -> memref<10240x128xf32, #tpu.memory_space<hbm>>
        tpu.wait_indirect_dma semaphore(%arg14 : memref<!tpu.dma_semaphore, #tpu.memory_space<semaphore_mem>>) src(%dma_wait3A_197 : memref<10240x128xf32, #tpu.memory_space<hbm>>) dst(%dma_wait3A_191 : memref<64x128xf32, #tpu.memory_space<vmem>>)
        %add3A_198 = arith.constant 3 : i32
        %add3A_199 = arith.addi %add3A_182, %add3A_198 : i32
        %lt3A_200 = arith.constant 32 : i32
        %lt3A_201 = arith.cmpi slt, %add3A_199, %lt3A_200 : i32
        %convert_element_type3A_202 = arith.extui %lt3A_201 : i1 to i32
        %cond3A_203 = arith.constant 0 : i32
        %cond3A_204 = arith.cmpi ne, %convert_element_type3A_202, %cond3A_203 : i32
        scf.if %cond3A_204 {
          %mul3A_211 = arith.constant 2 : i32
          %mul3A_212 = arith.muli %scan3A_85, %mul3A_211 : i32
          %add3A_213 = arith.constant 3 : i32
          %add3A_214 = arith.addi %mul3A_212, %add3A_213 : i32
          %dma_start3A_215 = arith.constant 2 : i32
          %dma_start3A_216 = arith.constant 0 : i32
          %dma_start3A_217 = arith.constant 0 : i32
          %dma_start3A_218 = tpu.memref_slice %arg8[%dma_start3A_215, %dma_start3A_216, %dma_start3A_217] : memref<4x64x128xf32, #tpu.memory_space<vmem>> -> memref<1x64x128xf32, #tpu.memory_space<vmem>>
          %dma_start3A_219 = tpu.memref_squeeze %dma_start3A_218 : memref<1x64x128xf32, #tpu.memory_space<vmem>> -> memref<64x128xf32, #tpu.memory_space<vmem>>
          %dma_start3A_220 = arith.constant 0 : i32
          %dma_start3A_221 = tpu.memref_slice %arg6[%rem3A_30, %add3A_214, %dma_start3A_220] : memref<2x16x128xi32, #tpu.memory_space<vmem>> -> memref<1x1x64xi32, #tpu.memory_space<vmem>>
          %dma_start3A_222 = tpu.memref_squeeze %dma_start3A_221 : memref<1x1x64xi32, #tpu.memory_space<vmem>> -> memref<64xi32, #tpu.memory_space<vmem>>
          %dma_start3A_223 = arith.constant 0 : i32
          %dma_start3A_224 = arith.constant 0 : i32
          %dma_start3A_225 = tpu.memref_slice %arg4[%dma_start3A_223, %dma_start3A_224] : memref<10240x128xf32, #tpu.memory_space<hbm>> -> memref<10240x128xf32, #tpu.memory_space<hbm>>
          tpu.enqueue_indirect_dma source(%dma_start3A_225 : memref<10240x128xf32, #tpu.memory_space<hbm>>) target(%dma_start3A_219 : memref<64x128xf32, #tpu.memory_space<vmem>>) offsets(%dma_start3A_222 : memref<64xi32, #tpu.memory_space<vmem>>) semaphore(%arg13 : memref<!tpu.dma_semaphore, #tpu.memory_space<semaphore_mem>>)
        } else {
        }
        %mul3A_205 = arith.constant 2 : i32
        %mul3A_206 = arith.muli %scan3A_85, %mul3A_205 : i32
        %add3A_207 = arith.constant 1 : i32
        %add3A_208 = arith.addi %mul3A_206, %add3A_207 : i32
        %run_scoped3A_209 = arith.constant 3 : i32
        "tpu.region"() ({
          %run_scoped3A_211 = tpu.sem_alloc : memref<!tpu.dma_semaphore, #tpu.memory_space<semaphore_mem>>
          %dma_start3A_212 = arith.constant 0 : i32
          %dma_start3A_213 = arith.constant 0 : i32
          %dma_start3A_214 = tpu.memref_slice %arg8[%run_scoped3A_209, %dma_start3A_212, %dma_start3A_213] : memref<4x64x128xf32, #tpu.memory_space<vmem>> -> memref<1x64x128xf32, #tpu.memory_space<vmem>>
          %dma_start3A_215 = tpu.memref_squeeze %dma_start3A_214 : memref<1x64x128xf32, #tpu.memory_space<vmem>> -> memref<64x128xf32, #tpu.memory_space<vmem>>
          %dma_start3A_216 = arith.constant 64 : i32
          %dma_start3A_217 = tpu.memref_slice %arg7[%rem3A_30, %add3A_208, %dma_start3A_216] : memref<2x16x128xi32, #tpu.memory_space<vmem>> -> memref<1x1x64xi32, #tpu.memory_space<vmem>>
          %dma_start3A_218 = tpu.memref_squeeze %dma_start3A_217 : memref<1x1x64xi32, #tpu.memory_space<vmem>> -> memref<64xi32, #tpu.memory_space<vmem>>
          %dma_start3A_219 = arith.constant 0 : i32
          %dma_start3A_220 = arith.constant 0 : i32
          %dma_start3A_221 = tpu.memref_slice %arg10[%dma_start3A_219, %dma_start3A_220] : memref<10240x128xf32, #tpu.memory_space<vmem_shared>> -> memref<10240x128xf32, #tpu.memory_space<vmem_shared>>
          tpu.enqueue_indirect_dma source(%dma_start3A_215 : memref<64x128xf32, #tpu.memory_space<vmem>>) target(%dma_start3A_221 : memref<10240x128xf32, #tpu.memory_space<vmem_shared>>) offsets(%dma_start3A_218 : memref<64xi32, #tpu.memory_space<vmem>>) semaphore(%run_scoped3A_211 : memref<!tpu.dma_semaphore, #tpu.memory_space<semaphore_mem>>) {add = true}
          %dma_wait3A_222 = arith.constant 0 : i32
          %dma_wait3A_223 = arith.constant 0 : i32
          %dma_wait3A_224 = tpu.memref_slice %arg8[%run_scoped3A_209, %dma_wait3A_222, %dma_wait3A_223] : memref<4x64x128xf32, #tpu.memory_space<vmem>> -> memref<1x64x128xf32, #tpu.memory_space<vmem>>
          %dma_wait3A_225 = tpu.memref_squeeze %dma_wait3A_224 : memref<1x64x128xf32, #tpu.memory_space<vmem>> -> memref<64x128xf32, #tpu.memory_space<vmem>>
          %dma_wait3A_226 = arith.constant 64 : i32
          %dma_wait3A_227 = tpu.memref_slice %arg7[%rem3A_30, %add3A_208, %dma_wait3A_226] : memref<2x16x128xi32, #tpu.memory_space<vmem>> -> memref<1x1x64xi32, #tpu.memory_space<vmem>>
          %dma_wait3A_228 = tpu.memref_squeeze %dma_wait3A_227 : memref<1x1x64xi32, #tpu.memory_space<vmem>> -> memref<64xi32, #tpu.memory_space<vmem>>
          %dma_wait3A_229 = arith.constant 0 : i32
          %dma_wait3A_230 = arith.constant 0 : i32
          %dma_wait3A_231 = tpu.memref_slice %arg10[%dma_wait3A_229, %dma_wait3A_230] : memref<10240x128xf32, #tpu.memory_space<vmem_shared>> -> memref<10240x128xf32, #tpu.memory_space<vmem_shared>>
          tpu.wait_indirect_dma semaphore(%run_scoped3A_211 : memref<!tpu.dma_semaphore, #tpu.memory_space<semaphore_mem>>) src(%dma_wait3A_225 : memref<64x128xf32, #tpu.memory_space<vmem>>) dst(%dma_wait3A_231 : memref<10240x128xf32, #tpu.memory_space<vmem_shared>>)
          tpu.yield
        }) : () -> ()
        %scan3A_210 = arith.constant 0 : i32
        scf.yield %scan3A_210 : i32
      }
      %scan3A_76 = arith.constant 8 : i32
      %add3A_77 = arith.constant 1 : i32
      %add3A_78 = arith.addi %scan3A_28, %add3A_77 : i32
      %lt3A_79 = arith.constant 5 : i32
      %lt3A_80 = arith.cmpi slt, %add3A_78, %lt3A_79 : i32
      %convert_element_type3A_81 = arith.extui %lt3A_80 : i1 to i32
      %cond3A_82 = arith.constant 0 : i32
      %cond3A_83 = arith.cmpi ne, %convert_element_type3A_81, %cond3A_82 : i32
      scf.if %cond3A_83 {
        %add3A_85 = arith.constant 1 : i32
        %add3A_86 = arith.addi %scan3A_28, %add3A_85 : i32
        %sub3A = arith.constant 1 : i32
        %sub3A_87 = arith.subi %sub3A, %rem3A_30 : i32
        %dma_wait3A = arith.constant 0 : i32
        %dma_wait3A_88 = arith.constant 0 : i32
        %dma_wait3A_89 = tpu.memref_slice %arg6[%sub3A_87, %dma_wait3A, %dma_wait3A_88] : memref<2x16x128xi32, #tpu.memory_space<vmem>> -> memref<1x16x128xi32, #tpu.memory_space<vmem>>
        %dma_wait3A_90 = tpu.memref_squeeze %dma_wait3A_89 : memref<1x16x128xi32, #tpu.memory_space<vmem>> -> memref<16x128xi32, #tpu.memory_space<vmem>>
        %dma_wait3A_91 = arith.constant 0 : i32
        %dma_wait3A_92 = arith.constant 0 : i32
        %dma_wait3A_93 = tpu.memref_slice %arg2[%add3A, %add3A_86, %dma_wait3A_91, %dma_wait3A_92] : memref<32x5x16x128xi32, #tpu.memory_space<hbm>> -> memref<1x1x16x128xi32, #tpu.memory_space<hbm>>
        %dma_wait3A_94 = tpu.memref_squeeze %dma_wait3A_93 : memref<1x1x16x128xi32, #tpu.memory_space<hbm>> -> memref<16x128xi32, #tpu.memory_space<hbm>>
        %dma_wait3A_95 = arith.constant 0 : i32
        %dma_wait3A_96 = arith.constant 0 : i32
        %dma_wait3A_97 = tpu.memref_slice %arg6[%sub3A_87, %dma_wait3A_95, %dma_wait3A_96] : memref<2x16x128xi32, #tpu.memory_space<vmem>> -> memref<1x16x128xi32, #tpu.memory_space<vmem>>
        %dma_wait3A_98 = tpu.memref_squeeze %dma_wait3A_97 : memref<1x16x128xi32, #tpu.memory_space<vmem>> -> memref<16x128xi32, #tpu.memory_space<vmem>>
        %dma_wait3A_99 = arith.constant 0 : i32
        %dma_wait3A_100 = arith.constant 0 : i32
        %dma_wait3A_101 = tpu.memref_slice %arg2[%add3A, %add3A_86, %dma_wait3A_99, %dma_wait3A_100] : memref<32x5x16x128xi32, #tpu.memory_space<hbm>> -> memref<1x1x16x128xi32, #tpu.memory_space<hbm>>
        %dma_wait3A_102 = tpu.memref_squeeze %dma_wait3A_101 : memref<1x1x16x128xi32, #tpu.memory_space<hbm>> -> memref<16x128xi32, #tpu.memory_space<hbm>>
        tpu.wait_dma2 semaphore(%arg15 : memref<!tpu.dma_semaphore, #tpu.memory_space<semaphore_mem>>) src(%dma_wait3A_102 : memref<16x128xi32, #tpu.memory_space<hbm>>) dst(%dma_wait3A_98 : memref<16x128xi32, #tpu.memory_space<vmem>>)
        %add3A_103 = arith.constant 1 : i32
        %add3A_104 = arith.addi %scan3A_28, %add3A_103 : i32
        %sub3A_105 = arith.constant 1 : i32
        %sub3A_106 = arith.subi %sub3A_105, %rem3A_30 : i32
        %dma_wait3A_107 = arith.constant 0 : i32
        %dma_wait3A_108 = arith.constant 0 : i32
        %dma_wait3A_109 = tpu.memref_slice %arg7[%sub3A_106, %dma_wait3A_107, %dma_wait3A_108] : memref<2x16x128xi32, #tpu.memory_space<vmem>> -> memref<1x16x128xi32, #tpu.memory_space<vmem>>
        %dma_wait3A_110 = tpu.memref_squeeze %dma_wait3A_109 : memref<1x16x128xi32, #tpu.memory_space<vmem>> -> memref<16x128xi32, #tpu.memory_space<vmem>>
        %dma_wait3A_111 = arith.constant 0 : i32
        %dma_wait3A_112 = arith.constant 0 : i32
        %dma_wait3A_113 = tpu.memref_slice %arg3[%add3A, %add3A_104, %dma_wait3A_111, %dma_wait3A_112] : memref<32x5x16x128xi32, #tpu.memory_space<hbm>> -> memref<1x1x16x128xi32, #tpu.memory_space<hbm>>
        %dma_wait3A_114 = tpu.memref_squeeze %dma_wait3A_113 : memref<1x1x16x128xi32, #tpu.memory_space<hbm>> -> memref<16x128xi32, #tpu.memory_space<hbm>>
        %dma_wait3A_115 = arith.constant 0 : i32
        %dma_wait3A_116 = arith.constant 0 : i32
        %dma_wait3A_117 = tpu.memref_slice %arg7[%sub3A_106, %dma_wait3A_115, %dma_wait3A_116] : memref<2x16x128xi32, #tpu.memory_space<vmem>> -> memref<1x16x128xi32, #tpu.memory_space<vmem>>
        %dma_wait3A_118 = tpu.memref_squeeze %dma_wait3A_117 : memref<1x16x128xi32, #tpu.memory_space<vmem>> -> memref<16x128xi32, #tpu.memory_space<vmem>>
        %dma_wait3A_119 = arith.constant 0 : i32
        %dma_wait3A_120 = arith.constant 0 : i32
        %dma_wait3A_121 = tpu.memref_slice %arg3[%add3A, %add3A_104, %dma_wait3A_119, %dma_wait3A_120] : memref<32x5x16x128xi32, #tpu.memory_space<hbm>> -> memref<1x1x16x128xi32, #tpu.memory_space<hbm>>
        %dma_wait3A_122 = tpu.memref_squeeze %dma_wait3A_121 : memref<1x1x16x128xi32, #tpu.memory_space<hbm>> -> memref<16x128xi32, #tpu.memory_space<hbm>>
        tpu.wait_dma2 semaphore(%arg15 : memref<!tpu.dma_semaphore, #tpu.memory_space<semaphore_mem>>) src(%dma_wait3A_122 : memref<16x128xi32, #tpu.memory_space<hbm>>) dst(%dma_wait3A_118 : memref<16x128xi32, #tpu.memory_space<vmem>>)
      } else {
      }
      %scan3A_84 = arith.constant 0 : i32
      scf.yield %scan3A_84 : i32
    }
    %scan3A_24 = arith.constant 5 : i32
    %barrier3A_25 = arith.constant 0 : index
    tpu.barrier barrier_id(%barrier3A_25)
    %mul3A_26 = arith.constant 640 : i32
    %mul3A_27 = arith.muli %arg1, %mul3A_26 : i32
    %multiple_of3A = tpu.assume_multiple %mul3A_27, 640 : i32
    "tpu.region"() ({
      %run_scoped3A_28 = tpu.sem_alloc : memref<!tpu.dma_semaphore, #tpu.memory_space<semaphore_mem>>
      %dma_start3A = arith.constant 0 : i32
      %dma_start3A_29 = tpu.memref_slice %arg5[%arg0, %multiple_of3A, %dma_start3A] : memref<2x10240x128xf32, #tpu.memory_space<hbm>> -> memref<1x640x128xf32, #tpu.memory_space<hbm>>
      %dma_start3A_30 = tpu.memref_squeeze %dma_start3A_29 : memref<1x640x128xf32, #tpu.memory_space<hbm>> -> memref<640x128xf32, #tpu.memory_space<hbm>>
      %dma_start3A_31 = arith.constant 0 : i32
      %dma_start3A_32 = tpu.memref_slice %arg10[%multiple_of3A, %dma_start3A_31] : memref<10240x128xf32, #tpu.memory_space<vmem_shared>> -> memref<640x128xf32, #tpu.memory_space<vmem_shared>>
      tpu.enqueue_dma source(%dma_start3A_32 : memref<640x128xf32, #tpu.memory_space<vmem_shared>>) target(%dma_start3A_30 : memref<640x128xf32, #tpu.memory_space<hbm>>) target_semaphore(%run_scoped3A_28 : memref<!tpu.dma_semaphore, #tpu.memory_space<semaphore_mem>>)
      %dma_wait3A = arith.constant 0 : i32
      %dma_wait3A_33 = tpu.memref_slice %arg5[%arg0, %multiple_of3A, %dma_wait3A] : memref<2x10240x128xf32, #tpu.memory_space<hbm>> -> memref<1x640x128xf32, #tpu.memory_space<hbm>>
      %dma_wait3A_34 = tpu.memref_squeeze %dma_wait3A_33 : memref<1x640x128xf32, #tpu.memory_space<hbm>> -> memref<640x128xf32, #tpu.memory_space<hbm>>
      %dma_wait3A_35 = arith.constant 0 : i32
      %dma_wait3A_36 = tpu.memref_slice %arg10[%multiple_of3A, %dma_wait3A_35] : memref<10240x128xf32, #tpu.memory_space<vmem_shared>> -> memref<640x128xf32, #tpu.memory_space<vmem_shared>>
      tpu.wait_dma2 semaphore(%run_scoped3A_28 : memref<!tpu.dma_semaphore, #tpu.memory_space<semaphore_mem>>) src(%dma_wait3A_36 : memref<640x128xf32, #tpu.memory_space<vmem_shared>>) dst(%dma_wait3A_34 : memref<640x128xf32, #tpu.memory_space<hbm>>)
      tpu.yield
    }) : () -> ()
    return
  }
}

module attributes {stable_mosaic.version = 14 : i64} {
  func.func @_mm_body(%arg0: i32, %arg1: memref<512x128xf32, #tpu.memory_space<vmem>>, %arg2: memref<128x128xf32, #tpu.memory_space<vmem>>, %arg3: memref<512x128xf32, #tpu.memory_space<vmem>>) attributes {dimension_semantics = [#tpu.dimension_semantics<arbitrary>], iteration_bounds = array<i64: 20>, scalar_prefetch = 0 : i64, scratch_operands = 0 : i64, tpu.core_type = #tpu.core_type<tc>, window_params = [{transform_indices = @transform_0, window_bounds = array<i64: 512, 128>}, {pipeline_mode = #tpu.pipeline_mode<synchronous>, transform_indices = @transform_1, window_bounds = array<i64: 128, 128>}, {transform_indices = @transform_2, window_bounds = array<i64: 512, 128>}]} {
    %get3A = arith.constant 0 : index
    %get3A_0 = arith.constant 0 : index
    %get3A_1 = vector.load %arg1[%get3A, %get3A_0] : memref<512x128xf32, #tpu.memory_space<vmem>>, vector<512x128xf32>
    %get3A_2 = arith.constant 0 : index
    %get3A_3 = arith.constant 0 : index
    %get3A_4 = vector.load %arg2[%get3A_2, %get3A_3] : memref<128x128xf32, #tpu.memory_space<vmem>>, vector<128x128xf32>
    %dot_general3A = arith.constant dense<0.000000e+00> : vector<512x128xf32>
    %dot_general3A_5 = tpu.matmul %get3A_1, %get3A_4, %dot_general3A {dimension_numbers = #tpu.dot_dimension_numbers<[1], [0], [0], [1], [0, 0, 1, 1], [], []>, transpose_lhs_hint = false} : vector<512x128xf32>, vector<128x128xf32>, vector<512x128xf32> -> vector<512x128xf32>
    %swap3A = arith.constant 0 : index
    %swap3A_6 = arith.constant 0 : index
    %swap3A_7 = vector.load %arg3[%swap3A, %swap3A_6] : memref<512x128xf32, #tpu.memory_space<vmem>>, vector<512x128xf32>
    tpu.vector_store %arg3[%swap3A, %swap3A_6], %dot_general3A_5 {strides = array<i32>} : memref<512x128xf32, #tpu.memory_space<vmem>>, vector<512x128xf32>,
    return
  }
  func.func @transform_0(%arg0: i32) -> (i32, i32) {
    %c0_i32 = arith.constant 0 : i32
    %c0_i32_0 = arith.constant 0 : i32
    return %arg0, %c0_i32 : i32, i32
  }
  func.func @transform_1(%arg0: i32) -> (i32, i32) {
    %c0_i32 = arith.constant 0 : i32
    %c0_i32_0 = arith.constant 0 : i32
    %c0_i32_1 = arith.constant 0 : i32
    return %c0_i32, %c0_i32_0 : i32, i32
  }
  func.func @transform_2(%arg0: i32) -> (i32, i32) {
    %c0_i32 = arith.constant 0 : i32
    %c0_i32_0 = arith.constant 0 : i32
    return %arg0, %c0_i32 : i32, i32
  }
}

module attributes {stable_mosaic.version = 14 : i64} {
  func.func @_scale_body(%arg0: i32, %arg1: memref<32x512xf32, #tpu.memory_space<vmem>>, %arg2: memref<512x128xf32, #tpu.memory_space<vmem>>, %arg3: memref<512x128xf32, #tpu.memory_space<vmem>>, %arg4: memref<512xf32, #tpu.memory_space<vmem>>) attributes {dimension_semantics = [#tpu.dimension_semantics<arbitrary>], iteration_bounds = array<i64: 20>, scalar_prefetch = 0 : i64, scratch_operands = 0 : i64, tpu.core_type = #tpu.core_type<tc>, window_params = [{transform_indices = @transform_0, window_bounds = array<i64: 32, 512>}, {transform_indices = @transform_1, window_bounds = array<i64: 512, 128>}, {transform_indices = @transform_2, window_bounds = array<i64: 512, 128>}, {transform_indices = @transform_3, window_bounds = array<i64: 512>}]} {
    %get3A = arith.constant 0 : index
    %get3A_0 = arith.constant 0 : index
    %get3A_1 = vector.load %arg1[%get3A, %get3A_0] : memref<32x512xf32, #tpu.memory_space<vmem>>, vector<32x512xf32>
    %reduce_sum3A = arith.constant dense<0.000000e+00> : vector<512xf32>
    %reduce_sum3A_2 = vector.multi_reduction <add>, %get3A_1, %reduce_sum3A [0] : vector<32x512xf32> to vector<512xf32>
    %add3A = arith.constant 1.000000e+00 : f32
    %add3A_3 = vector.broadcast %add3A : f32 to vector<512xf32>
    %add3A_4 = arith.addf %reduce_sum3A_2, %add3A_3 : vector<512xf32>
    %rsqrt3A = math.rsqrt %add3A_4 : vector<512xf32>
    %get3A_5 = arith.constant 0 : index
    %get3A_6 = arith.constant 0 : index
    %get3A_7 = vector.load %arg2[%get3A_5, %get3A_6] : memref<512x128xf32, #tpu.memory_space<vmem>>, vector<512x128xf32>
    %broadcast_in_dim3A = vector.shape_cast %rsqrt3A : vector<512xf32> to vector<512x1xf32>
    %mul3A = vector.broadcast %broadcast_in_dim3A : vector<512x1xf32> to vector<512x128xf32>
    %mul3A_8 = arith.mulf %get3A_7, %mul3A : vector<512x128xf32>
    %swap3A = arith.constant 0 : index
    %swap3A_9 = arith.constant 0 : index
    %swap3A_10 = vector.load %arg3[%swap3A, %swap3A_9] : memref<512x128xf32, #tpu.memory_space<vmem>>, vector<512x128xf32>
    tpu.vector_store %arg3[%swap3A, %swap3A_9], %mul3A_8 {strides = array<i32>} : memref<512x128xf32, #tpu.memory_space<vmem>>, vector<512x128xf32>,
    %swap3A_11 = arith.constant 0 : index
    %swap3A_12 = vector.load %arg4[%swap3A_11] : memref<512xf32, #tpu.memory_space<vmem>>, vector<512xf32>
    tpu.vector_store %arg4[%swap3A_11], %rsqrt3A {strides = array<i32>} : memref<512xf32, #tpu.memory_space<vmem>>, vector<512xf32>,
    return
  }
  func.func @transform_0(%arg0: i32) -> (i32, i32) {
    %c0_i32 = arith.constant 0 : i32
    %c0_i32_0 = arith.constant 0 : i32
    return %c0_i32, %arg0 : i32, i32
  }
  func.func @transform_1(%arg0: i32) -> (i32, i32) {
    %c0_i32 = arith.constant 0 : i32
    %c0_i32_0 = arith.constant 0 : i32
    return %arg0, %c0_i32 : i32, i32
  }
  func.func @transform_2(%arg0: i32) -> (i32, i32) {
    %c0_i32 = arith.constant 0 : i32
    %c0_i32_0 = arith.constant 0 : i32
    return %arg0, %c0_i32 : i32, i32
  }
  func.func @transform_3(%arg0: i32) -> i32 {
    %c0_i32 = arith.constant 0 : i32
    return %arg0 : i32
  }
}

module attributes {stable_mosaic.version = 14 : i64} {
  func.func @_mid_body(%arg0: i32, %arg1: memref<512x128xf32, #tpu.memory_space<vmem>>, %arg2: memref<512x128xf32, #tpu.memory_space<vmem>>, %arg3: memref<512x128xf32, #tpu.memory_space<vmem>>, %arg4: memref<512xf32, #tpu.memory_space<vmem>>, %arg5: memref<1x128xf32, #tpu.memory_space<vmem>>, %arg6: memref<128x128xf32, #tpu.memory_space<vmem>>, %arg7: memref<512x128xf32, #tpu.memory_space<vmem>>) attributes {dimension_semantics = [#tpu.dimension_semantics<arbitrary>], iteration_bounds = array<i64: 20>, scalar_prefetch = 0 : i64, scratch_operands = 0 : i64, tpu.core_type = #tpu.core_type<tc>, window_params = [{transform_indices = @transform_0, window_bounds = array<i64: 512, 128>}, {transform_indices = @transform_1, window_bounds = array<i64: 512, 128>}, {transform_indices = @transform_2, window_bounds = array<i64: 512, 128>}, {transform_indices = @transform_3, window_bounds = array<i64: 512>}, {pipeline_mode = #tpu.pipeline_mode<synchronous>, transform_indices = @transform_4, window_bounds = array<i64: 1, 128>}, {pipeline_mode = #tpu.pipeline_mode<synchronous>, transform_indices = @transform_5, window_bounds = array<i64: 128, 128>}, {transform_indices = @transform_6, window_bounds = array<i64: 512, 128>}]} {
    %get3A = arith.constant 0 : index
    %get3A_0 = vector.load %arg4[%get3A] : memref<512xf32, #tpu.memory_space<vmem>>, vector<512xf32>
    %get3A_1 = arith.constant 0 : index
    %get3A_2 = arith.constant 0 : index
    %get3A_3 = vector.load %arg1[%get3A_1, %get3A_2] : memref<512x128xf32, #tpu.memory_space<vmem>>, vector<512x128xf32>
    %get3A_4 = arith.constant 0 : index
    %get3A_5 = arith.constant 0 : index
    %get3A_6 = vector.load %arg2[%get3A_4, %get3A_5] : memref<512x128xf32, #tpu.memory_space<vmem>>, vector<512x128xf32>
    %add3A = arith.addf %get3A_3, %get3A_6 : vector<512x128xf32>
    %get3A_7 = arith.constant 0 : index
    %get3A_8 = arith.constant 0 : index
    %get3A_9 = vector.load %arg3[%get3A_7, %get3A_8] : memref<512x128xf32, #tpu.memory_space<vmem>>, vector<512x128xf32>
    %add3A_10 = arith.addf %add3A, %get3A_9 : vector<512x128xf32>
    %broadcast_in_dim3A = vector.shape_cast %get3A_0 : vector<512xf32> to vector<512x1xf32>
    %mul3A = vector.broadcast %broadcast_in_dim3A : vector<512x1xf32> to vector<512x128xf32>
    %mul3A_11 = arith.mulf %add3A_10, %mul3A : vector<512x128xf32>
    %get3A_12 = arith.constant 0 : index
    %get3A_13 = arith.constant 0 : index
    %get3A_14 = vector.load %arg5[%get3A_12, %get3A_13] : memref<1x128xf32, #tpu.memory_space<vmem>>, vector<1x128xf32>
    %add3A_15 = vector.broadcast %get3A_14 : vector<1x128xf32> to vector<512x128xf32>
    %add3A_16 = arith.addf %mul3A_11, %add3A_15 : vector<512x128xf32>
    %max3A = arith.constant 0.000000e+00 : f32
    %max3A_17 = vector.broadcast %max3A : f32 to vector<512x128xf32>
    %max3A_18 = arith.maximumf %add3A_16, %max3A_17 : vector<512x128xf32>
    %get3A_19 = arith.constant 0 : index
    %get3A_20 = arith.constant 0 : index
    %get3A_21 = vector.load %arg6[%get3A_19, %get3A_20] : memref<128x128xf32, #tpu.memory_space<vmem>>, vector<128x128xf32>
    %dot_general3A = arith.constant dense<0.000000e+00> : vector<512x128xf32>
    %dot_general3A_22 = tpu.matmul %max3A_18, %get3A_21, %dot_general3A {dimension_numbers = #tpu.dot_dimension_numbers<[1], [0], [0], [1], [0, 0, 1, 1], [], []>, transpose_lhs_hint = false} : vector<512x128xf32>, vector<128x128xf32>, vector<512x128xf32> -> vector<512x128xf32>
    %broadcast_in_dim3A_23 = vector.shape_cast %get3A_0 : vector<512xf32> to vector<512x1xf32>
    %mul3A_24 = vector.broadcast %broadcast_in_dim3A_23 : vector<512x1xf32> to vector<512x128xf32>
    %mul3A_25 = arith.mulf %dot_general3A_22, %mul3A_24 : vector<512x128xf32>
    %mul3A_26 = arith.constant 512 : i32
    %mul3A_27 = arith.muli %arg0, %mul3A_26 : i32
    %iota3A = tpu.iota {dimensions = array<i32: 0>} : vector<512x128xi32>
    %add3A_28 = vector.broadcast %mul3A_27 : i32 to vector<512x128xi32>
    %add3A_29 = arith.addi %add3A_28, %iota3A : vector<512x128xi32>
    %lt3A = arith.constant 10000 : i32
    %lt3A_30 = vector.broadcast %lt3A : i32 to vector<512x128xi32>
    %lt3A_31 = arith.cmpi slt, %add3A_29, %lt3A_30 : vector<512x128xi32>
    %jit3A = arith.constant 0.000000e+00 : f32
    %broadcast_in_dim3A_32 = vector.broadcast %jit3A : f32 to vector<512x128xf32>
    %select_n3A = arith.select %lt3A_31, %mul3A_25, %broadcast_in_dim3A_32 : vector<512x128xi1>, vector<512x128xf32>
    %swap3A = arith.constant 0 : index
    %swap3A_33 = arith.constant 0 : index
    %swap3A_34 = vector.load %arg7[%swap3A, %swap3A_33] : memref<512x128xf32, #tpu.memory_space<vmem>>, vector<512x128xf32>
    tpu.vector_store %arg7[%swap3A, %swap3A_33], %select_n3A {strides = array<i32>} : memref<512x128xf32, #tpu.memory_space<vmem>>, vector<512x128xf32>,
    return
  }
  func.func @transform_0(%arg0: i32) -> (i32, i32) {
    %c0_i32 = arith.constant 0 : i32
    %c0_i32_0 = arith.constant 0 : i32
    return %arg0, %c0_i32 : i32, i32
  }
  func.func @transform_1(%arg0: i32) -> (i32, i32) {
    %c0_i32 = arith.constant 0 : i32
    %c0_i32_0 = arith.constant 0 : i32
    return %arg0, %c0_i32 : i32, i32
  }
  func.func @transform_2(%arg0: i32) -> (i32, i32) {
    %c0_i32 = arith.constant 0 : i32
    %c0_i32_0 = arith.constant 0 : i32
    return %arg0, %c0_i32 : i32, i32
  }
  func.func @transform_3(%arg0: i32) -> i32 {
    %c0_i32 = arith.constant 0 : i32
    return %arg0 : i32
  }
  func.func @transform_4(%arg0: i32) -> (i32, i32) {
    %c0_i32 = arith.constant 0 : i32
    %c0_i32_0 = arith.constant 0 : i32
    %c0_i32_1 = arith.constant 0 : i32
    return %c0_i32, %c0_i32_0 : i32, i32
  }
  func.func @transform_5(%arg0: i32) -> (i32, i32) {
    %c0_i32 = arith.constant 0 : i32
    %c0_i32_0 = arith.constant 0 : i32
    %c0_i32_1 = arith.constant 0 : i32
    return %c0_i32, %c0_i32_0 : i32, i32
  }
  func.func @transform_6(%arg0: i32) -> (i32, i32) {
    %c0_i32 = arith.constant 0 : i32
    %c0_i32_0 = arith.constant 0 : i32
    return %arg0, %c0_i32 : i32, i32
  }
}

module attributes {stable_mosaic.version = 14 : i64} {
  func.func @_final_body(%arg0: i32, %arg1: memref<512x128xf32, #tpu.memory_space<vmem>>, %arg2: memref<512x128xf32, #tpu.memory_space<vmem>>, %arg3: memref<512x128xf32, #tpu.memory_space<vmem>>, %arg4: memref<512xf32, #tpu.memory_space<vmem>>, %arg5: memref<1x128xf32, #tpu.memory_space<vmem>>, %arg6: memref<512x128xf32, #tpu.memory_space<vmem>>) attributes {dimension_semantics = [#tpu.dimension_semantics<arbitrary>], iteration_bounds = array<i64: 20>, scalar_prefetch = 0 : i64, scratch_operands = 0 : i64, tpu.core_type = #tpu.core_type<tc>, window_params = [{transform_indices = @transform_0, window_bounds = array<i64: 512, 128>}, {transform_indices = @transform_1, window_bounds = array<i64: 512, 128>}, {transform_indices = @transform_2, window_bounds = array<i64: 512, 128>}, {transform_indices = @transform_3, window_bounds = array<i64: 512>}, {pipeline_mode = #tpu.pipeline_mode<synchronous>, transform_indices = @transform_4, window_bounds = array<i64: 1, 128>}, {transform_indices = @transform_5, window_bounds = array<i64: 512, 128>}]} {
    %get3A = arith.constant 0 : index
    %get3A_0 = vector.load %arg4[%get3A] : memref<512xf32, #tpu.memory_space<vmem>>, vector<512xf32>
    %get3A_1 = arith.constant 0 : index
    %get3A_2 = arith.constant 0 : index
    %get3A_3 = vector.load %arg1[%get3A_1, %get3A_2] : memref<512x128xf32, #tpu.memory_space<vmem>>, vector<512x128xf32>
    %get3A_4 = arith.constant 0 : index
    %get3A_5 = arith.constant 0 : index
    %get3A_6 = vector.load %arg2[%get3A_4, %get3A_5] : memref<512x128xf32, #tpu.memory_space<vmem>>, vector<512x128xf32>
    %add3A = arith.addf %get3A_3, %get3A_6 : vector<512x128xf32>
    %get3A_7 = arith.constant 0 : index
    %get3A_8 = arith.constant 0 : index
    %get3A_9 = vector.load %arg3[%get3A_7, %get3A_8] : memref<512x128xf32, #tpu.memory_space<vmem>>, vector<512x128xf32>
    %add3A_10 = arith.addf %add3A, %get3A_9 : vector<512x128xf32>
    %broadcast_in_dim3A = vector.shape_cast %get3A_0 : vector<512xf32> to vector<512x1xf32>
    %mul3A = vector.broadcast %broadcast_in_dim3A : vector<512x1xf32> to vector<512x128xf32>
    %mul3A_11 = arith.mulf %add3A_10, %mul3A : vector<512x128xf32>
    %get3A_12 = arith.constant 0 : index
    %get3A_13 = arith.constant 0 : index
    %get3A_14 = vector.load %arg5[%get3A_12, %get3A_13] : memref<1x128xf32, #tpu.memory_space<vmem>>, vector<1x128xf32>
    %add3A_15 = vector.broadcast %get3A_14 : vector<1x128xf32> to vector<512x128xf32>
    %add3A_16 = arith.addf %mul3A_11, %add3A_15 : vector<512x128xf32>
    %swap3A = arith.constant 0 : index
    %swap3A_17 = arith.constant 0 : index
    %swap3A_18 = vector.load %arg6[%swap3A, %swap3A_17] : memref<512x128xf32, #tpu.memory_space<vmem>>, vector<512x128xf32>
    tpu.vector_store %arg6[%swap3A, %swap3A_17], %add3A_16 {strides = array<i32>} : memref<512x128xf32, #tpu.memory_space<vmem>>, vector<512x128xf32>,
    return
  }
  func.func @transform_0(%arg0: i32) -> (i32, i32) {
    %c0_i32 = arith.constant 0 : i32
    %c0_i32_0 = arith.constant 0 : i32
    return %arg0, %c0_i32 : i32, i32
  }
  func.func @transform_1(%arg0: i32) -> (i32, i32) {
    %c0_i32 = arith.constant 0 : i32
    %c0_i32_0 = arith.constant 0 : i32
    return %arg0, %c0_i32 : i32, i32
  }
  func.func @transform_2(%arg0: i32) -> (i32, i32) {
    %c0_i32 = arith.constant 0 : i32
    %c0_i32_0 = arith.constant 0 : i32
    return %arg0, %c0_i32 : i32, i32
  }
  func.func @transform_3(%arg0: i32) -> i32 {
    %c0_i32 = arith.constant 0 : i32
    return %arg0 : i32
  }
  func.func @transform_4(%arg0: i32) -> (i32, i32) {
    %c0_i32 = arith.constant 0 : i32
    %c0_i32_0 = arith.constant 0 : i32
    %c0_i32_1 = arith.constant 0 : i32
    return %c0_i32, %c0_i32_0 : i32, i32
  }
  func.func @transform_5(%arg0: i32) -> (i32, i32) {
    %c0_i32 = arith.constant 0 : i32
    %c0_i32_0 = arith.constant 0 : i32
    return %arg0, %c0_i32 : i32, i32
  }
}

</mosaic_0001>

<sc_bundles>
// kernel: kernel.12.cloned.1.call-start
scs
__scs_entry_jumppad:
0x0: {  	(pc) =	sbr.rel $0x88, $3  }
0x1: {  	(tag) =	ssettag $0x0;
	lr =	simm.s32 $0x1  }
0x2: {  	[smem:$0x3F9B] =	sst lr;
	_ =	strace $0xD0000000  }
0x3: {  	_ = 	snop  }
0x4: {  	_ = 	snop  }
0x5: {  	_ = 	snop  }
0x6: {  	_ = 	snop  }
0x7: {  	_ = 	snop  }
__scs_overlays_trampoline_lowered:
0x8: {  	[smem:$0x3FAA] =	sst s0  }
0x9: {  	[smem:$0x3FAB] =	sst s1  }
0xa: {  	[smem:$0x3FAC] =	sst s2  }
0xb: {  	[smem:$0x3FAD] =	sst s3  }
0xc: {  	[smem:$0x3FAE] =	sst s4  }
0xd: {  	[smem:$0x3FAF] =	sst s5  }
0xe: {  	[smem:$0x3FB0] =	sst s6  }
0xf: {  	[smem:$0x3FB1] =	sst s7  }
0x10: {  	[smem:$0x3FB2] =	sst s8  }
0x11: {  	[smem:$0x3FB3] =	sst s9;
	s0 =	simm.s32 @!p0 $0x0  }
0x12: {  	s1 =	sld [smem:$0x3F99];
	s0 =	simm.s32 @p0 $0x1  }
0x13: {  	[smem:$0x3FB4] =	sst s0;
	s0 =	simm.s32 @!p1 $0x0  }
0x14: {  	s2 =	sld [smem:$0x3F98];
	s0 =	simm.s32 @p1 $0x1  }
0x15: {  	[smem:$0x3FB5] =	sst s0;
	s0 =	simm.s32 @!p2 $0x0  }
0x16: {  	s3 =	sld [smem:$0x3FDB];
	s0 =	simm.s32 @p2 $0x1  }
0x17: {  	s4 =	simm.s32 $0x1BF5;
	[smem:$0x3FB7] =	sst s0  }
0x18: {  	s0 =	sld [smem:$0x3F9A];
	_ =	swait.ge [sflag:s4], $0x0  }
0x19: {  	s7 =	sld [smem:$0x3F9B]  }
0x1a: {  	s8 =	sadd.s32 $0xFFFFE003, lr  }
0x1b: {  	s9 =	sadd.s32 $0xFFFFFEF7, lr;
	s5 =	simm.s32 $0xFFFFFFFF;
	p2 =	slt.u32 s8, $0xFFFFF086  }
0x1c: {  	p1 =	slt.u32 s9, $0xF7A;
	s5 =	simm.s32 @!p2 $0x0  }
0x1d: {  	s5 =	simm.s32 @p1 $0x1;
	p0 =	seq.s32 s7, s2  }
0x1e: {  	s7 =	smul.u32 @!p0 $0xF7A, s2;
	p2 =	seq.s32 @!p0 s5, $0x0  }
0x1f: {  	s9 =	smul.u32 $0xF7A, s1;
	s8 =	simm.s32 @!p0 $0x1BF5;
	p2 =	por !p2, p0  }
0x20: {  	[sflag:s8] =	ssyncset.s32 @!p0 $0xFFFFF086;
	s6 =	sadd.s32 @!p0 s3, s7;
	s7 =	simm.s32 @!p0 $0x108  }
0x21: {  	s3 =	sadd.s32 s3, s9;
	s6 =	sadd.s32 @!p0 $0x88, s6;
	s7 =	simm.s32 @p2 $0x1082  }
0x22: {  	[simem:s7], [sflag:s8] =	dma.local @!p0 [hbm:s6], $0xF7A  }
0x23: {  	s9 =	sor.u32 $0xD0000000, s2;
	s6 =	simm.s32 $0x108;
	_ =	swait.ge @!p0 [sflag:s8], $0x0  }
0x24: {  	s3 =	sadd.s32 $0x88, s3;
	s6 =	simm.s32 @!p1 $0x1082;
	[sflag:s4] =	ssyncset.s32 $0xFFFFF086  }
0x25: {  	[simem:s6], [sflag:s4] =	dma.local [hbm:s3], $0xF7A  }
0x26: {  	[smem:$0x3F9B] =	sst s1;
	(tag) =	ssettag s2;
	_ =	strace s9  }
0x27: {  	s1 =	sld [smem:$0x3FAB]  }
0x28: {  	s2 =	sld [smem:$0x3FAC]  }
0x29: {  	s4 =	sld [smem:$0x3FAE]  }
0x2a: {  	p0 =	seq.s32 s5, $0x0;
	s5 =	sld [smem:$0x3FAF]  }
0x2b: {  	s6 =	sld [smem:$0x3FB0]  }
0x2c: {  	s7 =	sld [smem:$0x3FB1]  }
0x2d: {  	s3 =	simm.s32 $0x108;
	s8 =	sld [smem:$0x3FB2]  }
0x2e: {  	s3 =	simm.s32 @!p0 $0x1082;
	s9 =	sld [smem:$0x3FB3]  }
0x2f: {  	lr =	sadd.s32 s0, s3;
	s0 =	sld [smem:$0x3FAA]  }
0x30: {  	s3 =	sld [smem:$0x3FAD]  }
0x31: {  	[smem:$0x3FB6] =	sst s10  }
0x32: {  	s10 =	sld [smem:$0x3FB4];
	_ =	sdelay $0x3  }
0x33: {  	p0 =	seq.s32 s10, $0x1;
	s10 =	sld [smem:$0x3FB6];
	_ =	sdelay $0x3  }
0x34: {  	[smem:$0x3FB6] =	sst s10  }
0x35: {  	s10 =	sld [smem:$0x3FB5];
	_ =	sdelay $0x3  }
0x36: {  	p1 =	seq.s32 s10, $0x1;
	s10 =	sld [smem:$0x3FB6];
	_ =	sdelay $0x3  }
0x37: {  	[smem:$0x3FB6] =	sst s10  }
0x38: {  	s10 =	sld [smem:$0x3FB7]  }
0x39: {  	_ = 	snop;
	(pc) =	sbr.ind lr, $3  }
0x3a: {  	_ = 	snop  }
0x3b: {  	_ = 	snop  }
0x3c: {  	p2 =	seq.s32 s10, $0x1;
	s10 =	sld [smem:$0x3FB6]  }
0x3d: {  	_ =	shalt  }
0x3e: {  	_ =	shalt  }
0x3f: {  	_ =	shalt  }
0x40: {  	_ =	shalt  }
0x41: {  	_ =	shalt  }
0x42: {  	_ =	shalt  }
0x43: {  	_ =	shalt  }
0x44: {  	_ =	shalt  }
0x45: {  	_ =	shalt  }
0x46: {  	_ =	shalt  }
0x47: {  	_ =	shalt  }
0x48: {  	_ =	shalt  }
0x49: {  	_ =	shalt  }
0x4a: {  	_ =	shalt  }
0x4b: {  	_ =	shalt  }
0x4c: {  	_ =	shalt  }
0x4d: {  	_ =	shalt  }
0x4e: {  	_ =	shalt  }
0x4f: {  	_ =	shalt  }
0x50: {  	_ =	shalt  }
0x51: {  	_ =	shalt  }
0x52: {  	_ =	shalt  }
0x53: {  	_ =	shalt  }
0x54: {  	_ =	shalt  }
0x55: {  	_ =	shalt  }
0x56: {  	_ =	shalt  }
0x57: {  	_ =	shalt  }
0x58: {  	_ =	shalt  }
0x59: {  	_ =	shalt  }
0x5a: {  	_ =	shalt  }
0x5b: {  	_ =	shalt  }
0x5c: {  	_ =	shalt  }
0x5d: {  	_ =	shalt  }
0x5e: {  	_ =	shalt  }
0x5f: {  	_ =	shalt  }
0x60: {  	_ =	shalt  }
0x61: {  	_ =	shalt  }
0x62: {  	_ =	shalt  }
0x63: {  	_ =	shalt  }
0x64: {  	_ =	shalt  }
0x65: {  	_ =	shalt  }
0x66: {  	_ =	shalt  }
0x67: {  	_ =	shalt  }
0x68: {  	_ =	shalt  }
0x69: {  	_ =	shalt  }
0x6a: {  	_ =	shalt  }
0x6b: {  	_ =	shalt  }
0x6c: {  	_ =	shalt  }
0x6d: {  	_ =	shalt  }
0x6e: {  	_ =	shalt  }
0x6f: {  	_ =	shalt  }
0x70: {  	_ =	shalt  }
0x71: {  	_ =	shalt  }
0x72: {  	_ =	shalt  }
0x73: {  	_ =	shalt  }
0x74: {  	_ =	shalt  }
0x75: {  	_ =	shalt  }
0x76: {  	_ =	shalt  }
0x77: {  	_ =	shalt  }
0x78: {  	_ =	shalt  }
0x79: {  	_ =	shalt  }
0x7a: {  	_ =	shalt  }
0x7b: {  	_ =	shalt  }
0x7c: {  	_ =	shalt  }
0x7d: {  	_ =	shalt  }
0x7e: {  	_ =	shalt  }
0x7f: {  	_ =	shalt  }
0x80: {  	_ =	shalt  }
0x81: {  	_ =	shalt  }
0x82: {  	_ =	shalt  }
0x83: {  	_ =	shalt  }
0x84: {  	_ =	shalt  }
0x85: {  	_ =	shalt  }
0x86: {  	_ =	shalt  }
0x87: {  	_ =	shalt  }
.Lfunc_end0:
.L_simem_size_0:
called_computation.1_lowered:
.L_overlay_start_0:
0x88: {  	s2 =	sld [smem:$0x3FD9]  }
0x89: {  	s3 =	sld [smem:$0x3FFE];
	_ =	sdelay $0x1  }
0x8a: {  	s1 =	srdreg.scid  }
0x8b: {  	s0 =	sand.u32 $0x1, s1  }
0x8c: {  	s17 =	sshll.u32 s0, $0xA;
	s2 =	sadd.s32 s3, s2  }
0x8d: {  	s2 =	sadd.s32 s2, s17  }
0x8e: {  	[smem:$0x3FC2] =	sst s2  }
0x8f: {  	_ = 	snop  }
0x90: {  	s2 =	sld [smem:$0x3FD0];
	(tm) =	ssettm $0x1  }
0x91: {  	s18 =	sld [smem:$0x3FFB];
	_ =	sdelay $0x3  }
0x92: {  	_ =	strace s18  }
0x93: {  	s3 =	sld [smem:$0x3FFC];
	_ =	sdelay $0x3  }
0x94: {  	_ =	strace s3  }
0x95: {  	s3 =	sld [smem:$0x3FFD];
	_ =	sdelay $0x3  }
0x96: {  	_ =	strace s3  }
0x97: {  	_ =	strace $0x8FFFFFFF  }
0x98: {  	s19 =	sld [smem:$0x3FDB];
	_ =	sdelay $0x1  }
0x99: {  	s4 =	simm.s32 $_scs_section_size  }
0x9a: {  	s5 =	simm.s32 $_size__tile_overlayer_lowered;
	s6 =	simm.s32 $_tile_overlayer_lowered  }
0x9b: {  	s22 =	simm.s32 $0x1BFF;
	s21 =	sshll.u32 s6, $0x1;
	s3 =	sadd.s32 s4, s19  }
0x9c: {  	s7 =	simm.s32 $0x0;
	s20 =	sshll.u32 s5, $0x1;
	s5 =	sadd.s32 s21, s3  }
0x9d: {  	[timem:s7], [sflag:s22] =	dma.local [hbm:s5], s20  }
0x9e: {  	_ =	swait.ge [sflag:s22], s20  }
0x9f: {  	s4 =	ssub.s32 $0x0, s20;
	[sflag:s22] =	ssyncset.done $0x0  }
0xa0: {  	[sflag:s22] =	ssyncadd.s32 s4;
	_ =	sdelay $0x1  }
0xa1: {  	s23 =	simm.s32 $0x1B8B  }
0xa2: {  	_ =	swait.ge [sflag:s23], $0x1  }
0xa3: {  	[sflag:s23] =	ssyncset.done $0x0  }
0xa4: {  	s25 =	simm.s32 $0x1B8E;
	s24 =	sld [smem:$0x3FFE];
	[sflag:s23] =	ssyncadd.s32 $0xFFFFFFFF  }
0xa5: {  	s26 =	simm.s32 $execute0_lowered;
	[smem:$0x3FD2] =	sst s25  }
0xa6: {  	s5 =	sshll.u32 s26, $0x1;
	_ =	strace $0x80000049;
	[dreg:$0x1] =	wrdreg $0xFFFFFFFF  }
0xa7: {  	s28 =	simm.s32 $_size_execute0_lowered;
	s3 =	sadd.s32 s3, s5;
	[dreg:$0x0] =	wrdreg $0x0  }
0xa8: {  	s5 =	sshll.u32 s28, $0x1;
	[dreg:$0x2] =	wrdreg s3  }
0xa9: {  	[dreg:$0x3] =	wrdreg s5  }
0xaa: {  	[dreg:$0x4] =	wrdreg $0xC0  }
0xab: {  	_ =	task [dreg:s7], $0x5FFFF  }
0xac: {  	[dreg:$0x1] =	wrdreg $0xFFFFFFFF  }
0xad: {  	[dreg:$0x0] =	wrdreg $0x60  }
0xae: {  	[dreg:$0x2] =	wrdreg s2  }
0xaf: {  	[dreg:$0x3] =	wrdreg s24  }
0xb0: {  	[dreg:$0x4] =	wrdreg $0xA8000  }
0xb1: {  	[dreg:$0x5] =	wrdreg $0x9  }
0xb2: {  	_ =	task.clear_ibuf [dreg:s7], $0x6FFFF;
	_ =	strace $0x90000049  }
0xb3: {  	s29 =	simm.s32 $0x9;
	_ =	strace $0x8000004B  }
0xb4: {  	_ =	swait.ge [sflag:s29], $0x1  }
0xb5: {  	[sflag:s29] =	ssyncadd.s32 $0xFFFFFFFF  }
0xb6: {  	_ =	strace $0x9000004B  }
0xb7: {  	_ =	sfence  }
0xb8: {  	s30 =	sld [smem:$0x0];
	_ =	sdelay $0x2  }
0xb9: {  	s31 =	sshll.u32 s1, $0xD;
	s1 =	sshrl.u32 s1, $0x2  }
0xba: {  	s3 =	sand.u32 $0x4000, s31;
	s1 =	sadd.s32 s1, s30  }
0xbb: {  	s0 =	sor.u32 s3, s0;
	s1 =	sshll.u32 s1, $0x11  }
0xbc: {  	s0 =	sor.u32 s1, s0  }
0xbd: {  	s0 =	sadd.s32 $0x8F2B, s0  }
0xbe: {  	[sflag:s0] =	ssyncadd.remote.s32 $0x1  }
0xbf: {  	_ =	sfence.sel $0xFFFF  }
0xc0: {  	[dreg:$0x0] =	wrdreg $0xFFFFFFFF;
	(pc) =	sbr.abs _section_cstart, $3  }
0xc1: {  	[dreg:$0x1] =	wrdreg $0xFFFFFFFF  }
0xc2: {  	_ =	task.clear_ibuf [dreg:s7], $0x2FFFF;
	_ =	strace $0x9FFFFFFF  }
0xc3: {  	(tm) =	ssettm $0x7FFFFFFF  }
tec
execute0_lowered:
.L_overlay_start_1:
0x0: {  	(tag) =	ssettag $0x1  }
0x1: {  	s1 =	rddreg [dreg:$0x0]  }
0x2: {  	s8 =	rddreg [dreg:$0x1]  }
0x3: {  	s2 =	rddreg [dreg:$0x2]  }
0x4: {  	s3 =	srdreg.scid;
	s4 =	simm.s32 $0x0;
	s15 =	simm.s32 $0xA000  }
0x5: {  	s16 =	simm.s32 $0x40;
	s17 =	simm.s32 $0x2000;
	s18 =	simm.s32 $0x4000  }
0x6: {  	s19 =	simm.s32 $0x6000;
	s20 =	simm.s32 $0x1;
	s21 =	simm.s32 $0x8000  }
0x7: {  	s22 =	simm.s32 $0x2;
	s23 =	simm.s32 $0x3;
	s7 =	sand.u32 $0x1, s3  }
0x8: {  	s24 =	simm.s32 $0x4;
	s3 =	stileid.u32;
	s6 =	smul.u32 $0x140000, s7  }
0x9: {  	s25 =	simm.s32 $0x0;
	[smem:$0x7FF] =	sst s4;
	s9 =	smul.u32 $0x14000, s3  }
0xa: {  	s5 =	sshll.u32 s7, $0x4;
	_ =	strace $0x8000004A;
	s28 =	ssub.s32 $0x2, s7  }
0xb: {  	s11 =	smul.u32 $0x50000, s3;
	s7 =	sadd.s32 $0xCA00, s8;
	s10 =	sor.u32 s3, s5  }
0xc: {  	s29 =	sshrl.u32 s28, $0x1;
	s9 =	sadd.s32 s9, s6;
	s6 =	smul.u32 $0x2800, s10  }
0xd: {  	s5 =	sadd.s32 $0x2A00, s8;
	s13 =	ssub.s32 s28, s29;
	s31 =	sshrl.u32 s11, $0x2  }
0xe: {  	s9 =	sshrl.u32 s9, $0x3;
	s10 =	sadd.s32 s31, s2;
	s30 =	sshrl.u32 s6, $0x3  }
0xf: {  	s12 =	sadd.s32 s9, s8;
	s8 =	sadd.s32 s1, s30;
	s9 =	sadd.s32 s5, s30  }
0x10: {  	v0 =	vimm.f32 $0.0e+00;
	s11 =	sadd.s32 $0x34A00, s12;
	s12 =	smax.u32 s13, $0x1;
	s13 =	simm.s32 $0x6  }
.LBB2_1:
0x11: {  	[tilespmem:s4], [sflag:$0x6] =	stream.linear.gather [hbm4b:s8+s4], $0x800, $0x38;
	[tilespmem:$0x1E800] =	vst v63  }
0x12: {  	_ =	swait.ge [sflag:s13], $0x800  }
0x13: {  	[sflag:s13] =	ssyncset.done $0x0  }
0x14: {  	s0 =	simm.s32 $0x1000;
	[sflag:s13] =	ssyncadd.s32 $0xFFFFF800  }
0x15: {  	[tilespmem:s0], [sflag:$0x6] =	stream.linear.gather [hbm4b:s9+s4], $0x800, $0x38;
	[tilespmem:$0x1E800] =	vst v63  }
0x16: {  	_ =	swait.ge [sflag:s13], $0x800  }
0x17: {  	[sflag:s13] =	ssyncset.done $0x0  }
0x18: {  	s26 =	simm.s32 $0x0;
	s28 =	simm.s32 $0x200;
	[sflag:s13] =	ssyncadd.s32 $0xFFFFF800  }
.LBB2_2:
0x19: {  	p0 =	sne.s32 s28, $0x1E00;
	[tilespmem:s26+$0xA070] =	vst v0  }
0x1a: {  	[tilespmem:s26+$0xA000] =	vst v0  }
0x1b: {  	[tilespmem:s26+$0xA010] =	vst v0  }
.Ltmp0:
0x1c: {  	[tilespmem:s26+$0xA020] =	vst v0;
	(pc) =	sbr.rel @p0 .LBB2_2-.Ltmp0, $4  }
0x1d: {  	[tilespmem:s26+$0xA030] =	vst v0  }
0x1e: {  	[tilespmem:s26+$0xA040] =	vst v0  }
0x1f: {  	[tilespmem:s26+$0xA050] =	vst v0  }
0x20: {  	[tilespmem:s26+$0xA060] =	vst v0;
	s26 =	sshra.s32 s28, $0x2;
	s28 =	sadd.s32 $0x200, s28  }
0x21: {  	[tilespmem:s26+$0xA070] =	vst v0  }
0x22: {  	[tilespmem:s26+$0xA000] =	vst v0  }
0x23: {  	[tilespmem:s26+$0xA010] =	vst v0  }
0x24: {  	[tilespmem:s26+$0xA020] =	vst v0  }
0x25: {  	[tilespmem:s26+$0xA030] =	vst v0  }
0x26: {  	[tilespmem:s26+$0xA040] =	vst v0  }
0x27: {  	[tilespmem:s26+$0xA050] =	vst v0  }
0x28: {  	[tilespmem:s26+$0xA060] =	vst v0;
	s31 =	sadd.s32 $0x0, s10  }
0x29: {  	[spmem:s31] =	stream.linear.scatter [tilespmem:s15], [sflag:$0x6], $0x800, $0x38;
	[tilespmem:$0x1E800] =	vst v63  }
0x2a: {  	s26 =	simm.s32 $0x2000;
	_ =	swait.ge [sflag:s13], $0x800  }
.LBB2_4:
0x2b: {  	s28 =	sshra.s32 s26, $0x2;
	[sflag:s13] =	ssyncset.done $0x0;
	p0 =	sne.s32 s26, $0x4E000  }
.Ltmp1:
0x2c: {  	s28 =	sadd.s32 s28, s10;
	[sflag:s13] =	ssyncadd.s32 $0xFFFFF800;
	(pc) =	sbr.rel @p0 .LBB2_4-.Ltmp1, $3  }
0x2d: {  	[spmem:s28] =	stream.linear.scatter [tilespmem:s15], [sflag:$0x6], $0x800, $0x38;
	[tilespmem:$0x1E800] =	vst v63  }
0x2e: {  	s26 =	sadd.s32 $0x2000, s26;
	_ =	sdelay $0x1  }
0x2f: {  	_ =	swait.ge [sflag:s13], $0x800  }
0x30: {  	[sflag:s13] =	ssyncset.done $0x0  }
0x31: {  	[sflag:s13] =	ssyncadd.s32 $0xFFFFF800  }
0x32: {  	s26 =	simm.s32 $0x0;
	[bflag:$0x0] =	sbarrier.arrive $0xFFFF  }
.LBB2_6:
0x33: {  	s28 =	smov.u32 s26  }
0x34: {  	s26 =	sadd.s32 $0x1, s26;
	p0 =	seq.s32 s28, $0x4  }
0x35: {  	s29 =	sshll.u32 @!p0 s26, $0xB  }
0x36: {  	s28 =	sshll.u32 @!p0 s28, $0xB;
	s29 =	sadd.s32 @!p0 s6, s29  }
0x37: {  	s28 =	sand.u32 @!p0 $0x800, s28;
	s29 =	sshrl.u32 @!p0 s29, $0x3  }
0x38: {  	s0 =	simm.s32 @!p0 $0x0;
	s30 =	sxor.u32 @!p0 $0x800, s28;
	s31 =	sadd.s32 @!p0 s1, s29  }
0x39: {  	[tilespmem:s30], [sflag:$0x5] =	stream.linear.gather @!p0 [hbm4b:s31+s0], $0x800, $0x38;
	[tilespmem:$0x1E800] =	vst v63  }
0x3a: {  	s29 =	sadd.s32 @!p0 s5, s29;
	s30 =	sxor.u32 @!p0 $0x1800, s28  }
0x3b: {  	[tilespmem:s30], [sflag:$0x5] =	stream.linear.gather @!p0 [hbm4b:s29+s0], $0x800, $0x38;
	[tilespmem:$0x1E800] =	vst v63  }
0x3c: {  	s28 =	simm.s32 @p0 $0x0  }
0x3d: {  	[tilespmem:s17], [sflag:$0x1] =	stream.indirect.gather [hbm4b:s7+s16], $0x80, s28, s16, $0xb8;
	[tilespmem:$0x1E800] =	vst v63  }
0x3e: {  	s14 =	sadd.s32 $0x40, s28  }
0x3f: {  	[tilespmem:s18], [sflag:$0x2] =	stream.indirect.gather [hbm4b:s7+s16], $0x80, s14, s16, $0xb8;
	[tilespmem:$0x1E800] =	vst v63  }
0x40: {  	s31 =	sadd.s32 $0x80, s28  }
0x41: {  	[tilespmem:s19], [sflag:$0x3] =	stream.indirect.gather [hbm4b:s7+s16], $0x80, s31, s16, $0xb8;
	[tilespmem:$0x1E800] =	vst v63  }
0x42: {  	_ =	swait.ge [sflag:s20], $0x2000  }
0x43: {  	s0 =	sadd.s32 $0x0, s28;
	[sflag:s20] =	ssyncset.done $0x0  }
0x44: {  	s29 =	sor.u32 $0x1000, s28;
	s30 =	sadd.s32 $0xC0, s0;
	[sflag:s20] =	ssyncadd.s32 $0xFFFFE000  }
0x45: {  	[tilespmem:s21], [sflag:$0x4] =	stream.indirect.gather [hbm4b:s7+s16], $0x80, s30, s16, $0xb8;
	[tilespmem:$0x1E800] =	vst v63  }
0x46: {  	s30 =	sadd.s32 $0x0, s29  }
0x47: {  	[spmem:s2] =	stream.indirect.scatter.add.f32 [tilespmem:s17], [sflag:$0x6], $0x80, s30, s16, $0xb8;
	[tilespmem:$0x1E800] =	vst v63  }
0x48: {  	_ =	swait.ge [sflag:s13], $0x2000  }
0x49: {  	[sflag:s13] =	ssyncset.done $0x0  }
0x4a: {  	[sflag:s13] =	ssyncadd.s32 $0xFFFFE000  }
0x4b: {  	_ =	swait.ge [sflag:s22], $0x2000  }
0x4c: {  	[sflag:s22] =	ssyncset.done $0x0  }
0x4d: {  	s14 =	sadd.s32 $0x100, s0;
	[sflag:s22] =	ssyncadd.s32 $0xFFFFE000  }
0x4e: {  	[tilespmem:s17], [sflag:$0x1] =	stream.indirect.gather [hbm4b:s7+s16], $0x80, s14, s16, $0xb8;
	[tilespmem:$0x1E800] =	vst v63  }
0x4f: {  	s14 =	sadd.s32 $0x40, s30  }
0x50: {  	[spmem:s2] =	stream.indirect.scatter.add.f32 [tilespmem:s18], [sflag:$0x6], $0x80, s14, s16, $0xb8;
	[tilespmem:$0x1E800] =	vst v63  }
0x51: {  	_ =	swait.ge [sflag:s13], $0x2000  }
0x52: {  	[sflag:s13] =	ssyncset.done $0x0  }
0x53: {  	[sflag:s13] =	ssyncadd.s32 $0xFFFFE000  }
0x54: {  	_ =	swait.ge [sflag:s23], $0x2000  }
0x55: {  	[sflag:s23] =	ssyncset.done $0x0  }
0x56: {  	s14 =	sadd.s32 $0x140, s0;
	[sflag:s23] =	ssyncadd.s32 $0xFFFFE000  }
0x57: {  	[tilespmem:s18], [sflag:$0x2] =	stream.indirect.gather [hbm4b:s7+s16], $0x80, s14, s16, $0xb8;
	[tilespmem:$0x1E800] =	vst v63  }
0x58: {  	s14 =	sadd.s32 $0x80, s30  }
0x59: {  	[spmem:s2] =	stream.indirect.scatter.add.f32 [tilespmem:s19], [sflag:$0x6], $0x80, s14, s16, $0xb8;
	[tilespmem:$0x1E800] =	vst v63  }
0x5a: {  	_ =	swait.ge [sflag:s13], $0x2000  }
0x5b: {  	[sflag:s13] =	ssyncset.done $0x0  }
0x5c: {  	[sflag:s13] =	ssyncadd.s32 $0xFFFFE000  }
0x5d: {  	_ =	swait.ge [sflag:s24], $0x2000  }
0x5e: {  	[sflag:s24] =	ssyncset.done $0x0  }
0x5f: {  	s0 =	sadd.s32 $0x180, s0;
	[sflag:s24] =	ssyncadd.s32 $0xFFFFE000  }
0x60: {  	[tilespmem:s19], [sflag:$0x3] =	stream.indirect.gather [hbm4b:s7+s16], $0x80, s0, s16, $0xb8;
	[tilespmem:$0x1E800] =	vst v63  }
0x61: {  	s31 =	sadd.s32 $0xC0, s30  }
0x62: {  	[spmem:s2] =	stream.indirect.scatter.add.f32 [tilespmem:s21], [sflag:$0x6], $0x80, s31, s16, $0xb8;
	[tilespmem:$0x1E800] =	vst v63  }
0x63: {  	_ =	swait.ge [sflag:s13], $0x2000  }
0x64: {  	s30 =	simm.s32 $0x400;
	[sflag:s13] =	ssyncset.done $0x0  }
.LBB2_7:
0x65: {  	p1 =	sne.s32 s30, $0x1800  }
0x66: {  	[sflag:s13] =	ssyncadd.s32 $0xFFFFE000;
	s0 =	smov.u32 s30;
	s30 =	sadd.s32 $0x400, s30  }
0x67: {  	_ =	swait.ge [sflag:s20], $0x2000  }
0x68: {  	s0 =	sshra.s32 s0, $0x2;
	[sflag:s20] =	ssyncset.done $0x0  }
0x69: {  	s31 =	sadd.s32 s0, s28;
	[sflag:s20] =	ssyncadd.s32 $0xFFFFE000  }
0x6a: {  	s14 =	sadd.s32 $0xC0, s31  }
0x6b: {  	[tilespmem:s21], [sflag:$0x4] =	stream.indirect.gather [hbm4b:s7+s16], $0x80, s14, s16, $0xb8;
	[tilespmem:$0x1E800] =	vst v63  }
0x6c: {  	s0 =	sadd.s32 s0, s29  }
0x6d: {  	[spmem:s2] =	stream.indirect.scatter.add.f32 [tilespmem:s17], [sflag:$0x6], $0x80, s0, s16, $0xb8;
	[tilespmem:$0x1E800] =	vst v63  }
0x6e: {  	_ =	swait.ge [sflag:s13], $0x2000  }
0x6f: {  	[sflag:s13] =	ssyncset.done $0x0  }
0x70: {  	[sflag:s13] =	ssyncadd.s32 $0xFFFFE000  }
0x71: {  	_ =	swait.ge [sflag:s22], $0x2000  }
0x72: {  	[sflag:s22] =	ssyncset.done $0x0  }
0x73: {  	s14 =	sadd.s32 $0x100, s31;
	[sflag:s22] =	ssyncadd.s32 $0xFFFFE000  }
0x74: {  	[tilespmem:s17], [sflag:$0x1] =	stream.indirect.gather [hbm4b:s7+s16], $0x80, s14, s16, $0xb8;
	[tilespmem:$0x1E800] =	vst v63  }
0x75: {  	s14 =	sadd.s32 $0x40, s0  }
0x76: {  	[spmem:s2] =	stream.indirect.scatter.add.f32 [tilespmem:s18], [sflag:$0x6], $0x80, s14, s16, $0xb8;
	[tilespmem:$0x1E800] =	vst v63  }
0x77: {  	_ =	swait.ge [sflag:s13], $0x2000  }
0x78: {  	[sflag:s13] =	ssyncset.done $0x0  }
0x79: {  	[sflag:s13] =	ssyncadd.s32 $0xFFFFE000  }
0x7a: {  	_ =	swait.ge [sflag:s23], $0x2000  }
0x7b: {  	[sflag:s23] =	ssyncset.done $0x0  }
0x7c: {  	s14 =	sadd.s32 $0x140, s31;
	[sflag:s23] =	ssyncadd.s32 $0xFFFFE000  }
0x7d: {  	[tilespmem:s18], [sflag:$0x2] =	stream.indirect.gather [hbm4b:s7+s16], $0x80, s14, s16, $0xb8;
	[tilespmem:$0x1E800] =	vst v63  }
0x7e: {  	s14 =	sadd.s32 $0x80, s0  }
0x7f: {  	[spmem:s2] =	stream.indirect.scatter.add.f32 [tilespmem:s19], [sflag:$0x6], $0x80, s14, s16, $0xb8;
	[tilespmem:$0x1E800] =	vst v63  }
0x80: {  	_ =	swait.ge [sflag:s13], $0x2000  }
0x81: {  	[sflag:s13] =	ssyncset.done $0x0  }
0x82: {  	[sflag:s13] =	ssyncadd.s32 $0xFFFFE000  }
0x83: {  	_ =	swait.ge [sflag:s24], $0x2000  }
0x84: {  	[sflag:s24] =	ssyncset.done $0x0  }
0x85: {  	s14 =	sadd.s32 $0x180, s31;
	[sflag:s24] =	ssyncadd.s32 $0xFFFFE000  }
0x86: {  	[tilespmem:s19], [sflag:$0x3] =	stream.indirect.gather [hbm4b:s7+s16], $0x80, s14, s16, $0xb8;
	[tilespmem:$0x1E800] =	vst v63  }
.Ltmp2:
0x87: {  	_ = 	snop;
	(pc) =	sbr.rel @p1 .LBB2_7-.Ltmp2, $4  }
0x88: {  	s0 =	sadd.s32 $0xC0, s0  }
0x89: {  	[spmem:s2] =	stream.indirect.scatter.add.f32 [tilespmem:s21], [sflag:$0x6], $0x80, s0, s16, $0xb8;
	[tilespmem:$0x1E800] =	vst v63  }
0x8a: {  	_ =	swait.ge [sflag:s13], $0x2000  }
0x8b: {  	[sflag:s13] =	ssyncset.done $0x0  }
0x8c: {  	[sflag:s13] =	ssyncadd.s32 $0xFFFFE000  }
0x8d: {  	_ =	swait.ge [sflag:s20], $0x2000  }
0x8e: {  	[sflag:s20] =	ssyncset.done $0x0  }
0x8f: {  	s0 =	sadd.s32 $0x7C0, s28;
	[sflag:s20] =	ssyncadd.s32 $0xFFFFE000  }
0x90: {  	[tilespmem:s21], [sflag:$0x4] =	stream.indirect.gather [hbm4b:s7+s16], $0x80, s0, s16, $0xb8;
	[tilespmem:$0x1E800] =	vst v63  }
0x91: {  	s14 =	sadd.s32 $0x1700, s28  }
0x92: {  	[spmem:s2] =	stream.indirect.scatter.add.f32 [tilespmem:s17], [sflag:$0x6], $0x80, s14, s16, $0xb8;
	[tilespmem:$0x1E800] =	vst v63  }
0x93: {  	_ =	swait.ge [sflag:s13], $0x2000  }
0x94: {  	[sflag:s13] =	ssyncset.done $0x0  }
0x95: {  	[sflag:s13] =	ssyncadd.s32 $0xFFFFE000  }
0x96: {  	_ =	swait.ge [sflag:s22], $0x2000  }
0x97: {  	[sflag:s22] =	ssyncset.done $0x0  }
0x98: {  	s29 =	sadd.s32 $0x1740, s28;
	[sflag:s22] =	ssyncadd.s32 $0xFFFFE000  }
0x99: {  	[spmem:s2] =	stream.indirect.scatter.add.f32 [tilespmem:s18], [sflag:$0x6], $0x80, s29, s16, $0xb8;
	[tilespmem:$0x1E800] =	vst v63  }
0x9a: {  	_ =	swait.ge [sflag:s13], $0x2000  }
0x9b: {  	[sflag:s13] =	ssyncset.done $0x0  }
0x9c: {  	[sflag:s13] =	ssyncadd.s32 $0xFFFFE000  }
0x9d: {  	_ =	swait.ge [sflag:s23], $0x2000  }
0x9e: {  	[sflag:s23] =	ssyncset.done $0x0  }
0x9f: {  	s30 =	sadd.s32 $0x1780, s28;
	[sflag:s23] =	ssyncadd.s32 $0xFFFFE000  }
0xa0: {  	[spmem:s2] =	stream.indirect.scatter.add.f32 [tilespmem:s19], [sflag:$0x6], $0x80, s30, s16, $0xb8;
	[tilespmem:$0x1E800] =	vst v63  }
0xa1: {  	_ =	swait.ge [sflag:s13], $0x2000  }
0xa2: {  	[sflag:s13] =	ssyncset.done $0x0  }
0xa3: {  	[sflag:s13] =	ssyncadd.s32 $0xFFFFE000  }
0xa4: {  	_ =	swait.ge [sflag:s24], $0x2000  }
0xa5: {  	[sflag:s24] =	ssyncset.done $0x0  }
0xa6: {  	s31 =	sadd.s32 $0x17C0, s28;
	[sflag:s24] =	ssyncadd.s32 $0xFFFFE000  }
0xa7: {  	[spmem:s2] =	stream.indirect.scatter.add.f32 [tilespmem:s21], [sflag:$0x6], $0x80, s31, s16, $0xb8;
	[tilespmem:$0x1E800] =	vst v63  }
0xa8: {  	_ =	swait.ge [sflag:s13], $0x2000  }
0xa9: {  	[sflag:s13] =	ssyncset.done $0x0  }
0xaa: {  	p1 =	sne.s32 @!p0 s26, $0x5;
	s0 =	simm.s32 @!p0 $0x5;
	[sflag:s13] =	ssyncadd.s32 $0xFFFFE000  }
0xab: {  	p1 =	por p0, !p1;
	_ =	swait.ge @!p0 [sflag:s0], $0x800  }
.Ltmp3:
0xac: {  	[sflag:s0] =	ssyncset.done @!p0 $0x0;
	(pc) =	sbr.rel @!p1 .LBB2_6-.Ltmp3, $4  }
0xad: {  	[sflag:s0] =	ssyncadd.s32 @!p0 $0xFFFFF800  }
0xae: {  	_ =	swait.ge @!p0 [sflag:s0], $0x800  }
0xaf: {  	[sflag:s0] =	ssyncset.done @!p0 $0x0  }
0xb0: {  	[sflag:s0] =	ssyncadd.s32 @!p0 $0xFFFFF800  }
0xb1: {  	s25 =	sadd.s32 $0x1, s25  }
0xb2: {  	s0 =	sshll.u32 s3, $0x6;
	[bflag:$0x0] =	sbarrier.arrive $0xFFFF;
	p0 =	sne.s32 s25, s12  }
.Ltmp4:
0xb3: {  	s14 =	sshrl.u32 s10, $0x3;
	s0 =	sor.u32 $0x1C06, s0;
	(pc) =	sbr.rel @p0 .LBB2_1-.Ltmp4, $4  }
0xb4: {  	[hbm:s11], [sflag:s0] =	dma.local [spmem:s14], $0x2800  }
0xb5: {  	_ =	swait.ge [sflag:s13], $0x2800  }
0xb6: {  	[sflag:s13] =	ssyncset.done $0x0  }
0xb7: {  	[sflag:s13] =	ssyncadd.s32 $0xFFFFD800  }
0xb8: {  	_ =	sfence.sel $0x180000  }
0xb9: {  	[bflag:$0x0] =	sbarrier.arrive $0xFFFF  }
0xba: {  	_ =	strace $0x9000004A  }
0xbb: {  	[bflag:$0x2] =	sbarrier.arrive $0xFFFF  }
0xbc: {  	p0 =	sne.s32 s3, $0x0;
	s0 =	rddreg [dreg:$0x3]  }
0xbd: {  	s0 =	sadd.s32 @!p0 $0x100000, s0  }
0xbe: {  	[sflag:s0] =	ssyncadd.tile.s32 @!p0 $0x1;
	_ =	shalt  }
.Lfunc_end2:
_tile_overlayer_lowered:
.L_overlay_start_2:
0xbf: {  	(tag) =	ssettag $0x2  }
0xc0: {  	s0 =	rddreg [dreg:$0x0];
	s2 =	stileid.u32  }
0xc1: {  	s1 =	rddreg [dreg:$0x1];
	p0 =	sne.s32 s2, $0x0  }
0xc2: {  	s3 =	rddreg [dreg:$0x2];
	[bflag:$0x3] =	sbarrier.arrive $0xFFFF;
	s2 =	simm.s32 @!p0 $0x1C06  }
0xc3: {  	[timem:s3], [sflag:s2] =	dma.local @!p0 [hbm:s0], s1  }
0xc4: {  	s0 =	simm.s32 @!p0 $0x6  }
0xc5: {  	_ =	swait.ge @!p0 [sflag:s0], s1  }
0xc6: {  	s1 =	ssub.s32 @!p0 $0x0, s1;
	[sflag:s0] =	ssyncset.done @!p0 $0x0  }
0xc7: {  	[sflag:s0] =	ssyncadd.s32 @!p0 s1  }
0xc8: {  	[bflag:$0x3] =	sbarrier.arrive $0xFFFF  }
0xc9: {  	_ =	shalt  }

// kernel: kernel.15.cloned.1.call-start
scs
__scs_entry_jumppad:
0x0: {  	(pc) =	sbr.rel $0x88, $3  }
0x1: {  	(tag) =	ssettag $0x0;
	lr =	simm.s32 $0x1  }
0x2: {  	[smem:$0x3F9B] =	sst lr;
	_ =	strace $0xD0000000  }
0x3: {  	_ = 	snop  }
0x4: {  	_ = 	snop  }
0x5: {  	_ = 	snop  }
0x6: {  	_ = 	snop  }
0x7: {  	_ = 	snop  }
__scs_overlays_trampoline_lowered:
0x8: {  	[smem:$0x3FAA] =	sst s0  }
0x9: {  	[smem:$0x3FAB] =	sst s1  }
0xa: {  	[smem:$0x3FAC] =	sst s2  }
0xb: {  	[smem:$0x3FAD] =	sst s3  }
0xc: {  	[smem:$0x3FAE] =	sst s4  }
0xd: {  	[smem:$0x3FAF] =	sst s5  }
0xe: {  	[smem:$0x3FB0] =	sst s6  }
0xf: {  	[smem:$0x3FB1] =	sst s7  }
0x10: {  	[smem:$0x3FB2] =	sst s8  }
0x11: {  	[smem:$0x3FB3] =	sst s9;
	s0 =	simm.s32 @!p0 $0x0  }
0x12: {  	s1 =	sld [smem:$0x3F99];
	s0 =	simm.s32 @p0 $0x1  }
0x13: {  	[smem:$0x3FB4] =	sst s0;
	s0 =	simm.s32 @!p1 $0x0  }
0x14: {  	s2 =	sld [smem:$0x3F98];
	s0 =	simm.s32 @p1 $0x1  }
0x15: {  	[smem:$0x3FB5] =	sst s0;
	s0 =	simm.s32 @!p2 $0x0  }
0x16: {  	s3 =	sld [smem:$0x3FDB];
	s0 =	simm.s32 @p2 $0x1  }
0x17: {  	s4 =	simm.s32 $0x1BF5;
	[smem:$0x3FB7] =	sst s0  }
0x18: {  	s0 =	sld [smem:$0x3F9A];
	_ =	swait.ge [sflag:s4], $0x0  }
0x19: {  	s7 =	sld [smem:$0x3F9B]  }
0x1a: {  	s8 =	sadd.s32 $0xFFFFE003, lr  }
0x1b: {  	s9 =	sadd.s32 $0xFFFFFEF7, lr;
	s5 =	simm.s32 $0xFFFFFFFF;
	p2 =	slt.u32 s8, $0xFFFFF086  }
0x1c: {  	p1 =	slt.u32 s9, $0xF7A;
	s5 =	simm.s32 @!p2 $0x0  }
0x1d: {  	s5 =	simm.s32 @p1 $0x1;
	p0 =	seq.s32 s7, s2  }
0x1e: {  	s7 =	smul.u32 @!p0 $0xF7A, s2;
	p2 =	seq.s32 @!p0 s5, $0x0  }
0x1f: {  	s9 =	smul.u32 $0xF7A, s1;
	s8 =	simm.s32 @!p0 $0x1BF5;
	p2 =	por !p2, p0  }
0x20: {  	[sflag:s8] =	ssyncset.s32 @!p0 $0xFFFFF086;
	s6 =	sadd.s32 @!p0 s3, s7;
	s7 =	simm.s32 @!p0 $0x108  }
0x21: {  	s3 =	sadd.s32 s3, s9;
	s6 =	sadd.s32 @!p0 $0x88, s6;
	s7 =	simm.s32 @p2 $0x1082  }
0x22: {  	[simem:s7], [sflag:s8] =	dma.local @!p0 [hbm:s6], $0xF7A  }
0x23: {  	s9 =	sor.u32 $0xD0000000, s2;
	s6 =	simm.s32 $0x108;
	_ =	swait.ge @!p0 [sflag:s8], $0x0  }
0x24: {  	s3 =	sadd.s32 $0x88, s3;
	s6 =	simm.s32 @!p1 $0x1082;
	[sflag:s4] =	ssyncset.s32 $0xFFFFF086  }
0x25: {  	[simem:s6], [sflag:s4] =	dma.local [hbm:s3], $0xF7A  }
0x26: {  	[smem:$0x3F9B] =	sst s1;
	(tag) =	ssettag s2;
	_ =	strace s9  }
0x27: {  	s1 =	sld [smem:$0x3FAB]  }
0x28: {  	s2 =	sld [smem:$0x3FAC]  }
0x29: {  	s4 =	sld [smem:$0x3FAE]  }
0x2a: {  	p0 =	seq.s32 s5, $0x0;
	s5 =	sld [smem:$0x3FAF]  }
0x2b: {  	s6 =	sld [smem:$0x3FB0]  }
0x2c: {  	s7 =	sld [smem:$0x3FB1]  }
0x2d: {  	s3 =	simm.s32 $0x108;
	s8 =	sld [smem:$0x3FB2]  }
0x2e: {  	s3 =	simm.s32 @!p0 $0x1082;
	s9 =	sld [smem:$0x3FB3]  }
0x2f: {  	lr =	sadd.s32 s0, s3;
	s0 =	sld [smem:$0x3FAA]  }
0x30: {  	s3 =	sld [smem:$0x3FAD]  }
0x31: {  	[smem:$0x3FB6] =	sst s10  }
0x32: {  	s10 =	sld [smem:$0x3FB4];
	_ =	sdelay $0x3  }
0x33: {  	p0 =	seq.s32 s10, $0x1;
	s10 =	sld [smem:$0x3FB6];
	_ =	sdelay $0x3  }
0x34: {  	[smem:$0x3FB6] =	sst s10  }
0x35: {  	s10 =	sld [smem:$0x3FB5];
	_ =	sdelay $0x3  }
0x36: {  	p1 =	seq.s32 s10, $0x1;
	s10 =	sld [smem:$0x3FB6];
	_ =	sdelay $0x3  }
0x37: {  	[smem:$0x3FB6] =	sst s10  }
0x38: {  	s10 =	sld [smem:$0x3FB7]  }
0x39: {  	_ = 	snop;
	(pc) =	sbr.ind lr, $3  }
0x3a: {  	_ = 	snop  }
0x3b: {  	_ = 	snop  }
0x3c: {  	p2 =	seq.s32 s10, $0x1;
	s10 =	sld [smem:$0x3FB6]  }
0x3d: {  	_ =	shalt  }
0x3e: {  	_ =	shalt  }
0x3f: {  	_ =	shalt  }
0x40: {  	_ =	shalt  }
0x41: {  	_ =	shalt  }
0x42: {  	_ =	shalt  }
0x43: {  	_ =	shalt  }
0x44: {  	_ =	shalt  }
0x45: {  	_ =	shalt  }
0x46: {  	_ =	shalt  }
0x47: {  	_ =	shalt  }
0x48: {  	_ =	shalt  }
0x49: {  	_ =	shalt  }
0x4a: {  	_ =	shalt  }
0x4b: {  	_ =	shalt  }
0x4c: {  	_ =	shalt  }
0x4d: {  	_ =	shalt  }
0x4e: {  	_ =	shalt  }
0x4f: {  	_ =	shalt  }
0x50: {  	_ =	shalt  }
0x51: {  	_ =	shalt  }
0x52: {  	_ =	shalt  }
0x53: {  	_ =	shalt  }
0x54: {  	_ =	shalt  }
0x55: {  	_ =	shalt  }
0x56: {  	_ =	shalt  }
0x57: {  	_ =	shalt  }
0x58: {  	_ =	shalt  }
0x59: {  	_ =	shalt  }
0x5a: {  	_ =	shalt  }
0x5b: {  	_ =	shalt  }
0x5c: {  	_ =	shalt  }
0x5d: {  	_ =	shalt  }
0x5e: {  	_ =	shalt  }
0x5f: {  	_ =	shalt  }
0x60: {  	_ =	shalt  }
0x61: {  	_ =	shalt  }
0x62: {  	_ =	shalt  }
0x63: {  	_ =	shalt  }
0x64: {  	_ =	shalt  }
0x65: {  	_ =	shalt  }
0x66: {  	_ =	shalt  }
0x67: {  	_ =	shalt  }
0x68: {  	_ =	shalt  }
0x69: {  	_ =	shalt  }
0x6a: {  	_ =	shalt  }
0x6b: {  	_ =	shalt  }
0x6c: {  	_ =	shalt  }
0x6d: {  	_ =	shalt  }
0x6e: {  	_ =	shalt  }
0x6f: {  	_ =	shalt  }
0x70: {  	_ =	shalt  }
0x71: {  	_ =	shalt  }
0x72: {  	_ =	shalt  }
0x73: {  	_ =	shalt  }
0x74: {  	_ =	shalt  }
0x75: {  	_ =	shalt  }
0x76: {  	_ =	shalt  }
0x77: {  	_ =	shalt  }
0x78: {  	_ =	shalt  }
0x79: {  	_ =	shalt  }
0x7a: {  	_ =	shalt  }
0x7b: {  	_ =	shalt  }
0x7c: {  	_ =	shalt  }
0x7d: {  	_ =	shalt  }
0x7e: {  	_ =	shalt  }
0x7f: {  	_ =	shalt  }
0x80: {  	_ =	shalt  }
0x81: {  	_ =	shalt  }
0x82: {  	_ =	shalt  }
0x83: {  	_ =	shalt  }
0x84: {  	_ =	shalt  }
0x85: {  	_ =	shalt  }
0x86: {  	_ =	shalt  }
0x87: {  	_ =	shalt  }
.Lfunc_end0:
.L_simem_size_0:
called_computation.2_lowered:
.L_overlay_start_0:
0x88: {  	s2 =	sld [smem:$0x3FD9]  }
0x89: {  	s3 =	sld [smem:$0x3FFE];
	_ =	sdelay $0x1  }
0x8a: {  	s1 =	srdreg.scid  }
0x8b: {  	s0 =	sand.u32 $0x1, s1  }
0x8c: {  	s17 =	sshll.u32 s0, $0xA;
	s2 =	sadd.s32 s3, s2  }
0x8d: {  	s2 =	sadd.s32 s2, s17  }
0x8e: {  	[smem:$0x3FC2] =	sst s2  }
0x8f: {  	_ = 	snop  }
0x90: {  	s2 =	sld [smem:$0x3FD0];
	(tm) =	ssettm $0x1  }
0x91: {  	s18 =	sld [smem:$0x3FFB];
	_ =	sdelay $0x3  }
0x92: {  	_ =	strace s18  }
0x93: {  	s3 =	sld [smem:$0x3FFC];
	_ =	sdelay $0x3  }
0x94: {  	_ =	strace s3  }
0x95: {  	s3 =	sld [smem:$0x3FFD];
	_ =	sdelay $0x3  }
0x96: {  	_ =	strace s3  }
0x97: {  	_ =	strace $0x8FFFFFFF  }
0x98: {  	s19 =	sld [smem:$0x3FDB];
	_ =	sdelay $0x1  }
0x99: {  	s4 =	simm.s32 $_scs_section_size  }
0x9a: {  	s5 =	simm.s32 $_size__tile_overlayer_lowered;
	s6 =	simm.s32 $_tile_overlayer_lowered  }
0x9b: {  	s22 =	simm.s32 $0x1BFF;
	s21 =	sshll.u32 s6, $0x1;
	s3 =	sadd.s32 s4, s19  }
0x9c: {  	s7 =	simm.s32 $0x0;
	s20 =	sshll.u32 s5, $0x1;
	s5 =	sadd.s32 s21, s3  }
0x9d: {  	[timem:s7], [sflag:s22] =	dma.local [hbm:s5], s20  }
0x9e: {  	_ =	swait.ge [sflag:s22], s20  }
0x9f: {  	s4 =	ssub.s32 $0x0, s20;
	[sflag:s22] =	ssyncset.done $0x0  }
0xa0: {  	[sflag:s22] =	ssyncadd.s32 s4;
	_ =	sdelay $0x1  }
0xa1: {  	s23 =	simm.s32 $0x1B8B  }
0xa2: {  	_ =	swait.ge [sflag:s23], $0x1  }
0xa3: {  	[sflag:s23] =	ssyncset.done $0x0  }
0xa4: {  	s25 =	simm.s32 $0x1B8E;
	s24 =	sld [smem:$0x3FFE];
	[sflag:s23] =	ssyncadd.s32 $0xFFFFFFFF  }
0xa5: {  	s26 =	simm.s32 $execute0_lowered;
	[smem:$0x3FD2] =	sst s25  }
0xa6: {  	s5 =	sshll.u32 s26, $0x1;
	_ =	strace $0x8000004C;
	[dreg:$0x1] =	wrdreg $0xFFFFFFFF  }
0xa7: {  	s28 =	simm.s32 $_size_execute0_lowered;
	s3 =	sadd.s32 s3, s5;
	[dreg:$0x0] =	wrdreg $0x0  }
0xa8: {  	s5 =	sshll.u32 s28, $0x1;
	[dreg:$0x2] =	wrdreg s3  }
0xa9: {  	[dreg:$0x3] =	wrdreg s5  }
0xaa: {  	[dreg:$0x4] =	wrdreg $0xC0  }
0xab: {  	_ =	task [dreg:s7], $0x5FFFF  }
0xac: {  	[dreg:$0x1] =	wrdreg $0xFFFFFFFF  }
0xad: {  	[dreg:$0x0] =	wrdreg $0x60  }
0xae: {  	[dreg:$0x2] =	wrdreg s2  }
0xaf: {  	[dreg:$0x3] =	wrdreg s24  }
0xb0: {  	[dreg:$0x4] =	wrdreg $0xA8000  }
0xb1: {  	[dreg:$0x5] =	wrdreg $0x9  }
0xb2: {  	_ =	task.clear_ibuf [dreg:s7], $0x6FFFF;
	_ =	strace $0x9000004C  }
0xb3: {  	s29 =	simm.s32 $0x9;
	_ =	strace $0x8000004E  }
0xb4: {  	_ =	swait.ge [sflag:s29], $0x1  }
0xb5: {  	[sflag:s29] =	ssyncadd.s32 $0xFFFFFFFF  }
0xb6: {  	_ =	strace $0x9000004E  }
0xb7: {  	_ =	sfence  }
0xb8: {  	s30 =	sld [smem:$0x0];
	_ =	sdelay $0x2  }
0xb9: {  	s31 =	sshll.u32 s1, $0xD;
	s1 =	sshrl.u32 s1, $0x2  }
0xba: {  	s3 =	sand.u32 $0x4000, s31;
	s1 =	sadd.s32 s1, s30  }
0xbb: {  	s0 =	sor.u32 s3, s0;
	s1 =	sshll.u32 s1, $0x11  }
0xbc: {  	s0 =	sor.u32 s1, s0  }
0xbd: {  	s0 =	sadd.s32 $0x8F2B, s0  }
0xbe: {  	[sflag:s0] =	ssyncadd.remote.s32 $0x1  }
0xbf: {  	_ =	sfence.sel $0xFFFF  }
0xc0: {  	[dreg:$0x0] =	wrdreg $0xFFFFFFFF;
	(pc) =	sbr.abs _section_cstart, $3  }
0xc1: {  	[dreg:$0x1] =	wrdreg $0xFFFFFFFF  }
0xc2: {  	_ =	task.clear_ibuf [dreg:s7], $0x2FFFF;
	_ =	strace $0x9FFFFFFF  }
0xc3: {  	(tm) =	ssettm $0x7FFFFFFF  }
tec
execute0_lowered:
.L_overlay_start_1:
0x0: {  	(tag) =	ssettag $0x1  }
0x1: {  	s1 =	rddreg [dreg:$0x0]  }
0x2: {  	s8 =	rddreg [dreg:$0x1]  }
0x3: {  	s2 =	rddreg [dreg:$0x2]  }
0x4: {  	s3 =	srdreg.scid;
	s4 =	simm.s32 $0x0;
	s15 =	simm.s32 $0xA000  }
0x5: {  	s16 =	simm.s32 $0x40;
	s17 =	simm.s32 $0x2000;
	s18 =	simm.s32 $0x4000  }
0x6: {  	s19 =	simm.s32 $0x6000;
	s20 =	simm.s32 $0x1;
	s21 =	simm.s32 $0x8000  }
0x7: {  	s22 =	simm.s32 $0x2;
	s23 =	simm.s32 $0x3;
	s7 =	sand.u32 $0x1, s3  }
0x8: {  	s24 =	simm.s32 $0x4;
	s3 =	stileid.u32;
	s6 =	smul.u32 $0x140000, s7  }
0x9: {  	s25 =	simm.s32 $0x0;
	[smem:$0x7FF] =	sst s4;
	s9 =	smul.u32 $0x14000, s3  }
0xa: {  	s5 =	sshll.u32 s7, $0x4;
	_ =	strace $0x8000004D;
	s28 =	ssub.s32 $0x2, s7  }
0xb: {  	s11 =	smul.u32 $0x50000, s3;
	s7 =	sadd.s32 $0xCA00, s8;
	s10 =	sor.u32 s3, s5  }
0xc: {  	s29 =	sshrl.u32 s28, $0x1;
	s9 =	sadd.s32 s9, s6;
	s6 =	smul.u32 $0x2800, s10  }
0xd: {  	s5 =	sadd.s32 $0x2A00, s8;
	s13 =	ssub.s32 s28, s29;
	s31 =	sshrl.u32 s11, $0x2  }
0xe: {  	s9 =	sshrl.u32 s9, $0x3;
	s10 =	sadd.s32 s31, s2;
	s30 =	sshrl.u32 s6, $0x3  }
0xf: {  	s12 =	sadd.s32 s9, s8;
	s8 =	sadd.s32 s1, s30;
	s9 =	sadd.s32 s5, s30  }
0x10: {  	v0 =	vimm.f32 $0.0e+00;
	s11 =	sadd.s32 $0x34A00, s12;
	s12 =	smax.u32 s13, $0x1;
	s13 =	simm.s32 $0x6  }
.LBB2_1:
0x11: {  	[tilespmem:s4], [sflag:$0x6] =	stream.linear.gather [hbm4b:s8+s4], $0x800, $0x38;
	[tilespmem:$0x1E800] =	vst v63  }
0x12: {  	_ =	swait.ge [sflag:s13], $0x800  }
0x13: {  	[sflag:s13] =	ssyncset.done $0x0  }
0x14: {  	s0 =	simm.s32 $0x1000;
	[sflag:s13] =	ssyncadd.s32 $0xFFFFF800  }
0x15: {  	[tilespmem:s0], [sflag:$0x6] =	stream.linear.gather [hbm4b:s9+s4], $0x800, $0x38;
	[tilespmem:$0x1E800] =	vst v63  }
0x16: {  	_ =	swait.ge [sflag:s13], $0x800  }
0x17: {  	[sflag:s13] =	ssyncset.done $0x0  }
0x18: {  	s26 =	simm.s32 $0x0;
	s28 =	simm.s32 $0x200;
	[sflag:s13] =	ssyncadd.s32 $0xFFFFF800  }
.LBB2_2:
0x19: {  	p0 =	sne.s32 s28, $0x1E00;
	[tilespmem:s26+$0xA070] =	vst v0  }
0x1a: {  	[tilespmem:s26+$0xA000] =	vst v0  }
0x1b: {  	[tilespmem:s26+$0xA010] =	vst v0  }
.Ltmp0:
0x1c: {  	[tilespmem:s26+$0xA020] =	vst v0;
	(pc) =	sbr.rel @p0 .LBB2_2-.Ltmp0, $4  }
0x1d: {  	[tilespmem:s26+$0xA030] =	vst v0  }
0x1e: {  	[tilespmem:s26+$0xA040] =	vst v0  }
0x1f: {  	[tilespmem:s26+$0xA050] =	vst v0  }
0x20: {  	[tilespmem:s26+$0xA060] =	vst v0;
	s26 =	sshra.s32 s28, $0x2;
	s28 =	sadd.s32 $0x200, s28  }
0x21: {  	[tilespmem:s26+$0xA070] =	vst v0  }
0x22: {  	[tilespmem:s26+$0xA000] =	vst v0  }
0x23: {  	[tilespmem:s26+$0xA010] =	vst v0  }
0x24: {  	[tilespmem:s26+$0xA020] =	vst v0  }
0x25: {  	[tilespmem:s26+$0xA030] =	vst v0  }
0x26: {  	[tilespmem:s26+$0xA040] =	vst v0  }
0x27: {  	[tilespmem:s26+$0xA050] =	vst v0  }
0x28: {  	[tilespmem:s26+$0xA060] =	vst v0;
	s31 =	sadd.s32 $0x0, s10  }
0x29: {  	[spmem:s31] =	stream.linear.scatter [tilespmem:s15], [sflag:$0x6], $0x800, $0x38;
	[tilespmem:$0x1E800] =	vst v63  }
0x2a: {  	s26 =	simm.s32 $0x2000;
	_ =	swait.ge [sflag:s13], $0x800  }
.LBB2_4:
0x2b: {  	s28 =	sshra.s32 s26, $0x2;
	[sflag:s13] =	ssyncset.done $0x0;
	p0 =	sne.s32 s26, $0x4E000  }
.Ltmp1:
0x2c: {  	s28 =	sadd.s32 s28, s10;
	[sflag:s13] =	ssyncadd.s32 $0xFFFFF800;
	(pc) =	sbr.rel @p0 .LBB2_4-.Ltmp1, $3  }
0x2d: {  	[spmem:s28] =	stream.linear.scatter [tilespmem:s15], [sflag:$0x6], $0x800, $0x38;
	[tilespmem:$0x1E800] =	vst v63  }
0x2e: {  	s26 =	sadd.s32 $0x2000, s26;
	_ =	sdelay $0x1  }
0x2f: {  	_ =	swait.ge [sflag:s13], $0x800  }
0x30: {  	[sflag:s13] =	ssyncset.done $0x0  }
0x31: {  	[sflag:s13] =	ssyncadd.s32 $0xFFFFF800  }
0x32: {  	s26 =	simm.s32 $0x0;
	[bflag:$0x0] =	sbarrier.arrive $0xFFFF  }
.LBB2_6:
0x33: {  	s28 =	smov.u32 s26  }
0x34: {  	s26 =	sadd.s32 $0x1, s26;
	p0 =	seq.s32 s28, $0x4  }
0x35: {  	s29 =	sshll.u32 @!p0 s26, $0xB  }
0x36: {  	s28 =	sshll.u32 @!p0 s28, $0xB;
	s29 =	sadd.s32 @!p0 s6, s29  }
0x37: {  	s28 =	sand.u32 @!p0 $0x800, s28;
	s29 =	sshrl.u32 @!p0 s29, $0x3  }
0x38: {  	s0 =	simm.s32 @!p0 $0x0;
	s30 =	sxor.u32 @!p0 $0x800, s28;
	s31 =	sadd.s32 @!p0 s1, s29  }
0x39: {  	[tilespmem:s30], [sflag:$0x5] =	stream.linear.gather @!p0 [hbm4b:s31+s0], $0x800, $0x38;
	[tilespmem:$0x1E800] =	vst v63  }
0x3a: {  	s29 =	sadd.s32 @!p0 s5, s29;
	s30 =	sxor.u32 @!p0 $0x1800, s28  }
0x3b: {  	[tilespmem:s30], [sflag:$0x5] =	stream.linear.gather @!p0 [hbm4b:s29+s0], $0x800, $0x38;
	[tilespmem:$0x1E800] =	vst v63  }
0x3c: {  	s28 =	simm.s32 @p0 $0x0  }
0x3d: {  	[tilespmem:s17], [sflag:$0x1] =	stream.indirect.gather [hbm4b:s7+s16], $0x80, s28, s16, $0xb8;
	[tilespmem:$0x1E800] =	vst v63  }
0x3e: {  	s14 =	sadd.s32 $0x40, s28  }
0x3f: {  	[tilespmem:s18], [sflag:$0x2] =	stream.indirect.gather [hbm4b:s7+s16], $0x80, s14, s16, $0xb8;
	[tilespmem:$0x1E800] =	vst v63  }
0x40: {  	s31 =	sadd.s32 $0x80, s28  }
0x41: {  	[tilespmem:s19], [sflag:$0x3] =	stream.indirect.gather [hbm4b:s7+s16], $0x80, s31, s16, $0xb8;
	[tilespmem:$0x1E800] =	vst v63  }
0x42: {  	_ =	swait.ge [sflag:s20], $0x2000  }
0x43: {  	s0 =	sadd.s32 $0x0, s28;
	[sflag:s20] =	ssyncset.done $0x0  }
0x44: {  	s29 =	sor.u32 $0x1000, s28;
	s30 =	sadd.s32 $0xC0, s0;
	[sflag:s20] =	ssyncadd.s32 $0xFFFFE000  }
0x45: {  	[tilespmem:s21], [sflag:$0x4] =	stream.indirect.gather [hbm4b:s7+s16], $0x80, s30, s16, $0xb8;
	[tilespmem:$0x1E800] =	vst v63  }
0x46: {  	s30 =	sadd.s32 $0x0, s29  }
0x47: {  	[spmem:s2] =	stream.indirect.scatter.add.f32 [tilespmem:s17], [sflag:$0x6], $0x80, s30, s16, $0xb8;
	[tilespmem:$0x1E800] =	vst v63  }
0x48: {  	_ =	swait.ge [sflag:s13], $0x2000  }
0x49: {  	[sflag:s13] =	ssyncset.done $0x0  }
0x4a: {  	[sflag:s13] =	ssyncadd.s32 $0xFFFFE000  }
0x4b: {  	_ =	swait.ge [sflag:s22], $0x2000  }
0x4c: {  	[sflag:s22] =	ssyncset.done $0x0  }
0x4d: {  	s14 =	sadd.s32 $0x100, s0;
	[sflag:s22] =	ssyncadd.s32 $0xFFFFE000  }
0x4e: {  	[tilespmem:s17], [sflag:$0x1] =	stream.indirect.gather [hbm4b:s7+s16], $0x80, s14, s16, $0xb8;
	[tilespmem:$0x1E800] =	vst v63  }
0x4f: {  	s14 =	sadd.s32 $0x40, s30  }
0x50: {  	[spmem:s2] =	stream.indirect.scatter.add.f32 [tilespmem:s18], [sflag:$0x6], $0x80, s14, s16, $0xb8;
	[tilespmem:$0x1E800] =	vst v63  }
0x51: {  	_ =	swait.ge [sflag:s13], $0x2000  }
0x52: {  	[sflag:s13] =	ssyncset.done $0x0  }
0x53: {  	[sflag:s13] =	ssyncadd.s32 $0xFFFFE000  }
0x54: {  	_ =	swait.ge [sflag:s23], $0x2000  }
0x55: {  	[sflag:s23] =	ssyncset.done $0x0  }
0x56: {  	s14 =	sadd.s32 $0x140, s0;
	[sflag:s23] =	ssyncadd.s32 $0xFFFFE000  }
0x57: {  	[tilespmem:s18], [sflag:$0x2] =	stream.indirect.gather [hbm4b:s7+s16], $0x80, s14, s16, $0xb8;
	[tilespmem:$0x1E800] =	vst v63  }
0x58: {  	s14 =	sadd.s32 $0x80, s30  }
0x59: {  	[spmem:s2] =	stream.indirect.scatter.add.f32 [tilespmem:s19], [sflag:$0x6], $0x80, s14, s16, $0xb8;
	[tilespmem:$0x1E800] =	vst v63  }
0x5a: {  	_ =	swait.ge [sflag:s13], $0x2000  }
0x5b: {  	[sflag:s13] =	ssyncset.done $0x0  }
0x5c: {  	[sflag:s13] =	ssyncadd.s32 $0xFFFFE000  }
0x5d: {  	_ =	swait.ge [sflag:s24], $0x2000  }
0x5e: {  	[sflag:s24] =	ssyncset.done $0x0  }
0x5f: {  	s0 =	sadd.s32 $0x180, s0;
	[sflag:s24] =	ssyncadd.s32 $0xFFFFE000  }
0x60: {  	[tilespmem:s19], [sflag:$0x3] =	stream.indirect.gather [hbm4b:s7+s16], $0x80, s0, s16, $0xb8;
	[tilespmem:$0x1E800] =	vst v63  }
0x61: {  	s31 =	sadd.s32 $0xC0, s30  }
0x62: {  	[spmem:s2] =	stream.indirect.scatter.add.f32 [tilespmem:s21], [sflag:$0x6], $0x80, s31, s16, $0xb8;
	[tilespmem:$0x1E800] =	vst v63  }
0x63: {  	_ =	swait.ge [sflag:s13], $0x2000  }
0x64: {  	s30 =	simm.s32 $0x400;
	[sflag:s13] =	ssyncset.done $0x0  }
.LBB2_7:
0x65: {  	p1 =	sne.s32 s30, $0x1800  }
0x66: {  	[sflag:s13] =	ssyncadd.s32 $0xFFFFE000;
	s0 =	smov.u32 s30;
	s30 =	sadd.s32 $0x400, s30  }
0x67: {  	_ =	swait.ge [sflag:s20], $0x2000  }
0x68: {  	s0 =	sshra.s32 s0, $0x2;
	[sflag:s20] =	ssyncset.done $0x0  }
0x69: {  	s31 =	sadd.s32 s0, s28;
	[sflag:s20] =	ssyncadd.s32 $0xFFFFE000  }
0x6a: {  	s14 =	sadd.s32 $0xC0, s31  }
0x6b: {  	[tilespmem:s21], [sflag:$0x4] =	stream.indirect.gather [hbm4b:s7+s16], $0x80, s14, s16, $0xb8;
	[tilespmem:$0x1E800] =	vst v63  }
0x6c: {  	s0 =	sadd.s32 s0, s29  }
0x6d: {  	[spmem:s2] =	stream.indirect.scatter.add.f32 [tilespmem:s17], [sflag:$0x6], $0x80, s0, s16, $0xb8;
	[tilespmem:$0x1E800] =	vst v63  }
0x6e: {  	_ =	swait.ge [sflag:s13], $0x2000  }
0x6f: {  	[sflag:s13] =	ssyncset.done $0x0  }
0x70: {  	[sflag:s13] =	ssyncadd.s32 $0xFFFFE000  }
0x71: {  	_ =	swait.ge [sflag:s22], $0x2000  }
0x72: {  	[sflag:s22] =	ssyncset.done $0x0  }
0x73: {  	s14 =	sadd.s32 $0x100, s31;
	[sflag:s22] =	ssyncadd.s32 $0xFFFFE000  }
0x74: {  	[tilespmem:s17], [sflag:$0x1] =	stream.indirect.gather [hbm4b:s7+s16], $0x80, s14, s16, $0xb8;
	[tilespmem:$0x1E800] =	vst v63  }
0x75: {  	s14 =	sadd.s32 $0x40, s0  }
0x76: {  	[spmem:s2] =	stream.indirect.scatter.add.f32 [tilespmem:s18], [sflag:$0x6], $0x80, s14, s16, $0xb8;
	[tilespmem:$0x1E800] =	vst v63  }
0x77: {  	_ =	swait.ge [sflag:s13], $0x2000  }
0x78: {  	[sflag:s13] =	ssyncset.done $0x0  }
0x79: {  	[sflag:s13] =	ssyncadd.s32 $0xFFFFE000  }
0x7a: {  	_ =	swait.ge [sflag:s23], $0x2000  }
0x7b: {  	[sflag:s23] =	ssyncset.done $0x0  }
0x7c: {  	s14 =	sadd.s32 $0x140, s31;
	[sflag:s23] =	ssyncadd.s32 $0xFFFFE000  }
0x7d: {  	[tilespmem:s18], [sflag:$0x2] =	stream.indirect.gather [hbm4b:s7+s16], $0x80, s14, s16, $0xb8;
	[tilespmem:$0x1E800] =	vst v63  }
0x7e: {  	s14 =	sadd.s32 $0x80, s0  }
0x7f: {  	[spmem:s2] =	stream.indirect.scatter.add.f32 [tilespmem:s19], [sflag:$0x6], $0x80, s14, s16, $0xb8;
	[tilespmem:$0x1E800] =	vst v63  }
0x80: {  	_ =	swait.ge [sflag:s13], $0x2000  }
0x81: {  	[sflag:s13] =	ssyncset.done $0x0  }
0x82: {  	[sflag:s13] =	ssyncadd.s32 $0xFFFFE000  }
0x83: {  	_ =	swait.ge [sflag:s24], $0x2000  }
0x84: {  	[sflag:s24] =	ssyncset.done $0x0  }
0x85: {  	s14 =	sadd.s32 $0x180, s31;
	[sflag:s24] =	ssyncadd.s32 $0xFFFFE000  }
0x86: {  	[tilespmem:s19], [sflag:$0x3] =	stream.indirect.gather [hbm4b:s7+s16], $0x80, s14, s16, $0xb8;
	[tilespmem:$0x1E800] =	vst v63  }
.Ltmp2:
0x87: {  	_ = 	snop;
	(pc) =	sbr.rel @p1 .LBB2_7-.Ltmp2, $4  }
0x88: {  	s0 =	sadd.s32 $0xC0, s0  }
0x89: {  	[spmem:s2] =	stream.indirect.scatter.add.f32 [tilespmem:s21], [sflag:$0x6], $0x80, s0, s16, $0xb8;
	[tilespmem:$0x1E800] =	vst v63  }
0x8a: {  	_ =	swait.ge [sflag:s13], $0x2000  }
0x8b: {  	[sflag:s13] =	ssyncset.done $0x0  }
0x8c: {  	[sflag:s13] =	ssyncadd.s32 $0xFFFFE000  }
0x8d: {  	_ =	swait.ge [sflag:s20], $0x2000  }
0x8e: {  	[sflag:s20] =	ssyncset.done $0x0  }
0x8f: {  	s0 =	sadd.s32 $0x7C0, s28;
	[sflag:s20] =	ssyncadd.s32 $0xFFFFE000  }
0x90: {  	[tilespmem:s21], [sflag:$0x4] =	stream.indirect.gather [hbm4b:s7+s16], $0x80, s0, s16, $0xb8;
	[tilespmem:$0x1E800] =	vst v63  }
0x91: {  	s14 =	sadd.s32 $0x1700, s28  }
0x92: {  	[spmem:s2] =	stream.indirect.scatter.add.f32 [tilespmem:s17], [sflag:$0x6], $0x80, s14, s16, $0xb8;
	[tilespmem:$0x1E800] =	vst v63  }
0x93: {  	_ =	swait.ge [sflag:s13], $0x2000  }
0x94: {  	[sflag:s13] =	ssyncset.done $0x0  }
0x95: {  	[sflag:s13] =	ssyncadd.s32 $0xFFFFE000  }
0x96: {  	_ =	swait.ge [sflag:s22], $0x2000  }
0x97: {  	[sflag:s22] =	ssyncset.done $0x0  }
0x98: {  	s29 =	sadd.s32 $0x1740, s28;
	[sflag:s22] =	ssyncadd.s32 $0xFFFFE000  }
0x99: {  	[spmem:s2] =	stream.indirect.scatter.add.f32 [tilespmem:s18], [sflag:$0x6], $0x80, s29, s16, $0xb8;
	[tilespmem:$0x1E800] =	vst v63  }
0x9a: {  	_ =	swait.ge [sflag:s13], $0x2000  }
0x9b: {  	[sflag:s13] =	ssyncset.done $0x0  }
0x9c: {  	[sflag:s13] =	ssyncadd.s32 $0xFFFFE000  }
0x9d: {  	_ =	swait.ge [sflag:s23], $0x2000  }
0x9e: {  	[sflag:s23] =	ssyncset.done $0x0  }
0x9f: {  	s30 =	sadd.s32 $0x1780, s28;
	[sflag:s23] =	ssyncadd.s32 $0xFFFFE000  }
0xa0: {  	[spmem:s2] =	stream.indirect.scatter.add.f32 [tilespmem:s19], [sflag:$0x6], $0x80, s30, s16, $0xb8;
	[tilespmem:$0x1E800] =	vst v63  }
0xa1: {  	_ =	swait.ge [sflag:s13], $0x2000  }
0xa2: {  	[sflag:s13] =	ssyncset.done $0x0  }
0xa3: {  	[sflag:s13] =	ssyncadd.s32 $0xFFFFE000  }
0xa4: {  	_ =	swait.ge [sflag:s24], $0x2000  }
0xa5: {  	[sflag:s24] =	ssyncset.done $0x0  }
0xa6: {  	s31 =	sadd.s32 $0x17C0, s28;
	[sflag:s24] =	ssyncadd.s32 $0xFFFFE000  }
0xa7: {  	[spmem:s2] =	stream.indirect.scatter.add.f32 [tilespmem:s21], [sflag:$0x6], $0x80, s31, s16, $0xb8;
	[tilespmem:$0x1E800] =	vst v63  }
0xa8: {  	_ =	swait.ge [sflag:s13], $0x2000  }
0xa9: {  	[sflag:s13] =	ssyncset.done $0x0  }
0xaa: {  	p1 =	sne.s32 @!p0 s26, $0x5;
	s0 =	simm.s32 @!p0 $0x5;
	[sflag:s13] =	ssyncadd.s32 $0xFFFFE000  }
0xab: {  	p1 =	por p0, !p1;
	_ =	swait.ge @!p0 [sflag:s0], $0x800  }
.Ltmp3:
0xac: {  	[sflag:s0] =	ssyncset.done @!p0 $0x0;
	(pc) =	sbr.rel @!p1 .LBB2_6-.Ltmp3, $4  }
0xad: {  	[sflag:s0] =	ssyncadd.s32 @!p0 $0xFFFFF800  }
0xae: {  	_ =	swait.ge @!p0 [sflag:s0], $0x800  }
0xaf: {  	[sflag:s0] =	ssyncset.done @!p0 $0x0  }
0xb0: {  	[sflag:s0] =	ssyncadd.s32 @!p0 $0xFFFFF800  }
0xb1: {  	s25 =	sadd.s32 $0x1, s25  }
0xb2: {  	s0 =	sshll.u32 s3, $0x6;
	[bflag:$0x0] =	sbarrier.arrive $0xFFFF;
	p0 =	sne.s32 s25, s12  }
.Ltmp4:
0xb3: {  	s14 =	sshrl.u32 s10, $0x3;
	s0 =	sor.u32 $0x1C06, s0;
	(pc) =	sbr.rel @p0 .LBB2_1-.Ltmp4, $4  }
0xb4: {  	[hbm:s11], [sflag:s0] =	dma.local [spmem:s14], $0x2800  }
0xb5: {  	_ =	swait.ge [sflag:s13], $0x2800  }
0xb6: {  	[sflag:s13] =	ssyncset.done $0x0  }
0xb7: {  	[sflag:s13] =	ssyncadd.s32 $0xFFFFD800  }
0xb8: {  	_ =	sfence.sel $0x180000  }
0xb9: {  	[bflag:$0x0] =	sbarrier.arrive $0xFFFF  }
0xba: {  	_ =	strace $0x9000004D  }
0xbb: {  	[bflag:$0x2] =	sbarrier.arrive $0xFFFF  }
0xbc: {  	p0 =	sne.s32 s3, $0x0;
	s0 =	rddreg [dreg:$0x3]  }
0xbd: {  	s0 =	sadd.s32 @!p0 $0x100000, s0  }
0xbe: {  	[sflag:s0] =	ssyncadd.tile.s32 @!p0 $0x1;
	_ =	shalt  }
.Lfunc_end2:
_tile_overlayer_lowered:
.L_overlay_start_2:
0xbf: {  	(tag) =	ssettag $0x2  }
0xc0: {  	s0 =	rddreg [dreg:$0x0];
	s2 =	stileid.u32  }
0xc1: {  	s1 =	rddreg [dreg:$0x1];
	p0 =	sne.s32 s2, $0x0  }
0xc2: {  	s3 =	rddreg [dreg:$0x2];
	[bflag:$0x3] =	sbarrier.arrive $0xFFFF;
	s2 =	simm.s32 @!p0 $0x1C06  }
0xc3: {  	[timem:s3], [sflag:s2] =	dma.local @!p0 [hbm:s0], s1  }
0xc4: {  	s0 =	simm.s32 @!p0 $0x6  }
0xc5: {  	_ =	swait.ge @!p0 [sflag:s0], s1  }
0xc6: {  	s1 =	ssub.s32 @!p0 $0x0, s1;
	[sflag:s0] =	ssyncset.done @!p0 $0x0  }
0xc7: {  	[sflag:s0] =	ssyncadd.s32 @!p0 s1  }
0xc8: {  	[bflag:$0x3] =	sbarrier.arrive $0xFFFF  }
0xc9: {  	_ =	shalt  }

// kernel: kernel.9.cloned.1.call-start
scs
__scs_entry_jumppad:
0x0: {  	(pc) =	sbr.rel $0x88, $3  }
0x1: {  	(tag) =	ssettag $0x0;
	lr =	simm.s32 $0x1  }
0x2: {  	[smem:$0x3F9B] =	sst lr;
	_ =	strace $0xD0000000  }
0x3: {  	_ = 	snop  }
0x4: {  	_ = 	snop  }
0x5: {  	_ = 	snop  }
0x6: {  	_ = 	snop  }
0x7: {  	_ = 	snop  }
__scs_overlays_trampoline_lowered:
0x8: {  	[smem:$0x3FAA] =	sst s0  }
0x9: {  	[smem:$0x3FAB] =	sst s1  }
0xa: {  	[smem:$0x3FAC] =	sst s2  }
0xb: {  	[smem:$0x3FAD] =	sst s3  }
0xc: {  	[smem:$0x3FAE] =	sst s4  }
0xd: {  	[smem:$0x3FAF] =	sst s5  }
0xe: {  	[smem:$0x3FB0] =	sst s6  }
0xf: {  	[smem:$0x3FB1] =	sst s7  }
0x10: {  	[smem:$0x3FB2] =	sst s8  }
0x11: {  	[smem:$0x3FB3] =	sst s9;
	s0 =	simm.s32 @!p0 $0x0  }
0x12: {  	s1 =	sld [smem:$0x3F99];
	s0 =	simm.s32 @p0 $0x1  }
0x13: {  	[smem:$0x3FB4] =	sst s0;
	s0 =	simm.s32 @!p1 $0x0  }
0x14: {  	s2 =	sld [smem:$0x3F98];
	s0 =	simm.s32 @p1 $0x1  }
0x15: {  	[smem:$0x3FB5] =	sst s0;
	s0 =	simm.s32 @!p2 $0x0  }
0x16: {  	s3 =	sld [smem:$0x3FDB];
	s0 =	simm.s32 @p2 $0x1  }
0x17: {  	s4 =	simm.s32 $0x1BF5;
	[smem:$0x3FB7] =	sst s0  }
0x18: {  	s0 =	sld [smem:$0x3F9A];
	_ =	swait.ge [sflag:s4], $0x0  }
0x19: {  	s7 =	sld [smem:$0x3F9B]  }
0x1a: {  	s8 =	sadd.s32 $0xFFFFE003, lr  }
0x1b: {  	s9 =	sadd.s32 $0xFFFFFEF7, lr;
	s5 =	simm.s32 $0xFFFFFFFF;
	p2 =	slt.u32 s8, $0xFFFFF086  }
0x1c: {  	p1 =	slt.u32 s9, $0xF7A;
	s5 =	simm.s32 @!p2 $0x0  }
0x1d: {  	s5 =	simm.s32 @p1 $0x1;
	p0 =	seq.s32 s7, s2  }
0x1e: {  	s7 =	smul.u32 @!p0 $0xF7A, s2;
	p2 =	seq.s32 @!p0 s5, $0x0  }
0x1f: {  	s9 =	smul.u32 $0xF7A, s1;
	s8 =	simm.s32 @!p0 $0x1BF5;
	p2 =	por !p2, p0  }
0x20: {  	[sflag:s8] =	ssyncset.s32 @!p0 $0xFFFFF086;
	s6 =	sadd.s32 @!p0 s3, s7;
	s7 =	simm.s32 @!p0 $0x108  }
0x21: {  	s3 =	sadd.s32 s3, s9;
	s6 =	sadd.s32 @!p0 $0x88, s6;
	s7 =	simm.s32 @p2 $0x1082  }
0x22: {  	[simem:s7], [sflag:s8] =	dma.local @!p0 [hbm:s6], $0xF7A  }
0x23: {  	s9 =	sor.u32 $0xD0000000, s2;
	s6 =	simm.s32 $0x108;
	_ =	swait.ge @!p0 [sflag:s8], $0x0  }
0x24: {  	s3 =	sadd.s32 $0x88, s3;
	s6 =	simm.s32 @!p1 $0x1082;
	[sflag:s4] =	ssyncset.s32 $0xFFFFF086  }
0x25: {  	[simem:s6], [sflag:s4] =	dma.local [hbm:s3], $0xF7A  }
0x26: {  	[smem:$0x3F9B] =	sst s1;
	(tag) =	ssettag s2;
	_ =	strace s9  }
0x27: {  	s1 =	sld [smem:$0x3FAB]  }
0x28: {  	s2 =	sld [smem:$0x3FAC]  }
0x29: {  	s4 =	sld [smem:$0x3FAE]  }
0x2a: {  	p0 =	seq.s32 s5, $0x0;
	s5 =	sld [smem:$0x3FAF]  }
0x2b: {  	s6 =	sld [smem:$0x3FB0]  }
0x2c: {  	s7 =	sld [smem:$0x3FB1]  }
0x2d: {  	s3 =	simm.s32 $0x108;
	s8 =	sld [smem:$0x3FB2]  }
0x2e: {  	s3 =	simm.s32 @!p0 $0x1082;
	s9 =	sld [smem:$0x3FB3]  }
0x2f: {  	lr =	sadd.s32 s0, s3;
	s0 =	sld [smem:$0x3FAA]  }
0x30: {  	s3 =	sld [smem:$0x3FAD]  }
0x31: {  	[smem:$0x3FB6] =	sst s10  }
0x32: {  	s10 =	sld [smem:$0x3FB4];
	_ =	sdelay $0x3  }
0x33: {  	p0 =	seq.s32 s10, $0x1;
	s10 =	sld [smem:$0x3FB6];
	_ =	sdelay $0x3  }
0x34: {  	[smem:$0x3FB6] =	sst s10  }
0x35: {  	s10 =	sld [smem:$0x3FB5];
	_ =	sdelay $0x3  }
0x36: {  	p1 =	seq.s32 s10, $0x1;
	s10 =	sld [smem:$0x3FB6];
	_ =	sdelay $0x3  }
0x37: {  	[smem:$0x3FB6] =	sst s10  }
0x38: {  	s10 =	sld [smem:$0x3FB7]  }
0x39: {  	_ = 	snop;
	(pc) =	sbr.ind lr, $3  }
0x3a: {  	_ = 	snop  }
0x3b: {  	_ = 	snop  }
0x3c: {  	p2 =	seq.s32 s10, $0x1;
	s10 =	sld [smem:$0x3FB6]  }
0x3d: {  	_ =	shalt  }
0x3e: {  	_ =	shalt  }
0x3f: {  	_ =	shalt  }
0x40: {  	_ =	shalt  }
0x41: {  	_ =	shalt  }
0x42: {  	_ =	shalt  }
0x43: {  	_ =	shalt  }
0x44: {  	_ =	shalt  }
0x45: {  	_ =	shalt  }
0x46: {  	_ =	shalt  }
0x47: {  	_ =	shalt  }
0x48: {  	_ =	shalt  }
0x49: {  	_ =	shalt  }
0x4a: {  	_ =	shalt  }
0x4b: {  	_ =	shalt  }
0x4c: {  	_ =	shalt  }
0x4d: {  	_ =	shalt  }
0x4e: {  	_ =	shalt  }
0x4f: {  	_ =	shalt  }
0x50: {  	_ =	shalt  }
0x51: {  	_ =	shalt  }
0x52: {  	_ =	shalt  }
0x53: {  	_ =	shalt  }
0x54: {  	_ =	shalt  }
0x55: {  	_ =	shalt  }
0x56: {  	_ =	shalt  }
0x57: {  	_ =	shalt  }
0x58: {  	_ =	shalt  }
0x59: {  	_ =	shalt  }
0x5a: {  	_ =	shalt  }
0x5b: {  	_ =	shalt  }
0x5c: {  	_ =	shalt  }
0x5d: {  	_ =	shalt  }
0x5e: {  	_ =	shalt  }
0x5f: {  	_ =	shalt  }
0x60: {  	_ =	shalt  }
0x61: {  	_ =	shalt  }
0x62: {  	_ =	shalt  }
0x63: {  	_ =	shalt  }
0x64: {  	_ =	shalt  }
0x65: {  	_ =	shalt  }
0x66: {  	_ =	shalt  }
0x67: {  	_ =	shalt  }
0x68: {  	_ =	shalt  }
0x69: {  	_ =	shalt  }
0x6a: {  	_ =	shalt  }
0x6b: {  	_ =	shalt  }
0x6c: {  	_ =	shalt  }
0x6d: {  	_ =	shalt  }
0x6e: {  	_ =	shalt  }
0x6f: {  	_ =	shalt  }
0x70: {  	_ =	shalt  }
0x71: {  	_ =	shalt  }
0x72: {  	_ =	shalt  }
0x73: {  	_ =	shalt  }
0x74: {  	_ =	shalt  }
0x75: {  	_ =	shalt  }
0x76: {  	_ =	shalt  }
0x77: {  	_ =	shalt  }
0x78: {  	_ =	shalt  }
0x79: {  	_ =	shalt  }
0x7a: {  	_ =	shalt  }
0x7b: {  	_ =	shalt  }
0x7c: {  	_ =	shalt  }
0x7d: {  	_ =	shalt  }
0x7e: {  	_ =	shalt  }
0x7f: {  	_ =	shalt  }
0x80: {  	_ =	shalt  }
0x81: {  	_ =	shalt  }
0x82: {  	_ =	shalt  }
0x83: {  	_ =	shalt  }
0x84: {  	_ =	shalt  }
0x85: {  	_ =	shalt  }
0x86: {  	_ =	shalt  }
0x87: {  	_ =	shalt  }
.Lfunc_end0:
.L_simem_size_0:
called_computation_lowered:
.L_overlay_start_0:
0x88: {  	s2 =	sld [smem:$0x3FD9]  }
0x89: {  	s3 =	sld [smem:$0x3FFE];
	_ =	sdelay $0x1  }
0x8a: {  	s1 =	srdreg.scid  }
0x8b: {  	s0 =	sand.u32 $0x1, s1  }
0x8c: {  	s16 =	sshll.u32 s0, $0xA;
	s2 =	sadd.s32 s3, s2  }
0x8d: {  	s2 =	sadd.s32 s2, s16  }
0x8e: {  	[smem:$0x3FC2] =	sst s2  }
0x8f: {  	_ = 	snop  }
0x90: {  	(tm) =	ssettm $0x1  }
0x91: {  	s17 =	sld [smem:$0x3FFB];
	_ =	sdelay $0x3  }
0x92: {  	_ =	strace s17  }
0x93: {  	s2 =	sld [smem:$0x3FFC];
	_ =	sdelay $0x3  }
0x94: {  	_ =	strace s2  }
0x95: {  	s2 =	sld [smem:$0x3FFD];
	_ =	sdelay $0x3  }
0x96: {  	_ =	strace s2  }
0x97: {  	_ =	strace $0x8FFFFFFF  }
0x98: {  	s18 =	sld [smem:$0x3FDB];
	_ =	sdelay $0x1  }
0x99: {  	s19 =	simm.s32 $_scs_section_size  }
0x9a: {  	s4 =	simm.s32 $_size__tile_overlayer_lowered;
	s5 =	simm.s32 $_tile_overlayer_lowered  }
0x9b: {  	s22 =	simm.s32 $0x1BFF;
	s21 =	sshll.u32 s5, $0x1;
	s2 =	sadd.s32 s19, s18  }
0x9c: {  	s6 =	simm.s32 $0x0;
	s20 =	sshll.u32 s4, $0x1;
	s4 =	sadd.s32 s21, s2  }
0x9d: {  	[timem:s6], [sflag:s22] =	dma.local [hbm:s4], s20  }
0x9e: {  	_ =	swait.ge [sflag:s22], s20  }
0x9f: {  	s3 =	ssub.s32 $0x0, s20;
	[sflag:s22] =	ssyncset.done $0x0  }
0xa0: {  	[sflag:s22] =	ssyncadd.s32 s3;
	_ =	sdelay $0x1  }
0xa1: {  	s23 =	simm.s32 $0x1B8B  }
0xa2: {  	_ =	swait.ge [sflag:s23], $0x1  }
0xa3: {  	[sflag:s23] =	ssyncset.done $0x0  }
0xa4: {  	s25 =	simm.s32 $0x1B8E;
	s24 =	sld [smem:$0x3FFE];
	[sflag:s23] =	ssyncadd.s32 $0xFFFFFFFF  }
0xa5: {  	s26 =	simm.s32 $execute0_lowered;
	[smem:$0x3FD2] =	sst s25  }
0xa6: {  	s4 =	sshll.u32 s26, $0x1;
	_ =	strace $0x80000046;
	[dreg:$0x1] =	wrdreg $0xFFFFFFFF  }
0xa7: {  	s28 =	simm.s32 $_size_execute0_lowered;
	s2 =	sadd.s32 s2, s4;
	[dreg:$0x0] =	wrdreg $0x0  }
0xa8: {  	s4 =	sshll.u32 s28, $0x1;
	[dreg:$0x2] =	wrdreg s2  }
0xa9: {  	[dreg:$0x3] =	wrdreg s4  }
0xaa: {  	[dreg:$0x4] =	wrdreg $0xC0  }
0xab: {  	_ =	task [dreg:s6], $0x5FFFF  }
0xac: {  	[dreg:$0x1] =	wrdreg $0xFFFFFFFF  }
0xad: {  	[dreg:$0x0] =	wrdreg $0x60  }
0xae: {  	[dreg:$0x2] =	wrdreg s24  }
0xaf: {  	[dreg:$0x3] =	wrdreg $0x9  }
0xb0: {  	_ =	task.clear_ibuf [dreg:s6], $0x4FFFF;
	_ =	strace $0x90000046  }
0xb1: {  	s29 =	simm.s32 $0x9;
	_ =	strace $0x80000048  }
0xb2: {  	_ =	swait.ge [sflag:s29], $0x1  }
0xb3: {  	[sflag:s29] =	ssyncadd.s32 $0xFFFFFFFF  }
0xb4: {  	_ =	strace $0x90000048  }
0xb5: {  	_ =	sfence  }
0xb6: {  	s30 =	sld [smem:$0x0];
	_ =	sdelay $0x2  }
0xb7: {  	s31 =	sshll.u32 s1, $0xD;
	s1 =	sshrl.u32 s1, $0x2  }
0xb8: {  	s3 =	sand.u32 $0x4000, s31;
	s1 =	sadd.s32 s1, s30  }
0xb9: {  	s0 =	sor.u32 s3, s0;
	s1 =	sshll.u32 s1, $0x11  }
0xba: {  	s0 =	sor.u32 s1, s0  }
0xbb: {  	s0 =	sadd.s32 $0x8F2B, s0  }
0xbc: {  	[sflag:s0] =	ssyncadd.remote.s32 $0x1  }
0xbd: {  	_ =	sfence.sel $0xFFFF  }
0xbe: {  	[dreg:$0x0] =	wrdreg $0xFFFFFFFF;
	(pc) =	sbr.abs _section_cstart, $3  }
0xbf: {  	[dreg:$0x1] =	wrdreg $0xFFFFFFFF  }
0xc0: {  	_ =	task.clear_ibuf [dreg:s6], $0x2FFFF;
	_ =	strace $0x9FFFFFFF  }
0xc1: {  	(tm) =	ssettm $0x7FFFFFFF  }
tec
execute0_lowered:
.L_overlay_start_1:
0x0: {  	(tag) =	ssettag $0x1  }
0x1: {  	s0 =	srdreg.scid  }
0x2: {  	s5 =	rddreg [dreg:$0x0];
	s3 =	sand.u32 $0x1, s0  }
0x3: {  	s2 =	simm.s32 $0x0;
	s0 =	stileid.u32;
	s1 =	sshll.u32 s3, $0x4  }
0x4: {  	s8 =	simm.s32 $0x80;
	s9 =	simm.s32 $0x400;
	s4 =	sor.u32 s0, s1  }
0x5: {  	s10 =	simm.s32 $0x0;
	[smem:$0x7FF] =	sst s2;
	s1 =	sshrl.u32 s4, $0x3  }
0x6: {  	s7 =	sshll.u32 s0, $0x7;
	s3 =	ssub.s32 $0x2, s3;
	s6 =	smul.u32 $0x14000, s1  }
0x7: {  	s7 =	sand.u32 $0x380, s7;
	s31 =	sshrl.u32 s3, $0x1;
	s4 =	smul.u32 $0x500, s4  }
0x8: {  	s1 =	rddreg [dreg:$0x1];
	_ =	strace $0x80000047;
	s6 =	sor.u32 s7, s6  }
0x9: {  	s4 =	sadd.s32 s4, s5;
	s7 =	simm.s32 $0x2800;
	s6 =	sshrl.u32 s6, $0x3  }
0xa: {  	s5 =	sadd.s32 s6, s5;
	s6 =	ssub.s32 s3, s31;
	s3 =	sadd.s32 $0x2A00, s4  }
0xb: {  	v0 =	vimm.f32 $0.0e+00;
	v1 =	vimm.f32 $1.000000000e+00;
	s4 =	sadd.s32 $0xCA00, s5;
	s5 =	smax.u32 s6, $0x1;
	s6 =	simm.s32 $0x1  }
.LBB2_1:
0xc: {  	[tilespmem:s2], [sflag:$0x1] =	stream.linear.gather [hbm4b:s3+s2], $0x2800, $0x38;
	[tilespmem:$0x5000] =	vst v63  }
0xd: {  	_ =	swait.ge [sflag:s6], $0x2800  }
0xe: {  	[sflag:s6] =	ssyncset.done $0x0  }
0xf: {  	s11 =	simm.s32 $0x0;
	[sflag:s6] =	ssyncadd.s32 $0xFFFFD800  }
.LBB2_2:
0x10: {  	p0 =	sne.s32 s11, $0x9FC0  }
.Ltmp0:
0x11: {  	_ = 	snop;
	(pc) =	sbr.rel @p0 .LBB2_2-.Ltmp0, $3  }
0x12: {  	_ =	sdelay $0x1  }
0x13: {  	s12 =	sshra.s32 s11, $0x2  }
0x14: {  	s11 =	sadd.s32 $0x40, s11;
	[tilespmem:s12+$0x2800] =	vst v0  }
0x15: {  	s11 =	simm.s32 $0x0  }
.LBB2_4:
0x16: {  	s12 =	sshra.s32 s11, $0x2  }
0x17: {  	v2 =	vld [tilespmem:s12+$0x0];
	_ =	sdelay $0x7  }
0x18: {  	[tilespmem:v2+s7+$0x0] =	vst.idx.add.f32.msk $0xffff, v1  }
0x19: {  	v2 =	vld [tilespmem:s12+$0x10];
	_ =	sdelay $0x7  }
0x1a: {  	[tilespmem:v2+s7+$0x0] =	vst.idx.add.f32.msk $0xffff, v1  }
0x1b: {  	v2 =	vld [tilespmem:s12+$0x20];
	_ =	sdelay $0x7  }
0x1c: {  	[tilespmem:v2+s7+$0x0] =	vst.idx.add.f32.msk $0xffff, v1  }
0x1d: {  	v2 =	vld [tilespmem:s12+$0x30];
	_ =	sdelay $0x7  }
0x1e: {  	[tilespmem:v2+s7+$0x0] =	vst.idx.add.f32.msk $0xffff, v1  }
0x1f: {  	v2 =	vld [tilespmem:s12+$0x40];
	_ =	sdelay $0x7  }
0x20: {  	[tilespmem:v2+s7+$0x0] =	vst.idx.add.f32.msk $0xffff, v1  }
0x21: {  	v2 =	vld [tilespmem:s12+$0x50];
	_ =	sdelay $0x7  }
0x22: {  	[tilespmem:v2+s7+$0x0] =	vst.idx.add.f32.msk $0xffff, v1  }
0x23: {  	v2 =	vld [tilespmem:s12+$0x60];
	_ =	sdelay $0x7  }
0x24: {  	[tilespmem:v2+s7+$0x0] =	vst.idx.add.f32.msk $0xffff, v1  }
0x25: {  	v2 =	vld [tilespmem:s12+$0x70];
	_ =	sdelay $0x2  }
0x26: {  	p0 =	sne.s32 s11, $0x9E00  }
.Ltmp1:
0x27: {  	_ = 	snop;
	(pc) =	sbr.rel @p0 .LBB2_4-.Ltmp1, $2  }
0x28: {  	_ =	sdelay $0x2  }
0x29: {  	s11 =	sadd.s32 $0x200, s11;
	[tilespmem:v2+s7+$0x0] =	vst.idx.add.f32.msk $0xffff, v1  }
0x2a: {  	s10 =	sadd.s32 $0x1, s10  }
0x2b: {  	p0 =	sne.s32 s10, s5  }
.Ltmp2:
0x2c: {  	_ = 	snop;
	(pc) =	sbr.rel @p0 .LBB2_1-.Ltmp2, $4  }
0x2d: {  	[hbm4b:s4+s8] =	stream.strided.scatter [tilespmem:s7], [sflag:$0x1], $0x2800, s9, s8, $0x38;
	[tilespmem:$0x5000] =	vst v63  }
0x2e: {  	_ =	swait.ge [sflag:s6], $0x2800  }
0x2f: {  	[sflag:s6] =	ssyncset.done $0x0  }
0x30: {  	[sflag:s6] =	ssyncadd.s32 $0xFFFFD800  }
0x31: {  	_ =	sfence.sel $0x180000  }
0x32: {  	[bflag:$0x0] =	sbarrier.arrive $0xFFFF  }
0x33: {  	p0 =	sne.s32 s0, $0x0;
	_ =	strace $0x90000047  }
0x34: {  	s0 =	sadd.s32 @!p0 $0x100000, s1;
	[bflag:$0x2] =	sbarrier.arrive $0xFFFF  }
0x35: {  	[sflag:s0] =	ssyncadd.tile.s32 @!p0 $0x1;
	_ =	shalt  }
.Lfunc_end2:
_tile_overlayer_lowered:
.L_overlay_start_2:
0x36: {  	(tag) =	ssettag $0x2  }
0x37: {  	s0 =	rddreg [dreg:$0x0];
	s2 =	stileid.u32  }
0x38: {  	s1 =	rddreg [dreg:$0x1];
	p0 =	sne.s32 s2, $0x0  }
0x39: {  	s3 =	rddreg [dreg:$0x2];
	[bflag:$0x3] =	sbarrier.arrive $0xFFFF;
	s2 =	simm.s32 @!p0 $0x1C01  }
0x3a: {  	[timem:s3], [sflag:s2] =	dma.local @!p0 [hbm:s0], s1  }
0x3b: {  	s0 =	simm.s32 @!p0 $0x1  }
0x3c: {  	_ =	swait.ge @!p0 [sflag:s0], s1  }
0x3d: {  	s1 =	ssub.s32 @!p0 $0x0, s1;
	[sflag:s0] =	ssyncset.done @!p0 $0x0  }
0x3e: {  	[sflag:s0] =	ssyncadd.s32 @!p0 s1  }
0x3f: {  	[bflag:$0x3] =	sbarrier.arrive $0xFFFF  }
0x40: {  	_ =	shalt  }

</sc_bundles>
